<compile_context>
chip_gen: v7x
topology: tpu7x:2x2x1
jax: 0.10.2.dev20260603
libtpu: 0.0.44.dev20260713+nightly
codegen_flags: <defaults>
</compile_context>

<pallas_src>
import numpy as np

import jax
import jax.numpy as jnp
from jax import lax
from jax.experimental import pallas as pl
from jax.experimental.pallas import tpu as pltpu
import jax.experimental.pallas.tpu_sc as plsc

N = 10000
E = 320000
D = 128
NS = 16
NC = 2
K = 64
SB = 32
SUP = 10
CHT = SB * SUP
EP = CHT * K
NP = 10240
STRIPE = NP // NS

_PERM = np.empty(D, np.int64)
for _q in range(D // 32):
    for _i in range(16):
        _PERM[_q * 32 + _i] = _q * 32 + 2 * _i
        _PERM[_q * 32 + 16 + _i] = _q * 32 + 2 * _i + 1
_PMAT = np.zeros((D, D), np.float32)
_PMAT[np.arange(D), _PERM] = 1.0


def _prologue_body(x_ref, w_ref, asrc_ref, adst_ref,
                   xp_ref, as_ref, ad_ref, mb_ref):
    xp = lax.dot_general(x_ref[0], w_ref[0], (((1,), (0,)), ((), ())),
                         precision=lax.Precision.HIGHEST,
                         preferred_element_type=jnp.float32)
    xp_ref[0] = xp
    s = jnp.sum(xp * asrc_ref[0, 0][None, :], axis=1)
    d = jnp.sum(xp * adst_ref[0, 0][None, :], axis=1)
    as_ref[...] = s[None, None, :]
    ad_ref[...] = d[None, None, :]
    m = jnp.max(s) + jnp.max(d)
    m = jnp.maximum(m, 0.2 * m)
    mb_ref[...] = jnp.full((1, 1, 16), m, jnp.float32)


def _sc_body(xpb, asf2, adf2, srcp, dstp, mbv,
             num_out, den_out,
             num_sp, den_sp,
             src_sb, dst_sb, rows_b, as_ch, ad_ch, out_v, w2, mb_v,
             gsem0, gsem1, gsem2, gsem3, ssem0, ssem1):
    c = lax.axis_index("c")
    s = lax.axis_index("s")
    gsem = (gsem0, gsem1, gsem2, gsem3)
    ssem = (ssem0, ssem1)

    def _zrow(i, _):
        for j in range(D // 16):
            out_v[0, i, pl.ds(j * 16, 16)] = jnp.zeros((16,), jnp.float32)
        return 0
    lax.fori_loop(0, K, _zrow, 0)
    for j in range(K // 16):
        w2[0, pl.ds(j * 16, 16)] = jnp.zeros((16,), jnp.float32)
    for k in range(STRIPE // K):
        pltpu.sync_copy(out_v.at[0], num_sp.at[pl.ds(s * STRIPE + k * K, K)])
        pltpu.sync_copy(w2.at[0], den_sp.at[pl.ds(s * STRIPE + k * K, K)])

    pltpu.sync_copy(mbv.at[pl.ds(c * 16, 16)], mb_v)
    mb = mb_v[...]

    plsc.subcore_barrier()

    lanes = lax.iota(jnp.int32, 16)

    def _stage(sup):
        pltpu.sync_copy(srcp.at[c, s, pl.ds(sup * SB, SB)], src_sb)
        pltpu.sync_copy(dstp.at[c, s, pl.ds(sup * SB, SB)], dst_sb)

    def _issue_gathers(b, row):
        pltpu.async_copy(xpb.at[c].at[src_sb.at[row]], rows_b.at[b], gsem[b])

    def _wait_gathers(b, row):
        pltpu.make_async_copy(xpb.at[c].at[src_sb.at[row]], rows_b.at[b],
                              gsem[b]).wait()

    def _issue_scatter(b, row):
        pltpu.async_copy(out_v.at[b], num_sp.at[dst_sb.at[row]], ssem[b],
                         add=True)
        pltpu.async_copy(w2.at[b], den_sp.at[dst_sb.at[row]], ssem[b],
                         add=True)

    def _wait_scatter(b):
        pltpu.make_async_copy(out_v.at[b], num_sp.at[dst_sb.at[0]],
                              ssem[b]).wait()
        pltpu.make_async_copy(w2.at[b], den_sp.at[dst_sb.at[0]],
                              ssem[b]).wait()

    _stage(0)
    for b in range(3):
        _issue_gathers(b, b)

    def _chunk(j, _):
        p = j & 1
        jj = j & 3
        jm = lax.rem(j, SB)
        nj = j + 1
        boundary = jm == SB - 1
        notlast = nj < CHT
        t = j + 3

        @pl.when((jm <= SB - 4) & (t < CHT))
        def _():
            for q in range(4):
                @pl.when(jj == q)
                def _(q=q):
                    _issue_gathers((q + 3) % 4, jm + 3)

        for q in range(4):
            @pl.when(jj == q)
            def _(q=q):
                _wait_gathers(q, jm)

        @pl.when(jm >= 2)
        def _():
            @pl.when(p == 0)
            def _():
                _wait_scatter(0)

            @pl.when(p == 1)
            def _():
                _wait_scatter(1)

        base = s * EP + j * K
        for g in range(K // 16):
            sl = pl.ds(g * 16, 16)
            z = as_ch[jj, sl] + ad_ch[jj, sl]
            w = jnp.exp(jnp.maximum(z, 0.2 * z) - mb)
            gid = base + g * 16 + lanes
            w2[p, sl] = jnp.where(gid < E, w, 0.0)

        @plsc.parallel_loop(0, K, unroll=4)
        def _row(r):
            wb = plsc.load_gather(w2.at[p], [jnp.full((16,), r, jnp.int32)])
            for q in range(D // 32):
                v = rows_b[jj, r, pl.ds(q * 16, 16)]
                bfv = plsc.bitcast(v, jnp.bfloat16)
                a, b = plsc.unpack(bfv, format=plsc.PackFormat.INTERLEAVED)
                out_v[p, r, pl.ds(q * 32, 16)] = a * wb
                out_v[p, r, pl.ds(q * 32 + 16, 16)] = b * wb

        @pl.when(p == 0)
        def _():
            _issue_scatter(0, jm)

        @pl.when(p == 1)
        def _():
            _issue_scatter(1, jm)

        @pl.when(boundary & notlast)
        def _():
            _wait_scatter(0)
            _wait_scatter(1)
            _stage(nj // SB)
            for b in range(3):
                _issue_gathers(b, b)

        return 0

    lax.fori_loop(0, CHT, _chunk, 0)

    _wait_scatter(0)
    _wait_scatter(1)

    plsc.subcore_barrier()

    pltpu.sync_copy(num_sp.at[pl.ds(s * STRIPE, STRIPE)],
                    num_out.at[c, pl.ds(s * STRIPE, STRIPE)])
    pltpu.sync_copy(den_sp.at[pl.ds(s * STRIPE, STRIPE)],
                    den_out.at[c, pl.ds(s * STRIPE, STRIPE)])


def _epilogue_body(num_ref, den_ref, xp_ref, as_ref, ad_ref, mb_ref, b_ref,
                   pm_ref, o_ref):
    z = as_ref[0, 0] + ad_ref[0, 0]
    ws = jnp.exp(jnp.maximum(z, 0.2 * z) - mb_ref[0, 0, 0])
    den = den_ref[0, 0] + ws + 1e-16
    num = lax.dot_general(num_ref[0], pm_ref[...], (((1,), (0,)), ((), ())),
                          precision=lax.Precision.HIGHEST,
                          preferred_element_type=jnp.float32)
    num = num + ws[:, None] * xp_ref[0]
    o_ref[0] = jnp.maximum(num / den[:, None] + b_ref[0, 0][None, :], 0.0)


def kernel(x_user, edge_index_user, x_item, edge_index_item,
           W_user, a_src_user, a_dst_user, b_user,
           W_item, a_src_item, a_dst_item, b_item):
    f32 = jnp.float32

    xs = jnp.stack([x_user, x_item])
    Ws = jnp.stack([W_user, W_item])
    aS = jnp.stack([a_src_user, a_src_item]).reshape(2, 1, D)
    aD = jnp.stack([a_dst_user, a_dst_item]).reshape(2, 1, D)

    xp, asf, adf, mbv = pl.pallas_call(
        _prologue_body,
        grid=(2,),
        in_specs=[
            pl.BlockSpec((1, N, D), lambda g: (g, 0, 0)),
            pl.BlockSpec((1, D, D), lambda g: (g, 0, 0)),
            pl.BlockSpec((1, 1, D), lambda g: (g, 0, 0)),
            pl.BlockSpec((1, 1, D), lambda g: (g, 0, 0)),
        ],
        out_specs=[
            pl.BlockSpec((1, N, D), lambda g: (g, 0, 0)),
            pl.BlockSpec((1, 1, N), lambda g: (g, 0, 0)),
            pl.BlockSpec((1, 1, N), lambda g: (g, 0, 0)),
            pl.BlockSpec((1, 1, 16), lambda g: (g, 0, 0)),
        ],
        out_shape=[
            jax.ShapeDtypeStruct((2, N, D), f32),
            jax.ShapeDtypeStruct((2, 1, N), f32),
            jax.ShapeDtypeStruct((2, 1, N), f32),
            jax.ShapeDtypeStruct((2, 1, 16), f32),
        ],
    )(xs, Ws, aS, aD)

    pad = NS * EP - E
    i32 = jnp.int32
    srcp = jnp.stack([jnp.pad(edge_index_user[0].astype(i32), (0, pad)),
                      jnp.pad(edge_index_item[0].astype(i32), (0, pad))]
                     ).reshape(2, NS, CHT, K)
    dstp = jnp.stack([jnp.pad(edge_index_user[1].astype(i32), (0, pad)),
                      jnp.pad(edge_index_item[1].astype(i32), (0, pad))]
                     ).reshape(2, NS, CHT, K)
    xpb = lax.bitcast_convert_type(
        xp.astype(jnp.bfloat16).reshape(2, N, D // 2, 2), i32)
    asf2 = asf.reshape(2, N)
    adf2 = adf.reshape(2, N)
    mbf = mbv.reshape(2 * 16)

    mesh = plsc.VectorSubcoreMesh(core_axis_name="c", subcore_axis_name="s",
                                  num_cores=NC, num_subcores=NS)
    sc_call = pl.kernel(
        _sc_body,
        out_type=(
            jax.ShapeDtypeStruct((2, NP, D), f32),
            jax.ShapeDtypeStruct((2, NP), f32),
        ),
        mesh=mesh,
        compiler_params=pltpu.CompilerParams(needs_layout_passes=False,
                                             use_tc_tiling_on_sc=False),
        scratch_types=(
            pltpu.VMEM_SHARED((NP, D), f32),
            pltpu.VMEM_SHARED((NP,), f32),
            pltpu.VMEM((SB, K), i32),
            pltpu.VMEM((SB, K), i32),
            pltpu.VMEM((4, K, D // 2), i32),
            pltpu.VMEM((4, K), f32),
            pltpu.VMEM((4, K), f32),
            pltpu.VMEM((2, K, D), f32),
            pltpu.VMEM((2, K), f32),
            pltpu.VMEM((16,), f32),
            pltpu.SemaphoreType.DMA,
            pltpu.SemaphoreType.DMA,
            pltpu.SemaphoreType.DMA,
            pltpu.SemaphoreType.DMA,
            pltpu.SemaphoreType.DMA,
            pltpu.SemaphoreType.DMA,
        ),
    )
    num, den = sc_call(xpb, asf2, adf2, srcp, dstp, mbf)

    R = 2048
    RB = NP // R
    bs = jnp.stack([b_user, b_item]).reshape(2, 1, D)
    den3 = den.reshape(2, 1, NP)
    pmat = jnp.asarray(_PMAT)
    out = pl.pallas_call(
        _epilogue_body,
        grid=(2, RB),
        in_specs=[
            pl.BlockSpec((1, R, D), lambda g, r: (g, r, 0)),
            pl.BlockSpec((1, 1, R), lambda g, r: (g, 0, r)),
            pl.BlockSpec((1, R, D), lambda g, r: (g, r, 0)),
            pl.BlockSpec((1, 1, R), lambda g, r: (g, 0, r)),
            pl.BlockSpec((1, 1, R), lambda g, r: (g, 0, r)),
            pl.BlockSpec((1, 1, 16), lambda g, r: (g, 0, 0)),
            pl.BlockSpec((1, 1, D), lambda g, r: (g, 0, 0)),
            pl.BlockSpec((D, D), lambda g, r: (0, 0)),
        ],
        out_specs=pl.BlockSpec((1, R, D), lambda g, r: (g, r, 0)),
        out_shape=jax.ShapeDtypeStruct((2, N, D), f32),
    )(num, den3, xp, asf, adf, mbv, bs, pmat)

    return out.reshape(2 * N, D)

# --- scband reference (transcript-rebuilt; emitter-appended) ---
"""Pipeline reference for scband-hetero-gat-67095979098387 (READ-ONLY COPY).

The authoritative reference and input builder live on the scoring server;
editing this copy changes nothing except your own understanding.
"""

import jax, jax.numpy as jnp
import numpy as np


def _gat_conv(x, edge_index, W, a_src, a_dst, b):
    # Single-head GATConv (PyG defaults: add_self_loops=True, negative_slope=0.2)
    N = x.shape[0]
    loops = jnp.arange(N, dtype=edge_index.dtype)
    ei = jnp.concatenate([edge_index, jnp.stack([loops, loops])], axis=1)
    src = ei[0]
    dst = ei[1]
    xp = x @ W  # [N, d_out]
    alpha_src = xp @ a_src  # [N]
    alpha_dst = xp @ a_dst  # [N]
    e = jax.nn.leaky_relu(alpha_src[src] + alpha_dst[dst], negative_slope=0.2)
    # segment softmax over destination nodes
    m = jax.ops.segment_max(e, dst, num_segments=N)
    ex = jnp.exp(e - m[dst])
    denom = jax.ops.segment_sum(ex, dst, num_segments=N)
    alpha = ex / (denom[dst] + 1e-16)
    out = jax.ops.segment_sum(alpha[:, None] * xp[src], dst, num_segments=N)
    return out + b


def setup_inputs(seed: int = 0):
    key = jax.random.key(seed)
    ks = jax.random.split(key, 12)
    N = 10000
    E = 320000
    d_in = 128
    d_out = 128
    scale = 1.0 / np.sqrt(d_in)
    x_user = jax.random.normal(ks[0], (N, d_in), dtype=jnp.float32)
    x_item = jax.random.normal(ks[1], (N, d_in), dtype=jnp.float32)
    edge_index_user = jax.random.randint(ks[2], (2, E), 0, N)
    edge_index_item = jax.random.randint(ks[3], (2, E), 0, N)
    W_user = jax.random.normal(ks[4], (d_in, d_out), dtype=jnp.float32) * scale
    a_src_user = jax.random.normal(ks[5], (d_out,), dtype=jnp.float32) * scale
    a_dst_user = jax.random.normal(ks[6], (d_out,), dtype=jnp.float32) * scale
    b_user = jnp.zeros((d_out,), dtype=jnp.float32)
    W_item = jax.random.normal(ks[7], (d_in, d_out), dtype=jnp.float32) * scale
    a_src_item = jax.random.normal(ks[8], (d_out,), dtype=jnp.float32) * scale
    a_dst_item = jax.random.normal(ks[9], (d_out,), dtype=jnp.float32) * scale
    b_item = jnp.zeros((d_out,), dtype=jnp.float32)
    return {
        "x_user": x_user,
        "edge_index_user": edge_index_user,
        "x_item": x_item,
        "edge_index_item": edge_index_item,
        "W_user": W_user,
        "a_src_user": a_src_user,
        "a_dst_user": a_dst_user,
        "b_user": b_user,
        "W_item": W_item,
        "a_src_item": a_src_item,
        "a_dst_item": a_dst_item,
        "b_item": b_item,
    }


def reference(x_user, edge_index_user, x_item, edge_index_item, W_user, a_src_user, a_dst_user, b_user, W_item, a_src_item, a_dst_item, b_item):
    out_u = jax.nn.relu(_gat_conv(x_user, edge_index_user, W_user, a_src_user, a_dst_user, b_user))
    out_i = jax.nn.relu(_gat_conv(x_item, edge_index_item, W_item, a_src_item, a_dst_item, b_item))
    # HeteroData is flattened: stack updated per-type node features into one array
    return jnp.concatenate([out_u, out_i], axis=0)

if __name__ == "__main__":
    import jax
    _d = setup_inputs()
    print(jax.jit(kernel)(*tuple(_d.values())))

</pallas_src>

<mosaic_0001>
#map = affine_map<(d0, d1) -> (0, 0, 0)>
#map1 = affine_map<(d0, d1) -> (0, 0)>
#map2 = affine_map<(d0, d1) -> (0, 0, 0, 0)>
#map3 = affine_map<(d0, d1) -> (0)>
module attributes {stable_mosaic.version = 14 : i64} {
  func.func @_sc_body(%arg0: i32, %arg1: i32, %arg2: memref<2x10000x64xi32, #tpu.memory_space<hbm>>, %arg3: memref<2x10000xf32, #tpu.memory_space<hbm>>, %arg4: memref<2x10000xf32, #tpu.memory_space<hbm>>, %arg5: memref<2x16x320x64xi32, #tpu.memory_space<hbm>>, %arg6: memref<2x16x320x64xi32, #tpu.memory_space<hbm>>, %arg7: memref<32xf32, #tpu.memory_space<hbm>>, %arg8: memref<2x10240x128xf32, #tpu.memory_space<hbm>>, %arg9: memref<2x10240xf32, #tpu.memory_space<hbm>>, %arg10: memref<10240x128xf32, #tpu.memory_space<vmem_shared>>, %arg11: memref<10240xf32, #tpu.memory_space<vmem_shared>>, %arg12: memref<32x64xi32, #tpu.memory_space<vmem>>, %arg13: memref<32x64xi32, #tpu.memory_space<vmem>>, %arg14: memref<4x64x64xi32, #tpu.memory_space<vmem>>, %arg15: memref<4x64xf32, #tpu.memory_space<vmem>>, %arg16: memref<4x64xf32, #tpu.memory_space<vmem>>, %arg17: memref<2x64x128xf32, #tpu.memory_space<vmem>>, %arg18: memref<2x64xf32, #tpu.memory_space<vmem>>, %arg19: memref<16xf32, #tpu.memory_space<vmem>>, %arg20: memref<!tpu.dma_semaphore, #tpu.memory_space<semaphore_mem>>, %arg21: memref<!tpu.dma_semaphore, #tpu.memory_space<semaphore_mem>>, %arg22: memref<!tpu.dma_semaphore, #tpu.memory_space<semaphore_mem>>, %arg23: memref<!tpu.dma_semaphore, #tpu.memory_space<semaphore_mem>>, %arg24: memref<!tpu.dma_semaphore, #tpu.memory_space<semaphore_mem>>, %arg25: memref<!tpu.dma_semaphore, #tpu.memory_space<semaphore_mem>>) attributes {dimension_semantics = [#tpu.dimension_semantics<core_parallel>, #tpu.dimension_semantics<subcore_parallel>], iteration_bounds = array<i64: 2, 16>, scalar_prefetch = 0 : i64, scratch_operands = 16 : i64, tpu.core_type = #tpu.core_type<sc_vector_subcore>, window_params = [{transform_indices = #map}, {transform_indices = #map1}, {transform_indices = #map1}, {transform_indices = #map2}, {transform_indices = #map2}, {transform_indices = #map3}, {transform_indices = #map}, {transform_indices = #map1}]} {
    %scan3A = arith.constant 0 : i32
    %scan3A_0 = arith.constant 0 : i32
    %scan3A_1 = arith.constant 64 : i32
    %scan3A_2 = arith.addi %scan3A_0, %scan3A_1 : i32
    %scan3A_3 = arith.constant 1 : i32
    %scan3A_4 = scf.for %scan3A_234 = %scan3A_0 to %scan3A_2 step %scan3A_3 iter_args(%scan3A_235 = %scan3A) -> (i32)  : i32 {
      %broadcast_in_dim3A_236 = arith.constant 0.000000e+00 : f32
      %broadcast_in_dim3A_237 = vector.broadcast %broadcast_in_dim3A_236 : f32 to vector<16xf32>
      %swap3A_238 = arith.constant 0 : i32
      %swap3A_239 = arith.index_cast %swap3A_238 : i32 to index
      %swap3A_240 = arith.index_cast %scan3A_234 : i32 to index
      %swap3A_241 = arith.constant 0 : index
      %swap3A_242 = tpu.vector_load %arg17[%swap3A_239, %swap3A_240, %swap3A_241] {strides = array<i32>} : memref<2x64x128xf32, #tpu.memory_space<vmem>>, vector<16xf32>,
      tpu.vector_store %arg17[%swap3A_239, %swap3A_240, %swap3A_241], %broadcast_in_dim3A_237 {strides = array<i32>} : memref<2x64x128xf32, #tpu.memory_space<vmem>>, vector<16xf32>,
      %broadcast_in_dim3A_243 = arith.constant 0.000000e+00 : f32
      %broadcast_in_dim3A_244 = vector.broadcast %broadcast_in_dim3A_243 : f32 to vector<16xf32>
      %swap3A_245 = arith.constant 0 : i32
      %swap3A_246 = arith.index_cast %swap3A_245 : i32 to index
      %swap3A_247 = arith.index_cast %scan3A_234 : i32 to index
      %swap3A_248 = arith.constant 16 : index
      %swap3A_249 = tpu.vector_load %arg17[%swap3A_246, %swap3A_247, %swap3A_248] {strides = array<i32>} : memref<2x64x128xf32, #tpu.memory_space<vmem>>, vector<16xf32>,
      tpu.vector_store %arg17[%swap3A_246, %swap3A_247, %swap3A_248], %broadcast_in_dim3A_244 {strides = array<i32>} : memref<2x64x128xf32, #tpu.memory_space<vmem>>, vector<16xf32>,
      %broadcast_in_dim3A_250 = arith.constant 0.000000e+00 : f32
      %broadcast_in_dim3A_251 = vector.broadcast %broadcast_in_dim3A_250 : f32 to vector<16xf32>
      %swap3A_252 = arith.constant 0 : i32
      %swap3A_253 = arith.index_cast %swap3A_252 : i32 to index
      %swap3A_254 = arith.index_cast %scan3A_234 : i32 to index
      %swap3A_255 = arith.constant 32 : index
      %swap3A_256 = tpu.vector_load %arg17[%swap3A_253, %swap3A_254, %swap3A_255] {strides = array<i32>} : memref<2x64x128xf32, #tpu.memory_space<vmem>>, vector<16xf32>,
      tpu.vector_store %arg17[%swap3A_253, %swap3A_254, %swap3A_255], %broadcast_in_dim3A_251 {strides = array<i32>} : memref<2x64x128xf32, #tpu.memory_space<vmem>>, vector<16xf32>,
      %broadcast_in_dim3A_257 = arith.constant 0.000000e+00 : f32
      %broadcast_in_dim3A_258 = vector.broadcast %broadcast_in_dim3A_257 : f32 to vector<16xf32>
      %swap3A_259 = arith.constant 0 : i32
      %swap3A_260 = arith.index_cast %swap3A_259 : i32 to index
      %swap3A_261 = arith.index_cast %scan3A_234 : i32 to index
      %swap3A_262 = arith.constant 48 : index
      %swap3A_263 = tpu.vector_load %arg17[%swap3A_260, %swap3A_261, %swap3A_262] {strides = array<i32>} : memref<2x64x128xf32, #tpu.memory_space<vmem>>, vector<16xf32>,
      tpu.vector_store %arg17[%swap3A_260, %swap3A_261, %swap3A_262], %broadcast_in_dim3A_258 {strides = array<i32>} : memref<2x64x128xf32, #tpu.memory_space<vmem>>, vector<16xf32>,
      %broadcast_in_dim3A_264 = arith.constant 0.000000e+00 : f32
      %broadcast_in_dim3A_265 = vector.broadcast %broadcast_in_dim3A_264 : f32 to vector<16xf32>
      %swap3A_266 = arith.constant 0 : i32
      %swap3A_267 = arith.index_cast %swap3A_266 : i32 to index
      %swap3A_268 = arith.index_cast %scan3A_234 : i32 to index
      %swap3A_269 = arith.constant 64 : index
      %swap3A_270 = tpu.vector_load %arg17[%swap3A_267, %swap3A_268, %swap3A_269] {strides = array<i32>} : memref<2x64x128xf32, #tpu.memory_space<vmem>>, vector<16xf32>,
      tpu.vector_store %arg17[%swap3A_267, %swap3A_268, %swap3A_269], %broadcast_in_dim3A_265 {strides = array<i32>} : memref<2x64x128xf32, #tpu.memory_space<vmem>>, vector<16xf32>,
      %broadcast_in_dim3A_271 = arith.constant 0.000000e+00 : f32
      %broadcast_in_dim3A_272 = vector.broadcast %broadcast_in_dim3A_271 : f32 to vector<16xf32>
      %swap3A_273 = arith.constant 0 : i32
      %swap3A_274 = arith.index_cast %swap3A_273 : i32 to index
      %swap3A_275 = arith.index_cast %scan3A_234 : i32 to index
      %swap3A_276 = arith.constant 80 : index
      %swap3A_277 = tpu.vector_load %arg17[%swap3A_274, %swap3A_275, %swap3A_276] {strides = array<i32>} : memref<2x64x128xf32, #tpu.memory_space<vmem>>, vector<16xf32>,
      tpu.vector_store %arg17[%swap3A_274, %swap3A_275, %swap3A_276], %broadcast_in_dim3A_272 {strides = array<i32>} : memref<2x64x128xf32, #tpu.memory_space<vmem>>, vector<16xf32>,
      %broadcast_in_dim3A_278 = arith.constant 0.000000e+00 : f32
      %broadcast_in_dim3A_279 = vector.broadcast %broadcast_in_dim3A_278 : f32 to vector<16xf32>
      %swap3A_280 = arith.constant 0 : i32
      %swap3A_281 = arith.index_cast %swap3A_280 : i32 to index
      %swap3A_282 = arith.index_cast %scan3A_234 : i32 to index
      %swap3A_283 = arith.constant 96 : index
      %swap3A_284 = tpu.vector_load %arg17[%swap3A_281, %swap3A_282, %swap3A_283] {strides = array<i32>} : memref<2x64x128xf32, #tpu.memory_space<vmem>>, vector<16xf32>,
      tpu.vector_store %arg17[%swap3A_281, %swap3A_282, %swap3A_283], %broadcast_in_dim3A_279 {strides = array<i32>} : memref<2x64x128xf32, #tpu.memory_space<vmem>>, vector<16xf32>,
      %broadcast_in_dim3A_285 = arith.constant 0.000000e+00 : f32
      %broadcast_in_dim3A_286 = vector.broadcast %broadcast_in_dim3A_285 : f32 to vector<16xf32>
      %swap3A_287 = arith.constant 0 : i32
      %swap3A_288 = arith.index_cast %swap3A_287 : i32 to index
      %swap3A_289 = arith.index_cast %scan3A_234 : i32 to index
      %swap3A_290 = arith.constant 112 : index
      %swap3A_291 = tpu.vector_load %arg17[%swap3A_288, %swap3A_289, %swap3A_290] {strides = array<i32>} : memref<2x64x128xf32, #tpu.memory_space<vmem>>, vector<16xf32>,
      tpu.vector_store %arg17[%swap3A_288, %swap3A_289, %swap3A_290], %broadcast_in_dim3A_286 {strides = array<i32>} : memref<2x64x128xf32, #tpu.memory_space<vmem>>, vector<16xf32>,
      %scan3A_292 = arith.constant 0 : i32
      scf.yield %scan3A_292 : i32
    }
    %scan3A_5 = arith.constant 64 : i32
    %broadcast_in_dim3A = arith.constant 0.000000e+00 : f32
    %broadcast_in_dim3A_6 = vector.broadcast %broadcast_in_dim3A : f32 to vector<16xf32>
    %swap3A = arith.constant 0 : i32
    %swap3A_7 = arith.index_cast %swap3A : i32 to index
    %swap3A_8 = arith.constant 0 : index
    %swap3A_9 = tpu.vector_load %arg18[%swap3A_7, %swap3A_8] {strides = array<i32>} : memref<2x64xf32, #tpu.memory_space<vmem>>, vector<16xf32>,
    tpu.vector_store %arg18[%swap3A_7, %swap3A_8], %broadcast_in_dim3A_6 {strides = array<i32>} : memref<2x64xf32, #tpu.memory_space<vmem>>, vector<16xf32>,
    %broadcast_in_dim3A_10 = arith.constant 0.000000e+00 : f32
    %broadcast_in_dim3A_11 = vector.broadcast %broadcast_in_dim3A_10 : f32 to vector<16xf32>
    %swap3A_12 = arith.constant 0 : i32
    %swap3A_13 = arith.index_cast %swap3A_12 : i32 to index
    %swap3A_14 = arith.constant 16 : index
    %swap3A_15 = tpu.vector_load %arg18[%swap3A_13, %swap3A_14] {strides = array<i32>} : memref<2x64xf32, #tpu.memory_space<vmem>>, vector<16xf32>,
    tpu.vector_store %arg18[%swap3A_13, %swap3A_14], %broadcast_in_dim3A_11 {strides = array<i32>} : memref<2x64xf32, #tpu.memory_space<vmem>>, vector<16xf32>,
    %broadcast_in_dim3A_16 = arith.constant 0.000000e+00 : f32
    %broadcast_in_dim3A_17 = vector.broadcast %broadcast_in_dim3A_16 : f32 to vector<16xf32>
    %swap3A_18 = arith.constant 0 : i32
    %swap3A_19 = arith.index_cast %swap3A_18 : i32 to index
    %swap3A_20 = arith.constant 32 : index
    %swap3A_21 = tpu.vector_load %arg18[%swap3A_19, %swap3A_20] {strides = array<i32>} : memref<2x64xf32, #tpu.memory_space<vmem>>, vector<16xf32>,
    tpu.vector_store %arg18[%swap3A_19, %swap3A_20], %broadcast_in_dim3A_17 {strides = array<i32>} : memref<2x64xf32, #tpu.memory_space<vmem>>, vector<16xf32>,
    %broadcast_in_dim3A_22 = arith.constant 0.000000e+00 : f32
    %broadcast_in_dim3A_23 = vector.broadcast %broadcast_in_dim3A_22 : f32 to vector<16xf32>
    %swap3A_24 = arith.constant 0 : i32
    %swap3A_25 = arith.index_cast %swap3A_24 : i32 to index
    %swap3A_26 = arith.constant 48 : index
    %swap3A_27 = tpu.vector_load %arg18[%swap3A_25, %swap3A_26] {strides = array<i32>} : memref<2x64xf32, #tpu.memory_space<vmem>>, vector<16xf32>,
    tpu.vector_store %arg18[%swap3A_25, %swap3A_26], %broadcast_in_dim3A_23 {strides = array<i32>} : memref<2x64xf32, #tpu.memory_space<vmem>>, vector<16xf32>,
    %mul3A = arith.constant 640 : i32
    %mul3A_28 = arith.muli %arg1, %mul3A : i32
    %add3A = arith.constant 0 : i32
    %add3A_29 = arith.addi %mul3A_28, %add3A : i32
    %run_scoped3A = arith.constant 0 : i32
    "tpu.region"() ({
      %run_scoped3A_234 = tpu.sem_alloc : memref<!tpu.dma_semaphore, #tpu.memory_space<semaphore_mem>>
      %dma_start3A_235 = arith.constant 0 : i32
      %dma_start3A_236 = arith.constant 0 : i32
      %dma_start3A_237 = tpu.memref_slice %arg17[%run_scoped3A, %dma_start3A_235, %dma_start3A_236] : memref<2x64x128xf32, #tpu.memory_space<vmem>> -> memref<1x64x128xf32, #tpu.memory_space<vmem>>
      %dma_start3A_238 = tpu.memref_squeeze %dma_start3A_237 : memref<1x64x128xf32, #tpu.memory_space<vmem>> -> memref<64x128xf32, #tpu.memory_space<vmem>>
      %dma_start3A_239 = arith.constant 0 : i32
      %dma_start3A_240 = tpu.memref_slice %arg10[%add3A_29, %dma_start3A_239] : memref<10240x128xf32, #tpu.memory_space<vmem_shared>> -> memref<64x128xf32, #tpu.memory_space<vmem_shared>>
      %dma_start3A_241 = arith.constant 0 : i32
      %dma_start3A_242 = tpu.memref_slice %arg10[%add3A_29, %dma_start3A_241] : memref<10240x128xf32, #tpu.memory_space<vmem_shared>> -> memref<64x128xf32, #tpu.memory_space<vmem_shared>>
      %dma_start3A_243 = arith.constant 0 : i32
      %dma_start3A_244 = arith.constant 0 : i32
      %dma_start3A_245 = tpu.memref_slice %arg17[%run_scoped3A, %dma_start3A_243, %dma_start3A_244] : memref<2x64x128xf32, #tpu.memory_space<vmem>> -> memref<1x64x128xf32, #tpu.memory_space<vmem>>
      %dma_start3A_246 = tpu.memref_squeeze %dma_start3A_245 : memref<1x64x128xf32, #tpu.memory_space<vmem>> -> memref<64x128xf32, #tpu.memory_space<vmem>>
      tpu.enqueue_dma source(%dma_start3A_246 : memref<64x128xf32, #tpu.memory_space<vmem>>) target(%dma_start3A_242 : memref<64x128xf32, #tpu.memory_space<vmem_shared>>) target_semaphore(%run_scoped3A_234 : memref<!tpu.dma_semaphore, #tpu.memory_space<semaphore_mem>>)
      %dma_wait3A_247 = arith.constant 0 : i32
      %dma_wait3A_248 = arith.constant 0 : i32
      %dma_wait3A_249 = tpu.memref_slice %arg17[%run_scoped3A, %dma_wait3A_247, %dma_wait3A_248] : memref<2x64x128xf32, #tpu.memory_space<vmem>> -> memref<1x64x128xf32, #tpu.memory_space<vmem>>
      %dma_wait3A_250 = tpu.memref_squeeze %dma_wait3A_249 : memref<1x64x128xf32, #tpu.memory_space<vmem>> -> memref<64x128xf32, #tpu.memory_space<vmem>>
      %dma_wait3A_251 = arith.constant 0 : i32
      %dma_wait3A_252 = tpu.memref_slice %arg10[%add3A_29, %dma_wait3A_251] : memref<10240x128xf32, #tpu.memory_space<vmem_shared>> -> memref<64x128xf32, #tpu.memory_space<vmem_shared>>
      %dma_wait3A_253 = arith.constant 0 : i32
      %dma_wait3A_254 = tpu.memref_slice %arg10[%add3A_29, %dma_wait3A_253] : memref<10240x128xf32, #tpu.memory_space<vmem_shared>> -> memref<64x128xf32, #tpu.memory_space<vmem_shared>>
      %dma_wait3A_255 = arith.constant 0 : i32
      %dma_wait3A_256 = arith.constant 0 : i32
      %dma_wait3A_257 = tpu.memref_slice %arg17[%run_scoped3A, %dma_wait3A_255, %dma_wait3A_256] : memref<2x64x128xf32, #tpu.memory_space<vmem>> -> memref<1x64x128xf32, #tpu.memory_space<vmem>>
      %dma_wait3A_258 = tpu.memref_squeeze %dma_wait3A_257 : memref<1x64x128xf32, #tpu.memory_space<vmem>> -> memref<64x128xf32, #tpu.memory_space<vmem>>
      tpu.wait_dma2 semaphore(%run_scoped3A_234 : memref<!tpu.dma_semaphore, #tpu.memory_space<semaphore_mem>>) src(%dma_wait3A_258 : memref<64x128xf32, #tpu.memory_space<vmem>>) dst(%dma_wait3A_254 : memref<64x128xf32, #tpu.memory_space<vmem_shared>>)
      tpu.yield
    }) : () -> ()
    %mul3A_30 = arith.constant 640 : i32
    %mul3A_31 = arith.muli %arg1, %mul3A_30 : i32
    %add3A_32 = arith.constant 0 : i32
    %add3A_33 = arith.addi %mul3A_31, %add3A_32 : i32
    %run_scoped3A_34 = arith.constant 0 : i32
    "tpu.region"() ({
      %run_scoped3A_234 = tpu.sem_alloc : memref<!tpu.dma_semaphore, #tpu.memory_space<semaphore_mem>>
      %dma_start3A_235 = arith.constant 0 : i32
      %dma_start3A_236 = tpu.memref_slice %arg18[%run_scoped3A_34, %dma_start3A_235] : memref<2x64xf32, #tpu.memory_space<vmem>> -> memref<1x64xf32, #tpu.memory_space<vmem>>
      %dma_start3A_237 = tpu.memref_squeeze %dma_start3A_236 : memref<1x64xf32, #tpu.memory_space<vmem>> -> memref<64xf32, #tpu.memory_space<vmem>>
      %dma_start3A_238 = tpu.memref_slice %arg11[%add3A_33] : memref<10240xf32, #tpu.memory_space<vmem_shared>> -> memref<64xf32, #tpu.memory_space<vmem_shared>>
      %dma_start3A_239 = tpu.memref_slice %arg11[%add3A_33] : memref<10240xf32, #tpu.memory_space<vmem_shared>> -> memref<64xf32, #tpu.memory_space<vmem_shared>>
      %dma_start3A_240 = arith.constant 0 : i32
      %dma_start3A_241 = tpu.memref_slice %arg18[%run_scoped3A_34, %dma_start3A_240] : memref<2x64xf32, #tpu.memory_space<vmem>> -> memref<1x64xf32, #tpu.memory_space<vmem>>
      %dma_start3A_242 = tpu.memref_squeeze %dma_start3A_241 : memref<1x64xf32, #tpu.memory_space<vmem>> -> memref<64xf32, #tpu.memory_space<vmem>>
      tpu.enqueue_dma source(%dma_start3A_242 : memref<64xf32, #tpu.memory_space<vmem>>) target(%dma_start3A_239 : memref<64xf32, #tpu.memory_space<vmem_shared>>) target_semaphore(%run_scoped3A_234 : memref<!tpu.dma_semaphore, #tpu.memory_space<semaphore_mem>>)
      %dma_wait3A_243 = arith.constant 0 : i32
      %dma_wait3A_244 = tpu.memref_slice %arg18[%run_scoped3A_34, %dma_wait3A_243] : memref<2x64xf32, #tpu.memory_space<vmem>> -> memref<1x64xf32, #tpu.memory_space<vmem>>
      %dma_wait3A_245 = tpu.memref_squeeze %dma_wait3A_244 : memref<1x64xf32, #tpu.memory_space<vmem>> -> memref<64xf32, #tpu.memory_space<vmem>>
      %dma_wait3A_246 = tpu.memref_slice %arg11[%add3A_33] : memref<10240xf32, #tpu.memory_space<vmem_shared>> -> memref<64xf32, #tpu.memory_space<vmem_shared>>
      %dma_wait3A_247 = tpu.memref_slice %arg11[%add3A_33] : memref<10240xf32, #tpu.memory_space<vmem_shared>> -> memref<64xf32, #tpu.memory_space<vmem_shared>>
      %dma_wait3A_248 = arith.constant 0 : i32
      %dma_wait3A_249 = tpu.memref_slice %arg18[%run_scoped3A_34, %dma_wait3A_248] : memref<2x64xf32, #tpu.memory_space<vmem>> -> memref<1x64xf32, #tpu.memory_space<vmem>>
      %dma_wait3A_250 = tpu.memref_squeeze %dma_wait3A_249 : memref<1x64xf32, #tpu.memory_space<vmem>> -> memref<64xf32, #tpu.memory_space<vmem>>
      tpu.wait_dma2 semaphore(%run_scoped3A_234 : memref<!tpu.dma_semaphore, #tpu.memory_space<semaphore_mem>>) src(%dma_wait3A_250 : memref<64xf32, #tpu.memory_space<vmem>>) dst(%dma_wait3A_247 : memref<64xf32, #tpu.memory_space<vmem_shared>>)
      tpu.yield
    }) : () -> ()
    %mul3A_35 = arith.constant 640 : i32
    %mul3A_36 = arith.muli %arg1, %mul3A_35 : i32
    %add3A_37 = arith.constant 64 : i32
    %add3A_38 = arith.addi %mul3A_36, %add3A_37 : i32
    %run_scoped3A_39 = arith.constant 0 : i32
    "tpu.region"() ({
      %run_scoped3A_234 = tpu.sem_alloc : memref<!tpu.dma_semaphore, #tpu.memory_space<semaphore_mem>>
      %dma_start3A_235 = arith.constant 0 : i32
      %dma_start3A_236 = arith.constant 0 : i32
      %dma_start3A_237 = tpu.memref_slice %arg17[%run_scoped3A_39, %dma_start3A_235, %dma_start3A_236] : memref<2x64x128xf32, #tpu.memory_space<vmem>> -> memref<1x64x128xf32, #tpu.memory_space<vmem>>
      %dma_start3A_238 = tpu.memref_squeeze %dma_start3A_237 : memref<1x64x128xf32, #tpu.memory_space<vmem>> -> memref<64x128xf32, #tpu.memory_space<vmem>>
      %dma_start3A_239 = arith.constant 0 : i32
      %dma_start3A_240 = tpu.memref_slice %arg10[%add3A_38, %dma_start3A_239] : memref<10240x128xf32, #tpu.memory_space<vmem_shared>> -> memref<64x128xf32, #tpu.memory_space<vmem_shared>>
      %dma_start3A_241 = arith.constant 0 : i32
      %dma_start3A_242 = tpu.memref_slice %arg10[%add3A_38, %dma_start3A_241] : memref<10240x128xf32, #tpu.memory_space<vmem_shared>> -> memref<64x128xf32, #tpu.memory_space<vmem_shared>>
      %dma_start3A_243 = arith.constant 0 : i32
      %dma_start3A_244 = arith.constant 0 : i32
      %dma_start3A_245 = tpu.memref_slice %arg17[%run_scoped3A_39, %dma_start3A_243, %dma_start3A_244] : memref<2x64x128xf32, #tpu.memory_space<vmem>> -> memref<1x64x128xf32, #tpu.memory_space<vmem>>
      %dma_start3A_246 = tpu.memref_squeeze %dma_start3A_245 : memref<1x64x128xf32, #tpu.memory_space<vmem>> -> memref<64x128xf32, #tpu.memory_space<vmem>>
      tpu.enqueue_dma source(%dma_start3A_246 : memref<64x128xf32, #tpu.memory_space<vmem>>) target(%dma_start3A_242 : memref<64x128xf32, #tpu.memory_space<vmem_shared>>) target_semaphore(%run_scoped3A_234 : memref<!tpu.dma_semaphore, #tpu.memory_space<semaphore_mem>>)
      %dma_wait3A_247 = arith.constant 0 : i32
      %dma_wait3A_248 = arith.constant 0 : i32
      %dma_wait3A_249 = tpu.memref_slice %arg17[%run_scoped3A_39, %dma_wait3A_247, %dma_wait3A_248] : memref<2x64x128xf32, #tpu.memory_space<vmem>> -> memref<1x64x128xf32, #tpu.memory_space<vmem>>
      %dma_wait3A_250 = tpu.memref_squeeze %dma_wait3A_249 : memref<1x64x128xf32, #tpu.memory_space<vmem>> -> memref<64x128xf32, #tpu.memory_space<vmem>>
      %dma_wait3A_251 = arith.constant 0 : i32
      %dma_wait3A_252 = tpu.memref_slice %arg10[%add3A_38, %dma_wait3A_251] : memref<10240x128xf32, #tpu.memory_space<vmem_shared>> -> memref<64x128xf32, #tpu.memory_space<vmem_shared>>
      %dma_wait3A_253 = arith.constant 0 : i32
      %dma_wait3A_254 = tpu.memref_slice %arg10[%add3A_38, %dma_wait3A_253] : memref<10240x128xf32, #tpu.memory_space<vmem_shared>> -> memref<64x128xf32, #tpu.memory_space<vmem_shared>>
      %dma_wait3A_255 = arith.constant 0 : i32
      %dma_wait3A_256 = arith.constant 0 : i32
      %dma_wait3A_257 = tpu.memref_slice %arg17[%run_scoped3A_39, %dma_wait3A_255, %dma_wait3A_256] : memref<2x64x128xf32, #tpu.memory_space<vmem>> -> memref<1x64x128xf32, #tpu.memory_space<vmem>>
      %dma_wait3A_258 = tpu.memref_squeeze %dma_wait3A_257 : memref<1x64x128xf32, #tpu.memory_space<vmem>> -> memref<64x128xf32, #tpu.memory_space<vmem>>
      tpu.wait_dma2 semaphore(%run_scoped3A_234 : memref<!tpu.dma_semaphore, #tpu.memory_space<semaphore_mem>>) src(%dma_wait3A_258 : memref<64x128xf32, #tpu.memory_space<vmem>>) dst(%dma_wait3A_254 : memref<64x128xf32, #tpu.memory_space<vmem_shared>>)
      tpu.yield
    }) : () -> ()
    %mul3A_40 = arith.constant 640 : i32
    %mul3A_41 = arith.muli %arg1, %mul3A_40 : i32
    %add3A_42 = arith.constant 64 : i32
    %add3A_43 = arith.addi %mul3A_41, %add3A_42 : i32
    %run_scoped3A_44 = arith.constant 0 : i32
    "tpu.region"() ({
      %run_scoped3A_234 = tpu.sem_alloc : memref<!tpu.dma_semaphore, #tpu.memory_space<semaphore_mem>>
      %dma_start3A_235 = arith.constant 0 : i32
      %dma_start3A_236 = tpu.memref_slice %arg18[%run_scoped3A_44, %dma_start3A_235] : memref<2x64xf32, #tpu.memory_space<vmem>> -> memref<1x64xf32, #tpu.memory_space<vmem>>
      %dma_start3A_237 = tpu.memref_squeeze %dma_start3A_236 : memref<1x64xf32, #tpu.memory_space<vmem>> -> memref<64xf32, #tpu.memory_space<vmem>>
      %dma_start3A_238 = tpu.memref_slice %arg11[%add3A_43] : memref<10240xf32, #tpu.memory_space<vmem_shared>> -> memref<64xf32, #tpu.memory_space<vmem_shared>>
      %dma_start3A_239 = tpu.memref_slice %arg11[%add3A_43] : memref<10240xf32, #tpu.memory_space<vmem_shared>> -> memref<64xf32, #tpu.memory_space<vmem_shared>>
      %dma_start3A_240 = arith.constant 0 : i32
      %dma_start3A_241 = tpu.memref_slice %arg18[%run_scoped3A_44, %dma_start3A_240] : memref<2x64xf32, #tpu.memory_space<vmem>> -> memref<1x64xf32, #tpu.memory_space<vmem>>
      %dma_start3A_242 = tpu.memref_squeeze %dma_start3A_241 : memref<1x64xf32, #tpu.memory_space<vmem>> -> memref<64xf32, #tpu.memory_space<vmem>>
      tpu.enqueue_dma source(%dma_start3A_242 : memref<64xf32, #tpu.memory_space<vmem>>) target(%dma_start3A_239 : memref<64xf32, #tpu.memory_space<vmem_shared>>) target_semaphore(%run_scoped3A_234 : memref<!tpu.dma_semaphore, #tpu.memory_space<semaphore_mem>>)
      %dma_wait3A_243 = arith.constant 0 : i32
      %dma_wait3A_244 = tpu.memref_slice %arg18[%run_scoped3A_44, %dma_wait3A_243] : memref<2x64xf32, #tpu.memory_space<vmem>> -> memref<1x64xf32, #tpu.memory_space<vmem>>
      %dma_wait3A_245 = tpu.memref_squeeze %dma_wait3A_244 : memref<1x64xf32, #tpu.memory_space<vmem>> -> memref<64xf32, #tpu.memory_space<vmem>>
      %dma_wait3A_246 = tpu.memref_slice %arg11[%add3A_43] : memref<10240xf32, #tpu.memory_space<vmem_shared>> -> memref<64xf32, #tpu.memory_space<vmem_shared>>
      %dma_wait3A_247 = tpu.memref_slice %arg11[%add3A_43] : memref<10240xf32, #tpu.memory_space<vmem_shared>> -> memref<64xf32, #tpu.memory_space<vmem_shared>>
      %dma_wait3A_248 = arith.constant 0 : i32
      %dma_wait3A_249 = tpu.memref_slice %arg18[%run_scoped3A_44, %dma_wait3A_248] : memref<2x64xf32, #tpu.memory_space<vmem>> -> memref<1x64xf32, #tpu.memory_space<vmem>>
      %dma_wait3A_250 = tpu.memref_squeeze %dma_wait3A_249 : memref<1x64xf32, #tpu.memory_space<vmem>> -> memref<64xf32, #tpu.memory_space<vmem>>
      tpu.wait_dma2 semaphore(%run_scoped3A_234 : memref<!tpu.dma_semaphore, #tpu.memory_space<semaphore_mem>>) src(%dma_wait3A_250 : memref<64xf32, #tpu.memory_space<vmem>>) dst(%dma_wait3A_247 : memref<64xf32, #tpu.memory_space<vmem_shared>>)
      tpu.yield
    }) : () -> ()
    %mul3A_45 = arith.constant 640 : i32
    %mul3A_46 = arith.muli %arg1, %mul3A_45 : i32
    %add3A_47 = arith.constant 128 : i32
    %add3A_48 = arith.addi %mul3A_46, %add3A_47 : i32
    %run_scoped3A_49 = arith.constant 0 : i32
    "tpu.region"() ({
      %run_scoped3A_234 = tpu.sem_alloc : memref<!tpu.dma_semaphore, #tpu.memory_space<semaphore_mem>>
      %dma_start3A_235 = arith.constant 0 : i32
      %dma_start3A_236 = arith.constant 0 : i32
      %dma_start3A_237 = tpu.memref_slice %arg17[%run_scoped3A_49, %dma_start3A_235, %dma_start3A_236] : memref<2x64x128xf32, #tpu.memory_space<vmem>> -> memref<1x64x128xf32, #tpu.memory_space<vmem>>
      %dma_start3A_238 = tpu.memref_squeeze %dma_start3A_237 : memref<1x64x128xf32, #tpu.memory_space<vmem>> -> memref<64x128xf32, #tpu.memory_space<vmem>>
      %dma_start3A_239 = arith.constant 0 : i32
      %dma_start3A_240 = tpu.memref_slice %arg10[%add3A_48, %dma_start3A_239] : memref<10240x128xf32, #tpu.memory_space<vmem_shared>> -> memref<64x128xf32, #tpu.memory_space<vmem_shared>>
      %dma_start3A_241 = arith.constant 0 : i32
      %dma_start3A_242 = tpu.memref_slice %arg10[%add3A_48, %dma_start3A_241] : memref<10240x128xf32, #tpu.memory_space<vmem_shared>> -> memref<64x128xf32, #tpu.memory_space<vmem_shared>>
      %dma_start3A_243 = arith.constant 0 : i32
      %dma_start3A_244 = arith.constant 0 : i32
      %dma_start3A_245 = tpu.memref_slice %arg17[%run_scoped3A_49, %dma_start3A_243, %dma_start3A_244] : memref<2x64x128xf32, #tpu.memory_space<vmem>> -> memref<1x64x128xf32, #tpu.memory_space<vmem>>
      %dma_start3A_246 = tpu.memref_squeeze %dma_start3A_245 : memref<1x64x128xf32, #tpu.memory_space<vmem>> -> memref<64x128xf32, #tpu.memory_space<vmem>>
      tpu.enqueue_dma source(%dma_start3A_246 : memref<64x128xf32, #tpu.memory_space<vmem>>) target(%dma_start3A_242 : memref<64x128xf32, #tpu.memory_space<vmem_shared>>) target_semaphore(%run_scoped3A_234 : memref<!tpu.dma_semaphore, #tpu.memory_space<semaphore_mem>>)
      %dma_wait3A_247 = arith.constant 0 : i32
      %dma_wait3A_248 = arith.constant 0 : i32
      %dma_wait3A_249 = tpu.memref_slice %arg17[%run_scoped3A_49, %dma_wait3A_247, %dma_wait3A_248] : memref<2x64x128xf32, #tpu.memory_space<vmem>> -> memref<1x64x128xf32, #tpu.memory_space<vmem>>
      %dma_wait3A_250 = tpu.memref_squeeze %dma_wait3A_249 : memref<1x64x128xf32, #tpu.memory_space<vmem>> -> memref<64x128xf32, #tpu.memory_space<vmem>>
      %dma_wait3A_251 = arith.constant 0 : i32
      %dma_wait3A_252 = tpu.memref_slice %arg10[%add3A_48, %dma_wait3A_251] : memref<10240x128xf32, #tpu.memory_space<vmem_shared>> -> memref<64x128xf32, #tpu.memory_space<vmem_shared>>
      %dma_wait3A_253 = arith.constant 0 : i32
      %dma_wait3A_254 = tpu.memref_slice %arg10[%add3A_48, %dma_wait3A_253] : memref<10240x128xf32, #tpu.memory_space<vmem_shared>> -> memref<64x128xf32, #tpu.memory_space<vmem_shared>>
      %dma_wait3A_255 = arith.constant 0 : i32
      %dma_wait3A_256 = arith.constant 0 : i32
      %dma_wait3A_257 = tpu.memref_slice %arg17[%run_scoped3A_49, %dma_wait3A_255, %dma_wait3A_256] : memref<2x64x128xf32, #tpu.memory_space<vmem>> -> memref<1x64x128xf32, #tpu.memory_space<vmem>>
      %dma_wait3A_258 = tpu.memref_squeeze %dma_wait3A_257 : memref<1x64x128xf32, #tpu.memory_space<vmem>> -> memref<64x128xf32, #tpu.memory_space<vmem>>
      tpu.wait_dma2 semaphore(%run_scoped3A_234 : memref<!tpu.dma_semaphore, #tpu.memory_space<semaphore_mem>>) src(%dma_wait3A_258 : memref<64x128xf32, #tpu.memory_space<vmem>>) dst(%dma_wait3A_254 : memref<64x128xf32, #tpu.memory_space<vmem_shared>>)
      tpu.yield
    }) : () -> ()
    %mul3A_50 = arith.constant 640 : i32
    %mul3A_51 = arith.muli %arg1, %mul3A_50 : i32
    %add3A_52 = arith.constant 128 : i32
    %add3A_53 = arith.addi %mul3A_51, %add3A_52 : i32
    %run_scoped3A_54 = arith.constant 0 : i32
    "tpu.region"() ({
      %run_scoped3A_234 = tpu.sem_alloc : memref<!tpu.dma_semaphore, #tpu.memory_space<semaphore_mem>>
      %dma_start3A_235 = arith.constant 0 : i32
      %dma_start3A_236 = tpu.memref_slice %arg18[%run_scoped3A_54, %dma_start3A_235] : memref<2x64xf32, #tpu.memory_space<vmem>> -> memref<1x64xf32, #tpu.memory_space<vmem>>
      %dma_start3A_237 = tpu.memref_squeeze %dma_start3A_236 : memref<1x64xf32, #tpu.memory_space<vmem>> -> memref<64xf32, #tpu.memory_space<vmem>>
      %dma_start3A_238 = tpu.memref_slice %arg11[%add3A_53] : memref<10240xf32, #tpu.memory_space<vmem_shared>> -> memref<64xf32, #tpu.memory_space<vmem_shared>>
      %dma_start3A_239 = tpu.memref_slice %arg11[%add3A_53] : memref<10240xf32, #tpu.memory_space<vmem_shared>> -> memref<64xf32, #tpu.memory_space<vmem_shared>>
      %dma_start3A_240 = arith.constant 0 : i32
      %dma_start3A_241 = tpu.memref_slice %arg18[%run_scoped3A_54, %dma_start3A_240] : memref<2x64xf32, #tpu.memory_space<vmem>> -> memref<1x64xf32, #tpu.memory_space<vmem>>
      %dma_start3A_242 = tpu.memref_squeeze %dma_start3A_241 : memref<1x64xf32, #tpu.memory_space<vmem>> -> memref<64xf32, #tpu.memory_space<vmem>>
      tpu.enqueue_dma source(%dma_start3A_242 : memref<64xf32, #tpu.memory_space<vmem>>) target(%dma_start3A_239 : memref<64xf32, #tpu.memory_space<vmem_shared>>) target_semaphore(%run_scoped3A_234 : memref<!tpu.dma_semaphore, #tpu.memory_space<semaphore_mem>>)
      %dma_wait3A_243 = arith.constant 0 : i32
      %dma_wait3A_244 = tpu.memref_slice %arg18[%run_scoped3A_54, %dma_wait3A_243] : memref<2x64xf32, #tpu.memory_space<vmem>> -> memref<1x64xf32, #tpu.memory_space<vmem>>
      %dma_wait3A_245 = tpu.memref_squeeze %dma_wait3A_244 : memref<1x64xf32, #tpu.memory_space<vmem>> -> memref<64xf32, #tpu.memory_space<vmem>>
      %dma_wait3A_246 = tpu.memref_slice %arg11[%add3A_53] : memref<10240xf32, #tpu.memory_space<vmem_shared>> -> memref<64xf32, #tpu.memory_space<vmem_shared>>
      %dma_wait3A_247 = tpu.memref_slice %arg11[%add3A_53] : memref<10240xf32, #tpu.memory_space<vmem_shared>> -> memref<64xf32, #tpu.memory_space<vmem_shared>>
      %dma_wait3A_248 = arith.constant 0 : i32
      %dma_wait3A_249 = tpu.memref_slice %arg18[%run_scoped3A_54, %dma_wait3A_248] : memref<2x64xf32, #tpu.memory_space<vmem>> -> memref<1x64xf32, #tpu.memory_space<vmem>>
      %dma_wait3A_250 = tpu.memref_squeeze %dma_wait3A_249 : memref<1x64xf32, #tpu.memory_space<vmem>> -> memref<64xf32, #tpu.memory_space<vmem>>
      tpu.wait_dma2 semaphore(%run_scoped3A_234 : memref<!tpu.dma_semaphore, #tpu.memory_space<semaphore_mem>>) src(%dma_wait3A_250 : memref<64xf32, #tpu.memory_space<vmem>>) dst(%dma_wait3A_247 : memref<64xf32, #tpu.memory_space<vmem_shared>>)
      tpu.yield
    }) : () -> ()
    %mul3A_55 = arith.constant 640 : i32
    %mul3A_56 = arith.muli %arg1, %mul3A_55 : i32
    %add3A_57 = arith.constant 192 : i32
    %add3A_58 = arith.addi %mul3A_56, %add3A_57 : i32
    %run_scoped3A_59 = arith.constant 0 : i32
    "tpu.region"() ({
      %run_scoped3A_234 = tpu.sem_alloc : memref<!tpu.dma_semaphore, #tpu.memory_space<semaphore_mem>>
      %dma_start3A_235 = arith.constant 0 : i32
      %dma_start3A_236 = arith.constant 0 : i32
      %dma_start3A_237 = tpu.memref_slice %arg17[%run_scoped3A_59, %dma_start3A_235, %dma_start3A_236] : memref<2x64x128xf32, #tpu.memory_space<vmem>> -> memref<1x64x128xf32, #tpu.memory_space<vmem>>
      %dma_start3A_238 = tpu.memref_squeeze %dma_start3A_237 : memref<1x64x128xf32, #tpu.memory_space<vmem>> -> memref<64x128xf32, #tpu.memory_space<vmem>>
      %dma_start3A_239 = arith.constant 0 : i32
      %dma_start3A_240 = tpu.memref_slice %arg10[%add3A_58, %dma_start3A_239] : memref<10240x128xf32, #tpu.memory_space<vmem_shared>> -> memref<64x128xf32, #tpu.memory_space<vmem_shared>>
      %dma_start3A_241 = arith.constant 0 : i32
      %dma_start3A_242 = tpu.memref_slice %arg10[%add3A_58, %dma_start3A_241] : memref<10240x128xf32, #tpu.memory_space<vmem_shared>> -> memref<64x128xf32, #tpu.memory_space<vmem_shared>>
      %dma_start3A_243 = arith.constant 0 : i32
      %dma_start3A_244 = arith.constant 0 : i32
      %dma_start3A_245 = tpu.memref_slice %arg17[%run_scoped3A_59, %dma_start3A_243, %dma_start3A_244] : memref<2x64x128xf32, #tpu.memory_space<vmem>> -> memref<1x64x128xf32, #tpu.memory_space<vmem>>
      %dma_start3A_246 = tpu.memref_squeeze %dma_start3A_245 : memref<1x64x128xf32, #tpu.memory_space<vmem>> -> memref<64x128xf32, #tpu.memory_space<vmem>>
      tpu.enqueue_dma source(%dma_start3A_246 : memref<64x128xf32, #tpu.memory_space<vmem>>) target(%dma_start3A_242 : memref<64x128xf32, #tpu.memory_space<vmem_shared>>) target_semaphore(%run_scoped3A_234 : memref<!tpu.dma_semaphore, #tpu.memory_space<semaphore_mem>>)
      %dma_wait3A_247 = arith.constant 0 : i32
      %dma_wait3A_248 = arith.constant 0 : i32
      %dma_wait3A_249 = tpu.memref_slice %arg17[%run_scoped3A_59, %dma_wait3A_247, %dma_wait3A_248] : memref<2x64x128xf32, #tpu.memory_space<vmem>> -> memref<1x64x128xf32, #tpu.memory_space<vmem>>
      %dma_wait3A_250 = tpu.memref_squeeze %dma_wait3A_249 : memref<1x64x128xf32, #tpu.memory_space<vmem>> -> memref<64x128xf32, #tpu.memory_space<vmem>>
      %dma_wait3A_251 = arith.constant 0 : i32
      %dma_wait3A_252 = tpu.memref_slice %arg10[%add3A_58, %dma_wait3A_251] : memref<10240x128xf32, #tpu.memory_space<vmem_shared>> -> memref<64x128xf32, #tpu.memory_space<vmem_shared>>
      %dma_wait3A_253 = arith.constant 0 : i32
      %dma_wait3A_254 = tpu.memref_slice %arg10[%add3A_58, %dma_wait3A_253] : memref<10240x128xf32, #tpu.memory_space<vmem_shared>> -> memref<64x128xf32, #tpu.memory_space<vmem_shared>>
      %dma_wait3A_255 = arith.constant 0 : i32
      %dma_wait3A_256 = arith.constant 0 : i32
      %dma_wait3A_257 = tpu.memref_slice %arg17[%run_scoped3A_59, %dma_wait3A_255, %dma_wait3A_256] : memref<2x64x128xf32, #tpu.memory_space<vmem>> -> memref<1x64x128xf32, #tpu.memory_space<vmem>>
      %dma_wait3A_258 = tpu.memref_squeeze %dma_wait3A_257 : memref<1x64x128xf32, #tpu.memory_space<vmem>> -> memref<64x128xf32, #tpu.memory_space<vmem>>
      tpu.wait_dma2 semaphore(%run_scoped3A_234 : memref<!tpu.dma_semaphore, #tpu.memory_space<semaphore_mem>>) src(%dma_wait3A_258 : memref<64x128xf32, #tpu.memory_space<vmem>>) dst(%dma_wait3A_254 : memref<64x128xf32, #tpu.memory_space<vmem_shared>>)
      tpu.yield
    }) : () -> ()
    %mul3A_60 = arith.constant 640 : i32
    %mul3A_61 = arith.muli %arg1, %mul3A_60 : i32
    %add3A_62 = arith.constant 192 : i32
    %add3A_63 = arith.addi %mul3A_61, %add3A_62 : i32
    %run_scoped3A_64 = arith.constant 0 : i32
    "tpu.region"() ({
      %run_scoped3A_234 = tpu.sem_alloc : memref<!tpu.dma_semaphore, #tpu.memory_space<semaphore_mem>>
      %dma_start3A_235 = arith.constant 0 : i32
      %dma_start3A_236 = tpu.memref_slice %arg18[%run_scoped3A_64, %dma_start3A_235] : memref<2x64xf32, #tpu.memory_space<vmem>> -> memref<1x64xf32, #tpu.memory_space<vmem>>
      %dma_start3A_237 = tpu.memref_squeeze %dma_start3A_236 : memref<1x64xf32, #tpu.memory_space<vmem>> -> memref<64xf32, #tpu.memory_space<vmem>>
      %dma_start3A_238 = tpu.memref_slice %arg11[%add3A_63] : memref<10240xf32, #tpu.memory_space<vmem_shared>> -> memref<64xf32, #tpu.memory_space<vmem_shared>>
      %dma_start3A_239 = tpu.memref_slice %arg11[%add3A_63] : memref<10240xf32, #tpu.memory_space<vmem_shared>> -> memref<64xf32, #tpu.memory_space<vmem_shared>>
      %dma_start3A_240 = arith.constant 0 : i32
      %dma_start3A_241 = tpu.memref_slice %arg18[%run_scoped3A_64, %dma_start3A_240] : memref<2x64xf32, #tpu.memory_space<vmem>> -> memref<1x64xf32, #tpu.memory_space<vmem>>
      %dma_start3A_242 = tpu.memref_squeeze %dma_start3A_241 : memref<1x64xf32, #tpu.memory_space<vmem>> -> memref<64xf32, #tpu.memory_space<vmem>>
      tpu.enqueue_dma source(%dma_start3A_242 : memref<64xf32, #tpu.memory_space<vmem>>) target(%dma_start3A_239 : memref<64xf32, #tpu.memory_space<vmem_shared>>) target_semaphore(%run_scoped3A_234 : memref<!tpu.dma_semaphore, #tpu.memory_space<semaphore_mem>>)
      %dma_wait3A_243 = arith.constant 0 : i32
      %dma_wait3A_244 = tpu.memref_slice %arg18[%run_scoped3A_64, %dma_wait3A_243] : memref<2x64xf32, #tpu.memory_space<vmem>> -> memref<1x64xf32, #tpu.memory_space<vmem>>
      %dma_wait3A_245 = tpu.memref_squeeze %dma_wait3A_244 : memref<1x64xf32, #tpu.memory_space<vmem>> -> memref<64xf32, #tpu.memory_space<vmem>>
      %dma_wait3A_246 = tpu.memref_slice %arg11[%add3A_63] : memref<10240xf32, #tpu.memory_space<vmem_shared>> -> memref<64xf32, #tpu.memory_space<vmem_shared>>
      %dma_wait3A_247 = tpu.memref_slice %arg11[%add3A_63] : memref<10240xf32, #tpu.memory_space<vmem_shared>> -> memref<64xf32, #tpu.memory_space<vmem_shared>>
      %dma_wait3A_248 = arith.constant 0 : i32
      %dma_wait3A_249 = tpu.memref_slice %arg18[%run_scoped3A_64, %dma_wait3A_248] : memref<2x64xf32, #tpu.memory_space<vmem>> -> memref<1x64xf32, #tpu.memory_space<vmem>>
      %dma_wait3A_250 = tpu.memref_squeeze %dma_wait3A_249 : memref<1x64xf32, #tpu.memory_space<vmem>> -> memref<64xf32, #tpu.memory_space<vmem>>
      tpu.wait_dma2 semaphore(%run_scoped3A_234 : memref<!tpu.dma_semaphore, #tpu.memory_space<semaphore_mem>>) src(%dma_wait3A_250 : memref<64xf32, #tpu.memory_space<vmem>>) dst(%dma_wait3A_247 : memref<64xf32, #tpu.memory_space<vmem_shared>>)
      tpu.yield
    }) : () -> ()
    %mul3A_65 = arith.constant 640 : i32
    %mul3A_66 = arith.muli %arg1, %mul3A_65 : i32
    %add3A_67 = arith.constant 256 : i32
    %add3A_68 = arith.addi %mul3A_66, %add3A_67 : i32
    %run_scoped3A_69 = arith.constant 0 : i32
    "tpu.region"() ({
      %run_scoped3A_234 = tpu.sem_alloc : memref<!tpu.dma_semaphore, #tpu.memory_space<semaphore_mem>>
      %dma_start3A_235 = arith.constant 0 : i32
      %dma_start3A_236 = arith.constant 0 : i32
      %dma_start3A_237 = tpu.memref_slice %arg17[%run_scoped3A_69, %dma_start3A_235, %dma_start3A_236] : memref<2x64x128xf32, #tpu.memory_space<vmem>> -> memref<1x64x128xf32, #tpu.memory_space<vmem>>
      %dma_start3A_238 = tpu.memref_squeeze %dma_start3A_237 : memref<1x64x128xf32, #tpu.memory_space<vmem>> -> memref<64x128xf32, #tpu.memory_space<vmem>>
      %dma_start3A_239 = arith.constant 0 : i32
      %dma_start3A_240 = tpu.memref_slice %arg10[%add3A_68, %dma_start3A_239] : memref<10240x128xf32, #tpu.memory_space<vmem_shared>> -> memref<64x128xf32, #tpu.memory_space<vmem_shared>>
      %dma_start3A_241 = arith.constant 0 : i32
      %dma_start3A_242 = tpu.memref_slice %arg10[%add3A_68, %dma_start3A_241] : memref<10240x128xf32, #tpu.memory_space<vmem_shared>> -> memref<64x128xf32, #tpu.memory_space<vmem_shared>>
      %dma_start3A_243 = arith.constant 0 : i32
      %dma_start3A_244 = arith.constant 0 : i32
      %dma_start3A_245 = tpu.memref_slice %arg17[%run_scoped3A_69, %dma_start3A_243, %dma_start3A_244] : memref<2x64x128xf32, #tpu.memory_space<vmem>> -> memref<1x64x128xf32, #tpu.memory_space<vmem>>
      %dma_start3A_246 = tpu.memref_squeeze %dma_start3A_245 : memref<1x64x128xf32, #tpu.memory_space<vmem>> -> memref<64x128xf32, #tpu.memory_space<vmem>>
      tpu.enqueue_dma source(%dma_start3A_246 : memref<64x128xf32, #tpu.memory_space<vmem>>) target(%dma_start3A_242 : memref<64x128xf32, #tpu.memory_space<vmem_shared>>) target_semaphore(%run_scoped3A_234 : memref<!tpu.dma_semaphore, #tpu.memory_space<semaphore_mem>>)
      %dma_wait3A_247 = arith.constant 0 : i32
      %dma_wait3A_248 = arith.constant 0 : i32
      %dma_wait3A_249 = tpu.memref_slice %arg17[%run_scoped3A_69, %dma_wait3A_247, %dma_wait3A_248] : memref<2x64x128xf32, #tpu.memory_space<vmem>> -> memref<1x64x128xf32, #tpu.memory_space<vmem>>
      %dma_wait3A_250 = tpu.memref_squeeze %dma_wait3A_249 : memref<1x64x128xf32, #tpu.memory_space<vmem>> -> memref<64x128xf32, #tpu.memory_space<vmem>>
      %dma_wait3A_251 = arith.constant 0 : i32
      %dma_wait3A_252 = tpu.memref_slice %arg10[%add3A_68, %dma_wait3A_251] : memref<10240x128xf32, #tpu.memory_space<vmem_shared>> -> memref<64x128xf32, #tpu.memory_space<vmem_shared>>
      %dma_wait3A_253 = arith.constant 0 : i32
      %dma_wait3A_254 = tpu.memref_slice %arg10[%add3A_68, %dma_wait3A_253] : memref<10240x128xf32, #tpu.memory_space<vmem_shared>> -> memref<64x128xf32, #tpu.memory_space<vmem_shared>>
      %dma_wait3A_255 = arith.constant 0 : i32
      %dma_wait3A_256 = arith.constant 0 : i32
      %dma_wait3A_257 = tpu.memref_slice %arg17[%run_scoped3A_69, %dma_wait3A_255, %dma_wait3A_256] : memref<2x64x128xf32, #tpu.memory_space<vmem>> -> memref<1x64x128xf32, #tpu.memory_space<vmem>>
      %dma_wait3A_258 = tpu.memref_squeeze %dma_wait3A_257 : memref<1x64x128xf32, #tpu.memory_space<vmem>> -> memref<64x128xf32, #tpu.memory_space<vmem>>
      tpu.wait_dma2 semaphore(%run_scoped3A_234 : memref<!tpu.dma_semaphore, #tpu.memory_space<semaphore_mem>>) src(%dma_wait3A_258 : memref<64x128xf32, #tpu.memory_space<vmem>>) dst(%dma_wait3A_254 : memref<64x128xf32, #tpu.memory_space<vmem_shared>>)
      tpu.yield
    }) : () -> ()
    %mul3A_70 = arith.constant 640 : i32
    %mul3A_71 = arith.muli %arg1, %mul3A_70 : i32
    %add3A_72 = arith.constant 256 : i32
    %add3A_73 = arith.addi %mul3A_71, %add3A_72 : i32
    %run_scoped3A_74 = arith.constant 0 : i32
    "tpu.region"() ({
      %run_scoped3A_234 = tpu.sem_alloc : memref<!tpu.dma_semaphore, #tpu.memory_space<semaphore_mem>>
      %dma_start3A_235 = arith.constant 0 : i32
      %dma_start3A_236 = tpu.memref_slice %arg18[%run_scoped3A_74, %dma_start3A_235] : memref<2x64xf32, #tpu.memory_space<vmem>> -> memref<1x64xf32, #tpu.memory_space<vmem>>
      %dma_start3A_237 = tpu.memref_squeeze %dma_start3A_236 : memref<1x64xf32, #tpu.memory_space<vmem>> -> memref<64xf32, #tpu.memory_space<vmem>>
      %dma_start3A_238 = tpu.memref_slice %arg11[%add3A_73] : memref<10240xf32, #tpu.memory_space<vmem_shared>> -> memref<64xf32, #tpu.memory_space<vmem_shared>>
      %dma_start3A_239 = tpu.memref_slice %arg11[%add3A_73] : memref<10240xf32, #tpu.memory_space<vmem_shared>> -> memref<64xf32, #tpu.memory_space<vmem_shared>>
      %dma_start3A_240 = arith.constant 0 : i32
      %dma_start3A_241 = tpu.memref_slice %arg18[%run_scoped3A_74, %dma_start3A_240] : memref<2x64xf32, #tpu.memory_space<vmem>> -> memref<1x64xf32, #tpu.memory_space<vmem>>
      %dma_start3A_242 = tpu.memref_squeeze %dma_start3A_241 : memref<1x64xf32, #tpu.memory_space<vmem>> -> memref<64xf32, #tpu.memory_space<vmem>>
      tpu.enqueue_dma source(%dma_start3A_242 : memref<64xf32, #tpu.memory_space<vmem>>) target(%dma_start3A_239 : memref<64xf32, #tpu.memory_space<vmem_shared>>) target_semaphore(%run_scoped3A_234 : memref<!tpu.dma_semaphore, #tpu.memory_space<semaphore_mem>>)
      %dma_wait3A_243 = arith.constant 0 : i32
      %dma_wait3A_244 = tpu.memref_slice %arg18[%run_scoped3A_74, %dma_wait3A_243] : memref<2x64xf32, #tpu.memory_space<vmem>> -> memref<1x64xf32, #tpu.memory_space<vmem>>
      %dma_wait3A_245 = tpu.memref_squeeze %dma_wait3A_244 : memref<1x64xf32, #tpu.memory_space<vmem>> -> memref<64xf32, #tpu.memory_space<vmem>>
      %dma_wait3A_246 = tpu.memref_slice %arg11[%add3A_73] : memref<10240xf32, #tpu.memory_space<vmem_shared>> -> memref<64xf32, #tpu.memory_space<vmem_shared>>
      %dma_wait3A_247 = tpu.memref_slice %arg11[%add3A_73] : memref<10240xf32, #tpu.memory_space<vmem_shared>> -> memref<64xf32, #tpu.memory_space<vmem_shared>>
      %dma_wait3A_248 = arith.constant 0 : i32
      %dma_wait3A_249 = tpu.memref_slice %arg18[%run_scoped3A_74, %dma_wait3A_248] : memref<2x64xf32, #tpu.memory_space<vmem>> -> memref<1x64xf32, #tpu.memory_space<vmem>>
      %dma_wait3A_250 = tpu.memref_squeeze %dma_wait3A_249 : memref<1x64xf32, #tpu.memory_space<vmem>> -> memref<64xf32, #tpu.memory_space<vmem>>
      tpu.wait_dma2 semaphore(%run_scoped3A_234 : memref<!tpu.dma_semaphore, #tpu.memory_space<semaphore_mem>>) src(%dma_wait3A_250 : memref<64xf32, #tpu.memory_space<vmem>>) dst(%dma_wait3A_247 : memref<64xf32, #tpu.memory_space<vmem_shared>>)
      tpu.yield
    }) : () -> ()
    %mul3A_75 = arith.constant 640 : i32
    %mul3A_76 = arith.muli %arg1, %mul3A_75 : i32
    %add3A_77 = arith.constant 320 : i32
    %add3A_78 = arith.addi %mul3A_76, %add3A_77 : i32
    %run_scoped3A_79 = arith.constant 0 : i32
    "tpu.region"() ({
      %run_scoped3A_234 = tpu.sem_alloc : memref<!tpu.dma_semaphore, #tpu.memory_space<semaphore_mem>>
      %dma_start3A_235 = arith.constant 0 : i32
      %dma_start3A_236 = arith.constant 0 : i32
      %dma_start3A_237 = tpu.memref_slice %arg17[%run_scoped3A_79, %dma_start3A_235, %dma_start3A_236] : memref<2x64x128xf32, #tpu.memory_space<vmem>> -> memref<1x64x128xf32, #tpu.memory_space<vmem>>
      %dma_start3A_238 = tpu.memref_squeeze %dma_start3A_237 : memref<1x64x128xf32, #tpu.memory_space<vmem>> -> memref<64x128xf32, #tpu.memory_space<vmem>>
      %dma_start3A_239 = arith.constant 0 : i32
      %dma_start3A_240 = tpu.memref_slice %arg10[%add3A_78, %dma_start3A_239] : memref<10240x128xf32, #tpu.memory_space<vmem_shared>> -> memref<64x128xf32, #tpu.memory_space<vmem_shared>>
      %dma_start3A_241 = arith.constant 0 : i32
      %dma_start3A_242 = tpu.memref_slice %arg10[%add3A_78, %dma_start3A_241] : memref<10240x128xf32, #tpu.memory_space<vmem_shared>> -> memref<64x128xf32, #tpu.memory_space<vmem_shared>>
      %dma_start3A_243 = arith.constant 0 : i32
      %dma_start3A_244 = arith.constant 0 : i32
      %dma_start3A_245 = tpu.memref_slice %arg17[%run_scoped3A_79, %dma_start3A_243, %dma_start3A_244] : memref<2x64x128xf32, #tpu.memory_space<vmem>> -> memref<1x64x128xf32, #tpu.memory_space<vmem>>
      %dma_start3A_246 = tpu.memref_squeeze %dma_start3A_245 : memref<1x64x128xf32, #tpu.memory_space<vmem>> -> memref<64x128xf32, #tpu.memory_space<vmem>>
      tpu.enqueue_dma source(%dma_start3A_246 : memref<64x128xf32, #tpu.memory_space<vmem>>) target(%dma_start3A_242 : memref<64x128xf32, #tpu.memory_space<vmem_shared>>) target_semaphore(%run_scoped3A_234 : memref<!tpu.dma_semaphore, #tpu.memory_space<semaphore_mem>>)
      %dma_wait3A_247 = arith.constant 0 : i32
      %dma_wait3A_248 = arith.constant 0 : i32
      %dma_wait3A_249 = tpu.memref_slice %arg17[%run_scoped3A_79, %dma_wait3A_247, %dma_wait3A_248] : memref<2x64x128xf32, #tpu.memory_space<vmem>> -> memref<1x64x128xf32, #tpu.memory_space<vmem>>
      %dma_wait3A_250 = tpu.memref_squeeze %dma_wait3A_249 : memref<1x64x128xf32, #tpu.memory_space<vmem>> -> memref<64x128xf32, #tpu.memory_space<vmem>>
      %dma_wait3A_251 = arith.constant 0 : i32
      %dma_wait3A_252 = tpu.memref_slice %arg10[%add3A_78, %dma_wait3A_251] : memref<10240x128xf32, #tpu.memory_space<vmem_shared>> -> memref<64x128xf32, #tpu.memory_space<vmem_shared>>
      %dma_wait3A_253 = arith.constant 0 : i32
      %dma_wait3A_254 = tpu.memref_slice %arg10[%add3A_78, %dma_wait3A_253] : memref<10240x128xf32, #tpu.memory_space<vmem_shared>> -> memref<64x128xf32, #tpu.memory_space<vmem_shared>>
      %dma_wait3A_255 = arith.constant 0 : i32
      %dma_wait3A_256 = arith.constant 0 : i32
      %dma_wait3A_257 = tpu.memref_slice %arg17[%run_scoped3A_79, %dma_wait3A_255, %dma_wait3A_256] : memref<2x64x128xf32, #tpu.memory_space<vmem>> -> memref<1x64x128xf32, #tpu.memory_space<vmem>>
      %dma_wait3A_258 = tpu.memref_squeeze %dma_wait3A_257 : memref<1x64x128xf32, #tpu.memory_space<vmem>> -> memref<64x128xf32, #tpu.memory_space<vmem>>
      tpu.wait_dma2 semaphore(%run_scoped3A_234 : memref<!tpu.dma_semaphore, #tpu.memory_space<semaphore_mem>>) src(%dma_wait3A_258 : memref<64x128xf32, #tpu.memory_space<vmem>>) dst(%dma_wait3A_254 : memref<64x128xf32, #tpu.memory_space<vmem_shared>>)
      tpu.yield
    }) : () -> ()
    %mul3A_80 = arith.constant 640 : i32
    %mul3A_81 = arith.muli %arg1, %mul3A_80 : i32
    %add3A_82 = arith.constant 320 : i32
    %add3A_83 = arith.addi %mul3A_81, %add3A_82 : i32
    %run_scoped3A_84 = arith.constant 0 : i32
    "tpu.region"() ({
      %run_scoped3A_234 = tpu.sem_alloc : memref<!tpu.dma_semaphore, #tpu.memory_space<semaphore_mem>>
      %dma_start3A_235 = arith.constant 0 : i32
      %dma_start3A_236 = tpu.memref_slice %arg18[%run_scoped3A_84, %dma_start3A_235] : memref<2x64xf32, #tpu.memory_space<vmem>> -> memref<1x64xf32, #tpu.memory_space<vmem>>
      %dma_start3A_237 = tpu.memref_squeeze %dma_start3A_236 : memref<1x64xf32, #tpu.memory_space<vmem>> -> memref<64xf32, #tpu.memory_space<vmem>>
      %dma_start3A_238 = tpu.memref_slice %arg11[%add3A_83] : memref<10240xf32, #tpu.memory_space<vmem_shared>> -> memref<64xf32, #tpu.memory_space<vmem_shared>>
      %dma_start3A_239 = tpu.memref_slice %arg11[%add3A_83] : memref<10240xf32, #tpu.memory_space<vmem_shared>> -> memref<64xf32, #tpu.memory_space<vmem_shared>>
      %dma_start3A_240 = arith.constant 0 : i32
      %dma_start3A_241 = tpu.memref_slice %arg18[%run_scoped3A_84, %dma_start3A_240] : memref<2x64xf32, #tpu.memory_space<vmem>> -> memref<1x64xf32, #tpu.memory_space<vmem>>
      %dma_start3A_242 = tpu.memref_squeeze %dma_start3A_241 : memref<1x64xf32, #tpu.memory_space<vmem>> -> memref<64xf32, #tpu.memory_space<vmem>>
      tpu.enqueue_dma source(%dma_start3A_242 : memref<64xf32, #tpu.memory_space<vmem>>) target(%dma_start3A_239 : memref<64xf32, #tpu.memory_space<vmem_shared>>) target_semaphore(%run_scoped3A_234 : memref<!tpu.dma_semaphore, #tpu.memory_space<semaphore_mem>>)
      %dma_wait3A_243 = arith.constant 0 : i32
      %dma_wait3A_244 = tpu.memref_slice %arg18[%run_scoped3A_84, %dma_wait3A_243] : memref<2x64xf32, #tpu.memory_space<vmem>> -> memref<1x64xf32, #tpu.memory_space<vmem>>
      %dma_wait3A_245 = tpu.memref_squeeze %dma_wait3A_244 : memref<1x64xf32, #tpu.memory_space<vmem>> -> memref<64xf32, #tpu.memory_space<vmem>>
      %dma_wait3A_246 = tpu.memref_slice %arg11[%add3A_83] : memref<10240xf32, #tpu.memory_space<vmem_shared>> -> memref<64xf32, #tpu.memory_space<vmem_shared>>
      %dma_wait3A_247 = tpu.memref_slice %arg11[%add3A_83] : memref<10240xf32, #tpu.memory_space<vmem_shared>> -> memref<64xf32, #tpu.memory_space<vmem_shared>>
      %dma_wait3A_248 = arith.constant 0 : i32
      %dma_wait3A_249 = tpu.memref_slice %arg18[%run_scoped3A_84, %dma_wait3A_248] : memref<2x64xf32, #tpu.memory_space<vmem>> -> memref<1x64xf32, #tpu.memory_space<vmem>>
      %dma_wait3A_250 = tpu.memref_squeeze %dma_wait3A_249 : memref<1x64xf32, #tpu.memory_space<vmem>> -> memref<64xf32, #tpu.memory_space<vmem>>
      tpu.wait_dma2 semaphore(%run_scoped3A_234 : memref<!tpu.dma_semaphore, #tpu.memory_space<semaphore_mem>>) src(%dma_wait3A_250 : memref<64xf32, #tpu.memory_space<vmem>>) dst(%dma_wait3A_247 : memref<64xf32, #tpu.memory_space<vmem_shared>>)
      tpu.yield
    }) : () -> ()
    %mul3A_85 = arith.constant 640 : i32
    %mul3A_86 = arith.muli %arg1, %mul3A_85 : i32
    %add3A_87 = arith.constant 384 : i32
    %add3A_88 = arith.addi %mul3A_86, %add3A_87 : i32
    %run_scoped3A_89 = arith.constant 0 : i32
    "tpu.region"() ({
      %run_scoped3A_234 = tpu.sem_alloc : memref<!tpu.dma_semaphore, #tpu.memory_space<semaphore_mem>>
      %dma_start3A_235 = arith.constant 0 : i32
      %dma_start3A_236 = arith.constant 0 : i32
      %dma_start3A_237 = tpu.memref_slice %arg17[%run_scoped3A_89, %dma_start3A_235, %dma_start3A_236] : memref<2x64x128xf32, #tpu.memory_space<vmem>> -> memref<1x64x128xf32, #tpu.memory_space<vmem>>
      %dma_start3A_238 = tpu.memref_squeeze %dma_start3A_237 : memref<1x64x128xf32, #tpu.memory_space<vmem>> -> memref<64x128xf32, #tpu.memory_space<vmem>>
      %dma_start3A_239 = arith.constant 0 : i32
      %dma_start3A_240 = tpu.memref_slice %arg10[%add3A_88, %dma_start3A_239] : memref<10240x128xf32, #tpu.memory_space<vmem_shared>> -> memref<64x128xf32, #tpu.memory_space<vmem_shared>>
      %dma_start3A_241 = arith.constant 0 : i32
      %dma_start3A_242 = tpu.memref_slice %arg10[%add3A_88, %dma_start3A_241] : memref<10240x128xf32, #tpu.memory_space<vmem_shared>> -> memref<64x128xf32, #tpu.memory_space<vmem_shared>>
      %dma_start3A_243 = arith.constant 0 : i32
      %dma_start3A_244 = arith.constant 0 : i32
      %dma_start3A_245 = tpu.memref_slice %arg17[%run_scoped3A_89, %dma_start3A_243, %dma_start3A_244] : memref<2x64x128xf32, #tpu.memory_space<vmem>> -> memref<1x64x128xf32, #tpu.memory_space<vmem>>
      %dma_start3A_246 = tpu.memref_squeeze %dma_start3A_245 : memref<1x64x128xf32, #tpu.memory_space<vmem>> -> memref<64x128xf32, #tpu.memory_space<vmem>>
      tpu.enqueue_dma source(%dma_start3A_246 : memref<64x128xf32, #tpu.memory_space<vmem>>) target(%dma_start3A_242 : memref<64x128xf32, #tpu.memory_space<vmem_shared>>) target_semaphore(%run_scoped3A_234 : memref<!tpu.dma_semaphore, #tpu.memory_space<semaphore_mem>>)
      %dma_wait3A_247 = arith.constant 0 : i32
      %dma_wait3A_248 = arith.constant 0 : i32
      %dma_wait3A_249 = tpu.memref_slice %arg17[%run_scoped3A_89, %dma_wait3A_247, %dma_wait3A_248] : memref<2x64x128xf32, #tpu.memory_space<vmem>> -> memref<1x64x128xf32, #tpu.memory_space<vmem>>
      %dma_wait3A_250 = tpu.memref_squeeze %dma_wait3A_249 : memref<1x64x128xf32, #tpu.memory_space<vmem>> -> memref<64x128xf32, #tpu.memory_space<vmem>>
      %dma_wait3A_251 = arith.constant 0 : i32
      %dma_wait3A_252 = tpu.memref_slice %arg10[%add3A_88, %dma_wait3A_251] : memref<10240x128xf32, #tpu.memory_space<vmem_shared>> -> memref<64x128xf32, #tpu.memory_space<vmem_shared>>
      %dma_wait3A_253 = arith.constant 0 : i32
      %dma_wait3A_254 = tpu.memref_slice %arg10[%add3A_88, %dma_wait3A_253] : memref<10240x128xf32, #tpu.memory_space<vmem_shared>> -> memref<64x128xf32, #tpu.memory_space<vmem_shared>>
      %dma_wait3A_255 = arith.constant 0 : i32
      %dma_wait3A_256 = arith.constant 0 : i32
      %dma_wait3A_257 = tpu.memref_slice %arg17[%run_scoped3A_89, %dma_wait3A_255, %dma_wait3A_256] : memref<2x64x128xf32, #tpu.memory_space<vmem>> -> memref<1x64x128xf32, #tpu.memory_space<vmem>>
      %dma_wait3A_258 = tpu.memref_squeeze %dma_wait3A_257 : memref<1x64x128xf32, #tpu.memory_space<vmem>> -> memref<64x128xf32, #tpu.memory_space<vmem>>
      tpu.wait_dma2 semaphore(%run_scoped3A_234 : memref<!tpu.dma_semaphore, #tpu.memory_space<semaphore_mem>>) src(%dma_wait3A_258 : memref<64x128xf32, #tpu.memory_space<vmem>>) dst(%dma_wait3A_254 : memref<64x128xf32, #tpu.memory_space<vmem_shared>>)
      tpu.yield
    }) : () -> ()
    %mul3A_90 = arith.constant 640 : i32
    %mul3A_91 = arith.muli %arg1, %mul3A_90 : i32
    %add3A_92 = arith.constant 384 : i32
    %add3A_93 = arith.addi %mul3A_91, %add3A_92 : i32
    %run_scoped3A_94 = arith.constant 0 : i32
    "tpu.region"() ({
      %run_scoped3A_234 = tpu.sem_alloc : memref<!tpu.dma_semaphore, #tpu.memory_space<semaphore_mem>>
      %dma_start3A_235 = arith.constant 0 : i32
      %dma_start3A_236 = tpu.memref_slice %arg18[%run_scoped3A_94, %dma_start3A_235] : memref<2x64xf32, #tpu.memory_space<vmem>> -> memref<1x64xf32, #tpu.memory_space<vmem>>
      %dma_start3A_237 = tpu.memref_squeeze %dma_start3A_236 : memref<1x64xf32, #tpu.memory_space<vmem>> -> memref<64xf32, #tpu.memory_space<vmem>>
      %dma_start3A_238 = tpu.memref_slice %arg11[%add3A_93] : memref<10240xf32, #tpu.memory_space<vmem_shared>> -> memref<64xf32, #tpu.memory_space<vmem_shared>>
      %dma_start3A_239 = tpu.memref_slice %arg11[%add3A_93] : memref<10240xf32, #tpu.memory_space<vmem_shared>> -> memref<64xf32, #tpu.memory_space<vmem_shared>>
      %dma_start3A_240 = arith.constant 0 : i32
      %dma_start3A_241 = tpu.memref_slice %arg18[%run_scoped3A_94, %dma_start3A_240] : memref<2x64xf32, #tpu.memory_space<vmem>> -> memref<1x64xf32, #tpu.memory_space<vmem>>
      %dma_start3A_242 = tpu.memref_squeeze %dma_start3A_241 : memref<1x64xf32, #tpu.memory_space<vmem>> -> memref<64xf32, #tpu.memory_space<vmem>>
      tpu.enqueue_dma source(%dma_start3A_242 : memref<64xf32, #tpu.memory_space<vmem>>) target(%dma_start3A_239 : memref<64xf32, #tpu.memory_space<vmem_shared>>) target_semaphore(%run_scoped3A_234 : memref<!tpu.dma_semaphore, #tpu.memory_space<semaphore_mem>>)
      %dma_wait3A_243 = arith.constant 0 : i32
      %dma_wait3A_244 = tpu.memref_slice %arg18[%run_scoped3A_94, %dma_wait3A_243] : memref<2x64xf32, #tpu.memory_space<vmem>> -> memref<1x64xf32, #tpu.memory_space<vmem>>
      %dma_wait3A_245 = tpu.memref_squeeze %dma_wait3A_244 : memref<1x64xf32, #tpu.memory_space<vmem>> -> memref<64xf32, #tpu.memory_space<vmem>>
      %dma_wait3A_246 = tpu.memref_slice %arg11[%add3A_93] : memref<10240xf32, #tpu.memory_space<vmem_shared>> -> memref<64xf32, #tpu.memory_space<vmem_shared>>
      %dma_wait3A_247 = tpu.memref_slice %arg11[%add3A_93] : memref<10240xf32, #tpu.memory_space<vmem_shared>> -> memref<64xf32, #tpu.memory_space<vmem_shared>>
      %dma_wait3A_248 = arith.constant 0 : i32
      %dma_wait3A_249 = tpu.memref_slice %arg18[%run_scoped3A_94, %dma_wait3A_248] : memref<2x64xf32, #tpu.memory_space<vmem>> -> memref<1x64xf32, #tpu.memory_space<vmem>>
      %dma_wait3A_250 = tpu.memref_squeeze %dma_wait3A_249 : memref<1x64xf32, #tpu.memory_space<vmem>> -> memref<64xf32, #tpu.memory_space<vmem>>
      tpu.wait_dma2 semaphore(%run_scoped3A_234 : memref<!tpu.dma_semaphore, #tpu.memory_space<semaphore_mem>>) src(%dma_wait3A_250 : memref<64xf32, #tpu.memory_space<vmem>>) dst(%dma_wait3A_247 : memref<64xf32, #tpu.memory_space<vmem_shared>>)
      tpu.yield
    }) : () -> ()
    %mul3A_95 = arith.constant 640 : i32
    %mul3A_96 = arith.muli %arg1, %mul3A_95 : i32
    %add3A_97 = arith.constant 448 : i32
    %add3A_98 = arith.addi %mul3A_96, %add3A_97 : i32
    %run_scoped3A_99 = arith.constant 0 : i32
    "tpu.region"() ({
      %run_scoped3A_234 = tpu.sem_alloc : memref<!tpu.dma_semaphore, #tpu.memory_space<semaphore_mem>>
      %dma_start3A_235 = arith.constant 0 : i32
      %dma_start3A_236 = arith.constant 0 : i32
      %dma_start3A_237 = tpu.memref_slice %arg17[%run_scoped3A_99, %dma_start3A_235, %dma_start3A_236] : memref<2x64x128xf32, #tpu.memory_space<vmem>> -> memref<1x64x128xf32, #tpu.memory_space<vmem>>
      %dma_start3A_238 = tpu.memref_squeeze %dma_start3A_237 : memref<1x64x128xf32, #tpu.memory_space<vmem>> -> memref<64x128xf32, #tpu.memory_space<vmem>>
      %dma_start3A_239 = arith.constant 0 : i32
      %dma_start3A_240 = tpu.memref_slice %arg10[%add3A_98, %dma_start3A_239] : memref<10240x128xf32, #tpu.memory_space<vmem_shared>> -> memref<64x128xf32, #tpu.memory_space<vmem_shared>>
      %dma_start3A_241 = arith.constant 0 : i32
      %dma_start3A_242 = tpu.memref_slice %arg10[%add3A_98, %dma_start3A_241] : memref<10240x128xf32, #tpu.memory_space<vmem_shared>> -> memref<64x128xf32, #tpu.memory_space<vmem_shared>>
      %dma_start3A_243 = arith.constant 0 : i32
      %dma_start3A_244 = arith.constant 0 : i32
      %dma_start3A_245 = tpu.memref_slice %arg17[%run_scoped3A_99, %dma_start3A_243, %dma_start3A_244] : memref<2x64x128xf32, #tpu.memory_space<vmem>> -> memref<1x64x128xf32, #tpu.memory_space<vmem>>
      %dma_start3A_246 = tpu.memref_squeeze %dma_start3A_245 : memref<1x64x128xf32, #tpu.memory_space<vmem>> -> memref<64x128xf32, #tpu.memory_space<vmem>>
      tpu.enqueue_dma source(%dma_start3A_246 : memref<64x128xf32, #tpu.memory_space<vmem>>) target(%dma_start3A_242 : memref<64x128xf32, #tpu.memory_space<vmem_shared>>) target_semaphore(%run_scoped3A_234 : memref<!tpu.dma_semaphore, #tpu.memory_space<semaphore_mem>>)
      %dma_wait3A_247 = arith.constant 0 : i32
      %dma_wait3A_248 = arith.constant 0 : i32
      %dma_wait3A_249 = tpu.memref_slice %arg17[%run_scoped3A_99, %dma_wait3A_247, %dma_wait3A_248] : memref<2x64x128xf32, #tpu.memory_space<vmem>> -> memref<1x64x128xf32, #tpu.memory_space<vmem>>
      %dma_wait3A_250 = tpu.memref_squeeze %dma_wait3A_249 : memref<1x64x128xf32, #tpu.memory_space<vmem>> -> memref<64x128xf32, #tpu.memory_space<vmem>>
      %dma_wait3A_251 = arith.constant 0 : i32
      %dma_wait3A_252 = tpu.memref_slice %arg10[%add3A_98, %dma_wait3A_251] : memref<10240x128xf32, #tpu.memory_space<vmem_shared>> -> memref<64x128xf32, #tpu.memory_space<vmem_shared>>
      %dma_wait3A_253 = arith.constant 0 : i32
      %dma_wait3A_254 = tpu.memref_slice %arg10[%add3A_98, %dma_wait3A_253] : memref<10240x128xf32, #tpu.memory_space<vmem_shared>> -> memref<64x128xf32, #tpu.memory_space<vmem_shared>>
      %dma_wait3A_255 = arith.constant 0 : i32
      %dma_wait3A_256 = arith.constant 0 : i32
      %dma_wait3A_257 = tpu.memref_slice %arg17[%run_scoped3A_99, %dma_wait3A_255, %dma_wait3A_256] : memref<2x64x128xf32, #tpu.memory_space<vmem>> -> memref<1x64x128xf32, #tpu.memory_space<vmem>>
      %dma_wait3A_258 = tpu.memref_squeeze %dma_wait3A_257 : memref<1x64x128xf32, #tpu.memory_space<vmem>> -> memref<64x128xf32, #tpu.memory_space<vmem>>
      tpu.wait_dma2 semaphore(%run_scoped3A_234 : memref<!tpu.dma_semaphore, #tpu.memory_space<semaphore_mem>>) src(%dma_wait3A_258 : memref<64x128xf32, #tpu.memory_space<vmem>>) dst(%dma_wait3A_254 : memref<64x128xf32, #tpu.memory_space<vmem_shared>>)
      tpu.yield
    }) : () -> ()
    %mul3A_100 = arith.constant 640 : i32
    %mul3A_101 = arith.muli %arg1, %mul3A_100 : i32
    %add3A_102 = arith.constant 448 : i32
    %add3A_103 = arith.addi %mul3A_101, %add3A_102 : i32
    %run_scoped3A_104 = arith.constant 0 : i32
    "tpu.region"() ({
      %run_scoped3A_234 = tpu.sem_alloc : memref<!tpu.dma_semaphore, #tpu.memory_space<semaphore_mem>>
      %dma_start3A_235 = arith.constant 0 : i32
      %dma_start3A_236 = tpu.memref_slice %arg18[%run_scoped3A_104, %dma_start3A_235] : memref<2x64xf32, #tpu.memory_space<vmem>> -> memref<1x64xf32, #tpu.memory_space<vmem>>
      %dma_start3A_237 = tpu.memref_squeeze %dma_start3A_236 : memref<1x64xf32, #tpu.memory_space<vmem>> -> memref<64xf32, #tpu.memory_space<vmem>>
      %dma_start3A_238 = tpu.memref_slice %arg11[%add3A_103] : memref<10240xf32, #tpu.memory_space<vmem_shared>> -> memref<64xf32, #tpu.memory_space<vmem_shared>>
      %dma_start3A_239 = tpu.memref_slice %arg11[%add3A_103] : memref<10240xf32, #tpu.memory_space<vmem_shared>> -> memref<64xf32, #tpu.memory_space<vmem_shared>>
      %dma_start3A_240 = arith.constant 0 : i32
      %dma_start3A_241 = tpu.memref_slice %arg18[%run_scoped3A_104, %dma_start3A_240] : memref<2x64xf32, #tpu.memory_space<vmem>> -> memref<1x64xf32, #tpu.memory_space<vmem>>
      %dma_start3A_242 = tpu.memref_squeeze %dma_start3A_241 : memref<1x64xf32, #tpu.memory_space<vmem>> -> memref<64xf32, #tpu.memory_space<vmem>>
      tpu.enqueue_dma source(%dma_start3A_242 : memref<64xf32, #tpu.memory_space<vmem>>) target(%dma_start3A_239 : memref<64xf32, #tpu.memory_space<vmem_shared>>) target_semaphore(%run_scoped3A_234 : memref<!tpu.dma_semaphore, #tpu.memory_space<semaphore_mem>>)
      %dma_wait3A_243 = arith.constant 0 : i32
      %dma_wait3A_244 = tpu.memref_slice %arg18[%run_scoped3A_104, %dma_wait3A_243] : memref<2x64xf32, #tpu.memory_space<vmem>> -> memref<1x64xf32, #tpu.memory_space<vmem>>
      %dma_wait3A_245 = tpu.memref_squeeze %dma_wait3A_244 : memref<1x64xf32, #tpu.memory_space<vmem>> -> memref<64xf32, #tpu.memory_space<vmem>>
      %dma_wait3A_246 = tpu.memref_slice %arg11[%add3A_103] : memref<10240xf32, #tpu.memory_space<vmem_shared>> -> memref<64xf32, #tpu.memory_space<vmem_shared>>
      %dma_wait3A_247 = tpu.memref_slice %arg11[%add3A_103] : memref<10240xf32, #tpu.memory_space<vmem_shared>> -> memref<64xf32, #tpu.memory_space<vmem_shared>>
      %dma_wait3A_248 = arith.constant 0 : i32
      %dma_wait3A_249 = tpu.memref_slice %arg18[%run_scoped3A_104, %dma_wait3A_248] : memref<2x64xf32, #tpu.memory_space<vmem>> -> memref<1x64xf32, #tpu.memory_space<vmem>>
      %dma_wait3A_250 = tpu.memref_squeeze %dma_wait3A_249 : memref<1x64xf32, #tpu.memory_space<vmem>> -> memref<64xf32, #tpu.memory_space<vmem>>
      tpu.wait_dma2 semaphore(%run_scoped3A_234 : memref<!tpu.dma_semaphore, #tpu.memory_space<semaphore_mem>>) src(%dma_wait3A_250 : memref<64xf32, #tpu.memory_space<vmem>>) dst(%dma_wait3A_247 : memref<64xf32, #tpu.memory_space<vmem_shared>>)
      tpu.yield
    }) : () -> ()
    %mul3A_105 = arith.constant 640 : i32
    %mul3A_106 = arith.muli %arg1, %mul3A_105 : i32
    %add3A_107 = arith.constant 512 : i32
    %add3A_108 = arith.addi %mul3A_106, %add3A_107 : i32
    %run_scoped3A_109 = arith.constant 0 : i32
    "tpu.region"() ({
      %run_scoped3A_234 = tpu.sem_alloc : memref<!tpu.dma_semaphore, #tpu.memory_space<semaphore_mem>>
      %dma_start3A_235 = arith.constant 0 : i32
      %dma_start3A_236 = arith.constant 0 : i32
      %dma_start3A_237 = tpu.memref_slice %arg17[%run_scoped3A_109, %dma_start3A_235, %dma_start3A_236] : memref<2x64x128xf32, #tpu.memory_space<vmem>> -> memref<1x64x128xf32, #tpu.memory_space<vmem>>
      %dma_start3A_238 = tpu.memref_squeeze %dma_start3A_237 : memref<1x64x128xf32, #tpu.memory_space<vmem>> -> memref<64x128xf32, #tpu.memory_space<vmem>>
      %dma_start3A_239 = arith.constant 0 : i32
      %dma_start3A_240 = tpu.memref_slice %arg10[%add3A_108, %dma_start3A_239] : memref<10240x128xf32, #tpu.memory_space<vmem_shared>> -> memref<64x128xf32, #tpu.memory_space<vmem_shared>>
      %dma_start3A_241 = arith.constant 0 : i32
      %dma_start3A_242 = tpu.memref_slice %arg10[%add3A_108, %dma_start3A_241] : memref<10240x128xf32, #tpu.memory_space<vmem_shared>> -> memref<64x128xf32, #tpu.memory_space<vmem_shared>>
      %dma_start3A_243 = arith.constant 0 : i32
      %dma_start3A_244 = arith.constant 0 : i32
      %dma_start3A_245 = tpu.memref_slice %arg17[%run_scoped3A_109, %dma_start3A_243, %dma_start3A_244] : memref<2x64x128xf32, #tpu.memory_space<vmem>> -> memref<1x64x128xf32, #tpu.memory_space<vmem>>
      %dma_start3A_246 = tpu.memref_squeeze %dma_start3A_245 : memref<1x64x128xf32, #tpu.memory_space<vmem>> -> memref<64x128xf32, #tpu.memory_space<vmem>>
      tpu.enqueue_dma source(%dma_start3A_246 : memref<64x128xf32, #tpu.memory_space<vmem>>) target(%dma_start3A_242 : memref<64x128xf32, #tpu.memory_space<vmem_shared>>) target_semaphore(%run_scoped3A_234 : memref<!tpu.dma_semaphore, #tpu.memory_space<semaphore_mem>>)
      %dma_wait3A_247 = arith.constant 0 : i32
      %dma_wait3A_248 = arith.constant 0 : i32
      %dma_wait3A_249 = tpu.memref_slice %arg17[%run_scoped3A_109, %dma_wait3A_247, %dma_wait3A_248] : memref<2x64x128xf32, #tpu.memory_space<vmem>> -> memref<1x64x128xf32, #tpu.memory_space<vmem>>
      %dma_wait3A_250 = tpu.memref_squeeze %dma_wait3A_249 : memref<1x64x128xf32, #tpu.memory_space<vmem>> -> memref<64x128xf32, #tpu.memory_space<vmem>>
      %dma_wait3A_251 = arith.constant 0 : i32
      %dma_wait3A_252 = tpu.memref_slice %arg10[%add3A_108, %dma_wait3A_251] : memref<10240x128xf32, #tpu.memory_space<vmem_shared>> -> memref<64x128xf32, #tpu.memory_space<vmem_shared>>
      %dma_wait3A_253 = arith.constant 0 : i32
      %dma_wait3A_254 = tpu.memref_slice %arg10[%add3A_108, %dma_wait3A_253] : memref<10240x128xf32, #tpu.memory_space<vmem_shared>> -> memref<64x128xf32, #tpu.memory_space<vmem_shared>>
      %dma_wait3A_255 = arith.constant 0 : i32
      %dma_wait3A_256 = arith.constant 0 : i32
      %dma_wait3A_257 = tpu.memref_slice %arg17[%run_scoped3A_109, %dma_wait3A_255, %dma_wait3A_256] : memref<2x64x128xf32, #tpu.memory_space<vmem>> -> memref<1x64x128xf32, #tpu.memory_space<vmem>>
      %dma_wait3A_258 = tpu.memref_squeeze %dma_wait3A_257 : memref<1x64x128xf32, #tpu.memory_space<vmem>> -> memref<64x128xf32, #tpu.memory_space<vmem>>
      tpu.wait_dma2 semaphore(%run_scoped3A_234 : memref<!tpu.dma_semaphore, #tpu.memory_space<semaphore_mem>>) src(%dma_wait3A_258 : memref<64x128xf32, #tpu.memory_space<vmem>>) dst(%dma_wait3A_254 : memref<64x128xf32, #tpu.memory_space<vmem_shared>>)
      tpu.yield
    }) : () -> ()
    %mul3A_110 = arith.constant 640 : i32
    %mul3A_111 = arith.muli %arg1, %mul3A_110 : i32
    %add3A_112 = arith.constant 512 : i32
    %add3A_113 = arith.addi %mul3A_111, %add3A_112 : i32
    %run_scoped3A_114 = arith.constant 0 : i32
    "tpu.region"() ({
      %run_scoped3A_234 = tpu.sem_alloc : memref<!tpu.dma_semaphore, #tpu.memory_space<semaphore_mem>>
      %dma_start3A_235 = arith.constant 0 : i32
      %dma_start3A_236 = tpu.memref_slice %arg18[%run_scoped3A_114, %dma_start3A_235] : memref<2x64xf32, #tpu.memory_space<vmem>> -> memref<1x64xf32, #tpu.memory_space<vmem>>
      %dma_start3A_237 = tpu.memref_squeeze %dma_start3A_236 : memref<1x64xf32, #tpu.memory_space<vmem>> -> memref<64xf32, #tpu.memory_space<vmem>>
      %dma_start3A_238 = tpu.memref_slice %arg11[%add3A_113] : memref<10240xf32, #tpu.memory_space<vmem_shared>> -> memref<64xf32, #tpu.memory_space<vmem_shared>>
      %dma_start3A_239 = tpu.memref_slice %arg11[%add3A_113] : memref<10240xf32, #tpu.memory_space<vmem_shared>> -> memref<64xf32, #tpu.memory_space<vmem_shared>>
      %dma_start3A_240 = arith.constant 0 : i32
      %dma_start3A_241 = tpu.memref_slice %arg18[%run_scoped3A_114, %dma_start3A_240] : memref<2x64xf32, #tpu.memory_space<vmem>> -> memref<1x64xf32, #tpu.memory_space<vmem>>
      %dma_start3A_242 = tpu.memref_squeeze %dma_start3A_241 : memref<1x64xf32, #tpu.memory_space<vmem>> -> memref<64xf32, #tpu.memory_space<vmem>>
      tpu.enqueue_dma source(%dma_start3A_242 : memref<64xf32, #tpu.memory_space<vmem>>) target(%dma_start3A_239 : memref<64xf32, #tpu.memory_space<vmem_shared>>) target_semaphore(%run_scoped3A_234 : memref<!tpu.dma_semaphore, #tpu.memory_space<semaphore_mem>>)
      %dma_wait3A_243 = arith.constant 0 : i32
      %dma_wait3A_244 = tpu.memref_slice %arg18[%run_scoped3A_114, %dma_wait3A_243] : memref<2x64xf32, #tpu.memory_space<vmem>> -> memref<1x64xf32, #tpu.memory_space<vmem>>
      %dma_wait3A_245 = tpu.memref_squeeze %dma_wait3A_244 : memref<1x64xf32, #tpu.memory_space<vmem>> -> memref<64xf32, #tpu.memory_space<vmem>>
      %dma_wait3A_246 = tpu.memref_slice %arg11[%add3A_113] : memref<10240xf32, #tpu.memory_space<vmem_shared>> -> memref<64xf32, #tpu.memory_space<vmem_shared>>
      %dma_wait3A_247 = tpu.memref_slice %arg11[%add3A_113] : memref<10240xf32, #tpu.memory_space<vmem_shared>> -> memref<64xf32, #tpu.memory_space<vmem_shared>>
      %dma_wait3A_248 = arith.constant 0 : i32
      %dma_wait3A_249 = tpu.memref_slice %arg18[%run_scoped3A_114, %dma_wait3A_248] : memref<2x64xf32, #tpu.memory_space<vmem>> -> memref<1x64xf32, #tpu.memory_space<vmem>>
      %dma_wait3A_250 = tpu.memref_squeeze %dma_wait3A_249 : memref<1x64xf32, #tpu.memory_space<vmem>> -> memref<64xf32, #tpu.memory_space<vmem>>
      tpu.wait_dma2 semaphore(%run_scoped3A_234 : memref<!tpu.dma_semaphore, #tpu.memory_space<semaphore_mem>>) src(%dma_wait3A_250 : memref<64xf32, #tpu.memory_space<vmem>>) dst(%dma_wait3A_247 : memref<64xf32, #tpu.memory_space<vmem_shared>>)
      tpu.yield
    }) : () -> ()
    %mul3A_115 = arith.constant 640 : i32
    %mul3A_116 = arith.muli %arg1, %mul3A_115 : i32
    %add3A_117 = arith.constant 576 : i32
    %add3A_118 = arith.addi %mul3A_116, %add3A_117 : i32
    %run_scoped3A_119 = arith.constant 0 : i32
    "tpu.region"() ({
      %run_scoped3A_234 = tpu.sem_alloc : memref<!tpu.dma_semaphore, #tpu.memory_space<semaphore_mem>>
      %dma_start3A_235 = arith.constant 0 : i32
      %dma_start3A_236 = arith.constant 0 : i32
      %dma_start3A_237 = tpu.memref_slice %arg17[%run_scoped3A_119, %dma_start3A_235, %dma_start3A_236] : memref<2x64x128xf32, #tpu.memory_space<vmem>> -> memref<1x64x128xf32, #tpu.memory_space<vmem>>
      %dma_start3A_238 = tpu.memref_squeeze %dma_start3A_237 : memref<1x64x128xf32, #tpu.memory_space<vmem>> -> memref<64x128xf32, #tpu.memory_space<vmem>>
      %dma_start3A_239 = arith.constant 0 : i32
      %dma_start3A_240 = tpu.memref_slice %arg10[%add3A_118, %dma_start3A_239] : memref<10240x128xf32, #tpu.memory_space<vmem_shared>> -> memref<64x128xf32, #tpu.memory_space<vmem_shared>>
      %dma_start3A_241 = arith.constant 0 : i32
      %dma_start3A_242 = tpu.memref_slice %arg10[%add3A_118, %dma_start3A_241] : memref<10240x128xf32, #tpu.memory_space<vmem_shared>> -> memref<64x128xf32, #tpu.memory_space<vmem_shared>>
      %dma_start3A_243 = arith.constant 0 : i32
      %dma_start3A_244 = arith.constant 0 : i32
      %dma_start3A_245 = tpu.memref_slice %arg17[%run_scoped3A_119, %dma_start3A_243, %dma_start3A_244] : memref<2x64x128xf32, #tpu.memory_space<vmem>> -> memref<1x64x128xf32, #tpu.memory_space<vmem>>
      %dma_start3A_246 = tpu.memref_squeeze %dma_start3A_245 : memref<1x64x128xf32, #tpu.memory_space<vmem>> -> memref<64x128xf32, #tpu.memory_space<vmem>>
      tpu.enqueue_dma source(%dma_start3A_246 : memref<64x128xf32, #tpu.memory_space<vmem>>) target(%dma_start3A_242 : memref<64x128xf32, #tpu.memory_space<vmem_shared>>) target_semaphore(%run_scoped3A_234 : memref<!tpu.dma_semaphore, #tpu.memory_space<semaphore_mem>>)
      %dma_wait3A_247 = arith.constant 0 : i32
      %dma_wait3A_248 = arith.constant 0 : i32
      %dma_wait3A_249 = tpu.memref_slice %arg17[%run_scoped3A_119, %dma_wait3A_247, %dma_wait3A_248] : memref<2x64x128xf32, #tpu.memory_space<vmem>> -> memref<1x64x128xf32, #tpu.memory_space<vmem>>
      %dma_wait3A_250 = tpu.memref_squeeze %dma_wait3A_249 : memref<1x64x128xf32, #tpu.memory_space<vmem>> -> memref<64x128xf32, #tpu.memory_space<vmem>>
      %dma_wait3A_251 = arith.constant 0 : i32
      %dma_wait3A_252 = tpu.memref_slice %arg10[%add3A_118, %dma_wait3A_251] : memref<10240x128xf32, #tpu.memory_space<vmem_shared>> -> memref<64x128xf32, #tpu.memory_space<vmem_shared>>
      %dma_wait3A_253 = arith.constant 0 : i32
      %dma_wait3A_254 = tpu.memref_slice %arg10[%add3A_118, %dma_wait3A_253] : memref<10240x128xf32, #tpu.memory_space<vmem_shared>> -> memref<64x128xf32, #tpu.memory_space<vmem_shared>>
      %dma_wait3A_255 = arith.constant 0 : i32
      %dma_wait3A_256 = arith.constant 0 : i32
      %dma_wait3A_257 = tpu.memref_slice %arg17[%run_scoped3A_119, %dma_wait3A_255, %dma_wait3A_256] : memref<2x64x128xf32, #tpu.memory_space<vmem>> -> memref<1x64x128xf32, #tpu.memory_space<vmem>>
      %dma_wait3A_258 = tpu.memref_squeeze %dma_wait3A_257 : memref<1x64x128xf32, #tpu.memory_space<vmem>> -> memref<64x128xf32, #tpu.memory_space<vmem>>
      tpu.wait_dma2 semaphore(%run_scoped3A_234 : memref<!tpu.dma_semaphore, #tpu.memory_space<semaphore_mem>>) src(%dma_wait3A_258 : memref<64x128xf32, #tpu.memory_space<vmem>>) dst(%dma_wait3A_254 : memref<64x128xf32, #tpu.memory_space<vmem_shared>>)
      tpu.yield
    }) : () -> ()
    %mul3A_120 = arith.constant 640 : i32
    %mul3A_121 = arith.muli %arg1, %mul3A_120 : i32
    %add3A_122 = arith.constant 576 : i32
    %add3A_123 = arith.addi %mul3A_121, %add3A_122 : i32
    %run_scoped3A_124 = arith.constant 0 : i32
    "tpu.region"() ({
      %run_scoped3A_234 = tpu.sem_alloc : memref<!tpu.dma_semaphore, #tpu.memory_space<semaphore_mem>>
      %dma_start3A_235 = arith.constant 0 : i32
      %dma_start3A_236 = tpu.memref_slice %arg18[%run_scoped3A_124, %dma_start3A_235] : memref<2x64xf32, #tpu.memory_space<vmem>> -> memref<1x64xf32, #tpu.memory_space<vmem>>
      %dma_start3A_237 = tpu.memref_squeeze %dma_start3A_236 : memref<1x64xf32, #tpu.memory_space<vmem>> -> memref<64xf32, #tpu.memory_space<vmem>>
      %dma_start3A_238 = tpu.memref_slice %arg11[%add3A_123] : memref<10240xf32, #tpu.memory_space<vmem_shared>> -> memref<64xf32, #tpu.memory_space<vmem_shared>>
      %dma_start3A_239 = tpu.memref_slice %arg11[%add3A_123] : memref<10240xf32, #tpu.memory_space<vmem_shared>> -> memref<64xf32, #tpu.memory_space<vmem_shared>>
      %dma_start3A_240 = arith.constant 0 : i32
      %dma_start3A_241 = tpu.memref_slice %arg18[%run_scoped3A_124, %dma_start3A_240] : memref<2x64xf32, #tpu.memory_space<vmem>> -> memref<1x64xf32, #tpu.memory_space<vmem>>
      %dma_start3A_242 = tpu.memref_squeeze %dma_start3A_241 : memref<1x64xf32, #tpu.memory_space<vmem>> -> memref<64xf32, #tpu.memory_space<vmem>>
      tpu.enqueue_dma source(%dma_start3A_242 : memref<64xf32, #tpu.memory_space<vmem>>) target(%dma_start3A_239 : memref<64xf32, #tpu.memory_space<vmem_shared>>) target_semaphore(%run_scoped3A_234 : memref<!tpu.dma_semaphore, #tpu.memory_space<semaphore_mem>>)
      %dma_wait3A_243 = arith.constant 0 : i32
      %dma_wait3A_244 = tpu.memref_slice %arg18[%run_scoped3A_124, %dma_wait3A_243] : memref<2x64xf32, #tpu.memory_space<vmem>> -> memref<1x64xf32, #tpu.memory_space<vmem>>
      %dma_wait3A_245 = tpu.memref_squeeze %dma_wait3A_244 : memref<1x64xf32, #tpu.memory_space<vmem>> -> memref<64xf32, #tpu.memory_space<vmem>>
      %dma_wait3A_246 = tpu.memref_slice %arg11[%add3A_123] : memref<10240xf32, #tpu.memory_space<vmem_shared>> -> memref<64xf32, #tpu.memory_space<vmem_shared>>
      %dma_wait3A_247 = tpu.memref_slice %arg11[%add3A_123] : memref<10240xf32, #tpu.memory_space<vmem_shared>> -> memref<64xf32, #tpu.memory_space<vmem_shared>>
      %dma_wait3A_248 = arith.constant 0 : i32
      %dma_wait3A_249 = tpu.memref_slice %arg18[%run_scoped3A_124, %dma_wait3A_248] : memref<2x64xf32, #tpu.memory_space<vmem>> -> memref<1x64xf32, #tpu.memory_space<vmem>>
      %dma_wait3A_250 = tpu.memref_squeeze %dma_wait3A_249 : memref<1x64xf32, #tpu.memory_space<vmem>> -> memref<64xf32, #tpu.memory_space<vmem>>
      tpu.wait_dma2 semaphore(%run_scoped3A_234 : memref<!tpu.dma_semaphore, #tpu.memory_space<semaphore_mem>>) src(%dma_wait3A_250 : memref<64xf32, #tpu.memory_space<vmem>>) dst(%dma_wait3A_247 : memref<64xf32, #tpu.memory_space<vmem_shared>>)
      tpu.yield
    }) : () -> ()
    %mul3A_125 = arith.constant 16 : i32
    %mul3A_126 = arith.muli %arg0, %mul3A_125 : i32
    "tpu.region"() ({
      %run_scoped3A_234 = tpu.sem_alloc : memref<!tpu.dma_semaphore, #tpu.memory_space<semaphore_mem>>
      %dma_start3A_235 = tpu.memref_slice %arg7[%mul3A_126] : memref<32xf32, #tpu.memory_space<hbm>> -> memref<16xf32, #tpu.memory_space<hbm>>
      %dma_start3A_236 = tpu.memref_slice %arg7[%mul3A_126] : memref<32xf32, #tpu.memory_space<hbm>> -> memref<16xf32, #tpu.memory_space<hbm>>
      tpu.enqueue_dma source(%dma_start3A_236 : memref<16xf32, #tpu.memory_space<hbm>>) target(%arg19 : memref<16xf32, #tpu.memory_space<vmem>>) target_semaphore(%run_scoped3A_234 : memref<!tpu.dma_semaphore, #tpu.memory_space<semaphore_mem>>)
      %dma_wait3A_237 = tpu.memref_slice %arg7[%mul3A_126] : memref<32xf32, #tpu.memory_space<hbm>> -> memref<16xf32, #tpu.memory_space<hbm>>
      %dma_wait3A_238 = tpu.memref_slice %arg7[%mul3A_126] : memref<32xf32, #tpu.memory_space<hbm>> -> memref<16xf32, #tpu.memory_space<hbm>>
      tpu.wait_dma2 semaphore(%run_scoped3A_234 : memref<!tpu.dma_semaphore, #tpu.memory_space<semaphore_mem>>) src(%dma_wait3A_238 : memref<16xf32, #tpu.memory_space<hbm>>) dst(%arg19 : memref<16xf32, #tpu.memory_space<vmem>>)
      tpu.yield
    }) : () -> ()
    %get3A = arith.constant 0 : index
    %get3A_127 = tpu.vector_load %arg19[%get3A] {strides = array<i32>} : memref<16xf32, #tpu.memory_space<vmem>>, vector<16xf32>,
    %barrier3A = arith.constant 0 : index
    tpu.barrier barrier_id(%barrier3A)
    %iota3A = tpu.iota {dimensions = array<i32: 0>} : vector<16xi32>
    "tpu.region"() ({
      %run_scoped3A_234 = tpu.sem_alloc : memref<!tpu.dma_semaphore, #tpu.memory_space<semaphore_mem>>
      %dma_start3A_235 = arith.constant 0 : i32
      %dma_start3A_236 = arith.constant 0 : i32
      %dma_start3A_237 = tpu.memref_slice %arg5[%arg0, %arg1, %dma_start3A_235, %dma_start3A_236] : memref<2x16x320x64xi32, #tpu.memory_space<hbm>> -> memref<1x1x32x64xi32, #tpu.memory_space<hbm>>
      %dma_start3A_238 = tpu.memref_squeeze %dma_start3A_237 : memref<1x1x32x64xi32, #tpu.memory_space<hbm>> -> memref<32x64xi32, #tpu.memory_space<hbm>>
      %dma_start3A_239 = arith.constant 0 : i32
      %dma_start3A_240 = arith.constant 0 : i32
      %dma_start3A_241 = tpu.memref_slice %arg5[%arg0, %arg1, %dma_start3A_239, %dma_start3A_240] : memref<2x16x320x64xi32, #tpu.memory_space<hbm>> -> memref<1x1x32x64xi32, #tpu.memory_space<hbm>>
      %dma_start3A_242 = tpu.memref_squeeze %dma_start3A_241 : memref<1x1x32x64xi32, #tpu.memory_space<hbm>> -> memref<32x64xi32, #tpu.memory_space<hbm>>
      tpu.enqueue_dma source(%dma_start3A_242 : memref<32x64xi32, #tpu.memory_space<hbm>>) target(%arg12 : memref<32x64xi32, #tpu.memory_space<vmem>>) target_semaphore(%run_scoped3A_234 : memref<!tpu.dma_semaphore, #tpu.memory_space<semaphore_mem>>)
      %dma_wait3A_243 = arith.constant 0 : i32
      %dma_wait3A_244 = arith.constant 0 : i32
      %dma_wait3A_245 = tpu.memref_slice %arg5[%arg0, %arg1, %dma_wait3A_243, %dma_wait3A_244] : memref<2x16x320x64xi32, #tpu.memory_space<hbm>> -> memref<1x1x32x64xi32, #tpu.memory_space<hbm>>
      %dma_wait3A_246 = tpu.memref_squeeze %dma_wait3A_245 : memref<1x1x32x64xi32, #tpu.memory_space<hbm>> -> memref<32x64xi32, #tpu.memory_space<hbm>>
      %dma_wait3A_247 = arith.constant 0 : i32
      %dma_wait3A_248 = arith.constant 0 : i32
      %dma_wait3A_249 = tpu.memref_slice %arg5[%arg0, %arg1, %dma_wait3A_247, %dma_wait3A_248] : memref<2x16x320x64xi32, #tpu.memory_space<hbm>> -> memref<1x1x32x64xi32, #tpu.memory_space<hbm>>
      %dma_wait3A_250 = tpu.memref_squeeze %dma_wait3A_249 : memref<1x1x32x64xi32, #tpu.memory_space<hbm>> -> memref<32x64xi32, #tpu.memory_space<hbm>>
      tpu.wait_dma2 semaphore(%run_scoped3A_234 : memref<!tpu.dma_semaphore, #tpu.memory_space<semaphore_mem>>) src(%dma_wait3A_250 : memref<32x64xi32, #tpu.memory_space<hbm>>) dst(%arg12 : memref<32x64xi32, #tpu.memory_space<vmem>>)
      tpu.yield
    }) : () -> ()
    "tpu.region"() ({
      %run_scoped3A_234 = tpu.sem_alloc : memref<!tpu.dma_semaphore, #tpu.memory_space<semaphore_mem>>
      %dma_start3A_235 = arith.constant 0 : i32
      %dma_start3A_236 = arith.constant 0 : i32
      %dma_start3A_237 = tpu.memref_slice %arg6[%arg0, %arg1, %dma_start3A_235, %dma_start3A_236] : memref<2x16x320x64xi32, #tpu.memory_space<hbm>> -> memref<1x1x32x64xi32, #tpu.memory_space<hbm>>
      %dma_start3A_238 = tpu.memref_squeeze %dma_start3A_237 : memref<1x1x32x64xi32, #tpu.memory_space<hbm>> -> memref<32x64xi32, #tpu.memory_space<hbm>>
      %dma_start3A_239 = arith.constant 0 : i32
      %dma_start3A_240 = arith.constant 0 : i32
      %dma_start3A_241 = tpu.memref_slice %arg6[%arg0, %arg1, %dma_start3A_239, %dma_start3A_240] : memref<2x16x320x64xi32, #tpu.memory_space<hbm>> -> memref<1x1x32x64xi32, #tpu.memory_space<hbm>>
      %dma_start3A_242 = tpu.memref_squeeze %dma_start3A_241 : memref<1x1x32x64xi32, #tpu.memory_space<hbm>> -> memref<32x64xi32, #tpu.memory_space<hbm>>
      tpu.enqueue_dma source(%dma_start3A_242 : memref<32x64xi32, #tpu.memory_space<hbm>>) target(%arg13 : memref<32x64xi32, #tpu.memory_space<vmem>>) target_semaphore(%run_scoped3A_234 : memref<!tpu.dma_semaphore, #tpu.memory_space<semaphore_mem>>)
      %dma_wait3A_243 = arith.constant 0 : i32
      %dma_wait3A_244 = arith.constant 0 : i32
      %dma_wait3A_245 = tpu.memref_slice %arg6[%arg0, %arg1, %dma_wait3A_243, %dma_wait3A_244] : memref<2x16x320x64xi32, #tpu.memory_space<hbm>> -> memref<1x1x32x64xi32, #tpu.memory_space<hbm>>
      %dma_wait3A_246 = tpu.memref_squeeze %dma_wait3A_245 : memref<1x1x32x64xi32, #tpu.memory_space<hbm>> -> memref<32x64xi32, #tpu.memory_space<hbm>>
      %dma_wait3A_247 = arith.constant 0 : i32
      %dma_wait3A_248 = arith.constant 0 : i32
      %dma_wait3A_249 = tpu.memref_slice %arg6[%arg0, %arg1, %dma_wait3A_247, %dma_wait3A_248] : memref<2x16x320x64xi32, #tpu.memory_space<hbm>> -> memref<1x1x32x64xi32, #tpu.memory_space<hbm>>
      %dma_wait3A_250 = tpu.memref_squeeze %dma_wait3A_249 : memref<1x1x32x64xi32, #tpu.memory_space<hbm>> -> memref<32x64xi32, #tpu.memory_space<hbm>>
      tpu.wait_dma2 semaphore(%run_scoped3A_234 : memref<!tpu.dma_semaphore, #tpu.memory_space<semaphore_mem>>) src(%dma_wait3A_250 : memref<32x64xi32, #tpu.memory_space<hbm>>) dst(%arg13 : memref<32x64xi32, #tpu.memory_space<vmem>>)
      tpu.yield
    }) : () -> ()
    %dma_start3A = arith.constant 0 : i32
    %dma_start3A_128 = arith.constant 0 : i32
    %dma_start3A_129 = arith.constant 0 : i32
    %dma_start3A_130 = arith.constant 0 : i32
    %dma_start3A_131 = tpu.memref_slice %arg14[%dma_start3A_128, %dma_start3A_129, %dma_start3A_130] : memref<4x64x64xi32, #tpu.memory_space<vmem>> -> memref<1x64x64xi32, #tpu.memory_space<vmem>>
    %dma_start3A_132 = tpu.memref_squeeze %dma_start3A_131 : memref<1x64x64xi32, #tpu.memory_space<vmem>> -> memref<64x64xi32, #tpu.memory_space<vmem>>
    %dma_start3A_133 = arith.constant 0 : i32
    %dma_start3A_134 = tpu.memref_slice %arg12[%dma_start3A, %dma_start3A_133] : memref<32x64xi32, #tpu.memory_space<vmem>> -> memref<1x64xi32, #tpu.memory_space<vmem>>
    %dma_start3A_135 = tpu.memref_squeeze %dma_start3A_134 : memref<1x64xi32, #tpu.memory_space<vmem>> -> memref<64xi32, #tpu.memory_space<vmem>>
    %dma_start3A_136 = arith.constant 0 : i32
    %dma_start3A_137 = arith.constant 0 : i32
    %dma_start3A_138 = tpu.memref_slice %arg2[%arg0, %dma_start3A_136, %dma_start3A_137] : memref<2x10000x64xi32, #tpu.memory_space<hbm>> -> memref<1x10000x64xi32, #tpu.memory_space<hbm>>
    %dma_start3A_139 = tpu.memref_squeeze %dma_start3A_138 : memref<1x10000x64xi32, #tpu.memory_space<hbm>> -> memref<10000x64xi32, #tpu.memory_space<hbm>>
    %dma_start3A_140 = arith.constant 0 : i32
    %dma_start3A_141 = arith.constant 0 : i32
    %dma_start3A_142 = tpu.memref_slice %dma_start3A_139[%dma_start3A_140, %dma_start3A_141] : memref<10000x64xi32, #tpu.memory_space<hbm>> -> memref<10000x64xi32, #tpu.memory_space<hbm>>
    tpu.enqueue_indirect_dma source(%dma_start3A_142 : memref<10000x64xi32, #tpu.memory_space<hbm>>) target(%dma_start3A_132 : memref<64x64xi32, #tpu.memory_space<vmem>>) offsets(%dma_start3A_135 : memref<64xi32, #tpu.memory_space<vmem>>) semaphore(%arg20 : memref<!tpu.dma_semaphore, #tpu.memory_space<semaphore_mem>>)
    %dma_start3A_143 = arith.constant 1 : i32
    %dma_start3A_144 = arith.constant 1 : i32
    %dma_start3A_145 = arith.constant 0 : i32
    %dma_start3A_146 = arith.constant 0 : i32
    %dma_start3A_147 = tpu.memref_slice %arg14[%dma_start3A_144, %dma_start3A_145, %dma_start3A_146] : memref<4x64x64xi32, #tpu.memory_space<vmem>> -> memref<1x64x64xi32, #tpu.memory_space<vmem>>
    %dma_start3A_148 = tpu.memref_squeeze %dma_start3A_147 : memref<1x64x64xi32, #tpu.memory_space<vmem>> -> memref<64x64xi32, #tpu.memory_space<vmem>>
    %dma_start3A_149 = arith.constant 0 : i32
    %dma_start3A_150 = tpu.memref_slice %arg12[%dma_start3A_143, %dma_start3A_149] : memref<32x64xi32, #tpu.memory_space<vmem>> -> memref<1x64xi32, #tpu.memory_space<vmem>>
    %dma_start3A_151 = tpu.memref_squeeze %dma_start3A_150 : memref<1x64xi32, #tpu.memory_space<vmem>> -> memref<64xi32, #tpu.memory_space<vmem>>
    %dma_start3A_152 = arith.constant 0 : i32
    %dma_start3A_153 = arith.constant 0 : i32
    %dma_start3A_154 = tpu.memref_slice %arg2[%arg0, %dma_start3A_152, %dma_start3A_153] : memref<2x10000x64xi32, #tpu.memory_space<hbm>> -> memref<1x10000x64xi32, #tpu.memory_space<hbm>>
    %dma_start3A_155 = tpu.memref_squeeze %dma_start3A_154 : memref<1x10000x64xi32, #tpu.memory_space<hbm>> -> memref<10000x64xi32, #tpu.memory_space<hbm>>
    %dma_start3A_156 = arith.constant 0 : i32
    %dma_start3A_157 = arith.constant 0 : i32
    %dma_start3A_158 = tpu.memref_slice %dma_start3A_155[%dma_start3A_156, %dma_start3A_157] : memref<10000x64xi32, #tpu.memory_space<hbm>> -> memref<10000x64xi32, #tpu.memory_space<hbm>>
    tpu.enqueue_indirect_dma source(%dma_start3A_158 : memref<10000x64xi32, #tpu.memory_space<hbm>>) target(%dma_start3A_148 : memref<64x64xi32, #tpu.memory_space<vmem>>) offsets(%dma_start3A_151 : memref<64xi32, #tpu.memory_space<vmem>>) semaphore(%arg21 : memref<!tpu.dma_semaphore, #tpu.memory_space<semaphore_mem>>)
    %dma_start3A_159 = arith.constant 2 : i32
    %dma_start3A_160 = arith.constant 2 : i32
    %dma_start3A_161 = arith.constant 0 : i32
    %dma_start3A_162 = arith.constant 0 : i32
    %dma_start3A_163 = tpu.memref_slice %arg14[%dma_start3A_160, %dma_start3A_161, %dma_start3A_162] : memref<4x64x64xi32, #tpu.memory_space<vmem>> -> memref<1x64x64xi32, #tpu.memory_space<vmem>>
    %dma_start3A_164 = tpu.memref_squeeze %dma_start3A_163 : memref<1x64x64xi32, #tpu.memory_space<vmem>> -> memref<64x64xi32, #tpu.memory_space<vmem>>
    %dma_start3A_165 = arith.constant 0 : i32
    %dma_start3A_166 = tpu.memref_slice %arg12[%dma_start3A_159, %dma_start3A_165] : memref<32x64xi32, #tpu.memory_space<vmem>> -> memref<1x64xi32, #tpu.memory_space<vmem>>
    %dma_start3A_167 = tpu.memref_squeeze %dma_start3A_166 : memref<1x64xi32, #tpu.memory_space<vmem>> -> memref<64xi32, #tpu.memory_space<vmem>>
    %dma_start3A_168 = arith.constant 0 : i32
    %dma_start3A_169 = arith.constant 0 : i32
    %dma_start3A_170 = tpu.memref_slice %arg2[%arg0, %dma_start3A_168, %dma_start3A_169] : memref<2x10000x64xi32, #tpu.memory_space<hbm>> -> memref<1x10000x64xi32, #tpu.memory_space<hbm>>
    %dma_start3A_171 = tpu.memref_squeeze %dma_start3A_170 : memref<1x10000x64xi32, #tpu.memory_space<hbm>> -> memref<10000x64xi32, #tpu.memory_space<hbm>>
    %dma_start3A_172 = arith.constant 0 : i32
    %dma_start3A_173 = arith.constant 0 : i32
    %dma_start3A_174 = tpu.memref_slice %dma_start3A_171[%dma_start3A_172, %dma_start3A_173] : memref<10000x64xi32, #tpu.memory_space<hbm>> -> memref<10000x64xi32, #tpu.memory_space<hbm>>
    tpu.enqueue_indirect_dma source(%dma_start3A_174 : memref<10000x64xi32, #tpu.memory_space<hbm>>) target(%dma_start3A_164 : memref<64x64xi32, #tpu.memory_space<vmem>>) offsets(%dma_start3A_167 : memref<64xi32, #tpu.memory_space<vmem>>) semaphore(%arg22 : memref<!tpu.dma_semaphore, #tpu.memory_space<semaphore_mem>>)
    %scan3A_175 = arith.constant 0 : i32
    %scan3A_176 = arith.constant 0 : i32
    %scan3A_177 = arith.constant 320 : i32
    %scan3A_178 = arith.addi %scan3A_176, %scan3A_177 : i32
    %scan3A_179 = arith.constant 1 : i32
    %scan3A_180 = scf.for %scan3A_234 = %scan3A_176 to %scan3A_178 step %scan3A_179 iter_args(%scan3A_235 = %scan3A_175) -> (i32)  : i32 {
      %and3A = arith.constant 1 : i32
      %and3A_236 = arith.andi %scan3A_234, %and3A : i32
      %and3A_237 = arith.constant 3 : i32
      %and3A_238 = arith.andi %scan3A_234, %and3A_237 : i32
      %rem3A = arith.constant 32 : i32
      %rem3A_239 = arith.remsi %scan3A_234, %rem3A : i32
      %add3A_240 = arith.constant 1 : i32
      %add3A_241 = arith.addi %scan3A_234, %add3A_240 : i32
      %eq3A = arith.constant 31 : i32
      %eq3A_242 = arith.cmpi eq, %rem3A_239, %eq3A : i32
      %lt3A = arith.constant 320 : i32
      %lt3A_243 = arith.cmpi slt, %add3A_241, %lt3A : i32
      %add3A_244 = arith.constant 3 : i32
      %add3A_245 = arith.addi %scan3A_234, %add3A_244 : i32
      %le3A = arith.constant 28 : i32
      %le3A_246 = arith.cmpi sle, %rem3A_239, %le3A : i32
      %lt3A_247 = arith.constant 320 : i32
      %lt3A_248 = arith.cmpi slt, %add3A_245, %lt3A_247 : i32
      %and3A_249 = arith.andi %le3A_246, %lt3A_248 : i1
      %convert_element_type3A = arith.extui %and3A_249 : i1 to i32
      %cond3A = arith.constant 0 : i32
      %cond3A_250 = arith.cmpi ne, %convert_element_type3A, %cond3A : i32
      scf.if %cond3A_250 {
        %eq3A_396 = arith.constant 0 : i32
        %eq3A_397 = arith.cmpi eq, %and3A_238, %eq3A_396 : i32
        %convert_element_type3A_398 = arith.extui %eq3A_397 : i1 to i32
        %cond3A_399 = arith.constant 0 : i32
        %cond3A_400 = arith.cmpi ne, %convert_element_type3A_398, %cond3A_399 : i32
        scf.if %cond3A_400 {
          %add3A_416 = arith.constant 3 : i32
          %add3A_417 = arith.addi %rem3A_239, %add3A_416 : i32
          %dma_start3A_418 = arith.constant 3 : i32
          %dma_start3A_419 = arith.constant 0 : i32
          %dma_start3A_420 = arith.constant 0 : i32
          %dma_start3A_421 = tpu.memref_slice %arg14[%dma_start3A_418, %dma_start3A_419, %dma_start3A_420] : memref<4x64x64xi32, #tpu.memory_space<vmem>> -> memref<1x64x64xi32, #tpu.memory_space<vmem>>
          %dma_start3A_422 = tpu.memref_squeeze %dma_start3A_421 : memref<1x64x64xi32, #tpu.memory_space<vmem>> -> memref<64x64xi32, #tpu.memory_space<vmem>>
          %dma_start3A_423 = arith.constant 0 : i32
          %dma_start3A_424 = tpu.memref_slice %arg12[%add3A_417, %dma_start3A_423] : memref<32x64xi32, #tpu.memory_space<vmem>> -> memref<1x64xi32, #tpu.memory_space<vmem>>
          %dma_start3A_425 = tpu.memref_squeeze %dma_start3A_424 : memref<1x64xi32, #tpu.memory_space<vmem>> -> memref<64xi32, #tpu.memory_space<vmem>>
          %dma_start3A_426 = arith.constant 0 : i32
          %dma_start3A_427 = arith.constant 0 : i32
          %dma_start3A_428 = tpu.memref_slice %arg2[%arg0, %dma_start3A_426, %dma_start3A_427] : memref<2x10000x64xi32, #tpu.memory_space<hbm>> -> memref<1x10000x64xi32, #tpu.memory_space<hbm>>
          %dma_start3A_429 = tpu.memref_squeeze %dma_start3A_428 : memref<1x10000x64xi32, #tpu.memory_space<hbm>> -> memref<10000x64xi32, #tpu.memory_space<hbm>>
          %dma_start3A_430 = arith.constant 0 : i32
          %dma_start3A_431 = arith.constant 0 : i32
          %dma_start3A_432 = tpu.memref_slice %dma_start3A_429[%dma_start3A_430, %dma_start3A_431] : memref<10000x64xi32, #tpu.memory_space<hbm>> -> memref<10000x64xi32, #tpu.memory_space<hbm>>
          tpu.enqueue_indirect_dma source(%dma_start3A_432 : memref<10000x64xi32, #tpu.memory_space<hbm>>) target(%dma_start3A_422 : memref<64x64xi32, #tpu.memory_space<vmem>>) offsets(%dma_start3A_425 : memref<64xi32, #tpu.memory_space<vmem>>) semaphore(%arg23 : memref<!tpu.dma_semaphore, #tpu.memory_space<semaphore_mem>>)
        } else {
        }
        %eq3A_401 = arith.constant 1 : i32
        %eq3A_402 = arith.cmpi eq, %and3A_238, %eq3A_401 : i32
        %convert_element_type3A_403 = arith.extui %eq3A_402 : i1 to i32
        %cond3A_404 = arith.constant 0 : i32
        %cond3A_405 = arith.cmpi ne, %convert_element_type3A_403, %cond3A_404 : i32
        scf.if %cond3A_405 {
          %add3A_416 = arith.constant 3 : i32
          %add3A_417 = arith.addi %rem3A_239, %add3A_416 : i32
          %dma_start3A_418 = arith.constant 0 : i32
          %dma_start3A_419 = arith.constant 0 : i32
          %dma_start3A_420 = arith.constant 0 : i32
          %dma_start3A_421 = tpu.memref_slice %arg14[%dma_start3A_418, %dma_start3A_419, %dma_start3A_420] : memref<4x64x64xi32, #tpu.memory_space<vmem>> -> memref<1x64x64xi32, #tpu.memory_space<vmem>>
          %dma_start3A_422 = tpu.memref_squeeze %dma_start3A_421 : memref<1x64x64xi32, #tpu.memory_space<vmem>> -> memref<64x64xi32, #tpu.memory_space<vmem>>
          %dma_start3A_423 = arith.constant 0 : i32
          %dma_start3A_424 = tpu.memref_slice %arg12[%add3A_417, %dma_start3A_423] : memref<32x64xi32, #tpu.memory_space<vmem>> -> memref<1x64xi32, #tpu.memory_space<vmem>>
          %dma_start3A_425 = tpu.memref_squeeze %dma_start3A_424 : memref<1x64xi32, #tpu.memory_space<vmem>> -> memref<64xi32, #tpu.memory_space<vmem>>
          %dma_start3A_426 = arith.constant 0 : i32
          %dma_start3A_427 = arith.constant 0 : i32
          %dma_start3A_428 = tpu.memref_slice %arg2[%arg0, %dma_start3A_426, %dma_start3A_427] : memref<2x10000x64xi32, #tpu.memory_space<hbm>> -> memref<1x10000x64xi32, #tpu.memory_space<hbm>>
          %dma_start3A_429 = tpu.memref_squeeze %dma_start3A_428 : memref<1x10000x64xi32, #tpu.memory_space<hbm>> -> memref<10000x64xi32, #tpu.memory_space<hbm>>
          %dma_start3A_430 = arith.constant 0 : i32
          %dma_start3A_431 = arith.constant 0 : i32
          %dma_start3A_432 = tpu.memref_slice %dma_start3A_429[%dma_start3A_430, %dma_start3A_431] : memref<10000x64xi32, #tpu.memory_space<hbm>> -> memref<10000x64xi32, #tpu.memory_space<hbm>>
          tpu.enqueue_indirect_dma source(%dma_start3A_432 : memref<10000x64xi32, #tpu.memory_space<hbm>>) target(%dma_start3A_422 : memref<64x64xi32, #tpu.memory_space<vmem>>) offsets(%dma_start3A_425 : memref<64xi32, #tpu.memory_space<vmem>>) semaphore(%arg20 : memref<!tpu.dma_semaphore, #tpu.memory_space<semaphore_mem>>)
        } else {
        }
        %eq3A_406 = arith.constant 2 : i32
        %eq3A_407 = arith.cmpi eq, %and3A_238, %eq3A_406 : i32
        %convert_element_type3A_408 = arith.extui %eq3A_407 : i1 to i32
        %cond3A_409 = arith.constant 0 : i32
        %cond3A_410 = arith.cmpi ne, %convert_element_type3A_408, %cond3A_409 : i32
        scf.if %cond3A_410 {
          %add3A_416 = arith.constant 3 : i32
          %add3A_417 = arith.addi %rem3A_239, %add3A_416 : i32
          %dma_start3A_418 = arith.constant 1 : i32
          %dma_start3A_419 = arith.constant 0 : i32
          %dma_start3A_420 = arith.constant 0 : i32
          %dma_start3A_421 = tpu.memref_slice %arg14[%dma_start3A_418, %dma_start3A_419, %dma_start3A_420] : memref<4x64x64xi32, #tpu.memory_space<vmem>> -> memref<1x64x64xi32, #tpu.memory_space<vmem>>
          %dma_start3A_422 = tpu.memref_squeeze %dma_start3A_421 : memref<1x64x64xi32, #tpu.memory_space<vmem>> -> memref<64x64xi32, #tpu.memory_space<vmem>>
          %dma_start3A_423 = arith.constant 0 : i32
          %dma_start3A_424 = tpu.memref_slice %arg12[%add3A_417, %dma_start3A_423] : memref<32x64xi32, #tpu.memory_space<vmem>> -> memref<1x64xi32, #tpu.memory_space<vmem>>
          %dma_start3A_425 = tpu.memref_squeeze %dma_start3A_424 : memref<1x64xi32, #tpu.memory_space<vmem>> -> memref<64xi32, #tpu.memory_space<vmem>>
          %dma_start3A_426 = arith.constant 0 : i32
          %dma_start3A_427 = arith.constant 0 : i32
          %dma_start3A_428 = tpu.memref_slice %arg2[%arg0, %dma_start3A_426, %dma_start3A_427] : memref<2x10000x64xi32, #tpu.memory_space<hbm>> -> memref<1x10000x64xi32, #tpu.memory_space<hbm>>
          %dma_start3A_429 = tpu.memref_squeeze %dma_start3A_428 : memref<1x10000x64xi32, #tpu.memory_space<hbm>> -> memref<10000x64xi32, #tpu.memory_space<hbm>>
          %dma_start3A_430 = arith.constant 0 : i32
          %dma_start3A_431 = arith.constant 0 : i32
          %dma_start3A_432 = tpu.memref_slice %dma_start3A_429[%dma_start3A_430, %dma_start3A_431] : memref<10000x64xi32, #tpu.memory_space<hbm>> -> memref<10000x64xi32, #tpu.memory_space<hbm>>
          tpu.enqueue_indirect_dma source(%dma_start3A_432 : memref<10000x64xi32, #tpu.memory_space<hbm>>) target(%dma_start3A_422 : memref<64x64xi32, #tpu.memory_space<vmem>>) offsets(%dma_start3A_425 : memref<64xi32, #tpu.memory_space<vmem>>) semaphore(%arg21 : memref<!tpu.dma_semaphore, #tpu.memory_space<semaphore_mem>>)
        } else {
        }
        %eq3A_411 = arith.constant 3 : i32
        %eq3A_412 = arith.cmpi eq, %and3A_238, %eq3A_411 : i32
        %convert_element_type3A_413 = arith.extui %eq3A_412 : i1 to i32
        %cond3A_414 = arith.constant 0 : i32
        %cond3A_415 = arith.cmpi ne, %convert_element_type3A_413, %cond3A_414 : i32
        scf.if %cond3A_415 {
          %add3A_416 = arith.constant 3 : i32
          %add3A_417 = arith.addi %rem3A_239, %add3A_416 : i32
          %dma_start3A_418 = arith.constant 2 : i32
          %dma_start3A_419 = arith.constant 0 : i32
          %dma_start3A_420 = arith.constant 0 : i32
          %dma_start3A_421 = tpu.memref_slice %arg14[%dma_start3A_418, %dma_start3A_419, %dma_start3A_420] : memref<4x64x64xi32, #tpu.memory_space<vmem>> -> memref<1x64x64xi32, #tpu.memory_space<vmem>>
          %dma_start3A_422 = tpu.memref_squeeze %dma_start3A_421 : memref<1x64x64xi32, #tpu.memory_space<vmem>> -> memref<64x64xi32, #tpu.memory_space<vmem>>
          %dma_start3A_423 = arith.constant 0 : i32
          %dma_start3A_424 = tpu.memref_slice %arg12[%add3A_417, %dma_start3A_423] : memref<32x64xi32, #tpu.memory_space<vmem>> -> memref<1x64xi32, #tpu.memory_space<vmem>>
          %dma_start3A_425 = tpu.memref_squeeze %dma_start3A_424 : memref<1x64xi32, #tpu.memory_space<vmem>> -> memref<64xi32, #tpu.memory_space<vmem>>
          %dma_start3A_426 = arith.constant 0 : i32
          %dma_start3A_427 = arith.constant 0 : i32
          %dma_start3A_428 = tpu.memref_slice %arg2[%arg0, %dma_start3A_426, %dma_start3A_427] : memref<2x10000x64xi32, #tpu.memory_space<hbm>> -> memref<1x10000x64xi32, #tpu.memory_space<hbm>>
          %dma_start3A_429 = tpu.memref_squeeze %dma_start3A_428 : memref<1x10000x64xi32, #tpu.memory_space<hbm>> -> memref<10000x64xi32, #tpu.memory_space<hbm>>
          %dma_start3A_430 = arith.constant 0 : i32
          %dma_start3A_431 = arith.constant 0 : i32
          %dma_start3A_432 = tpu.memref_slice %dma_start3A_429[%dma_start3A_430, %dma_start3A_431] : memref<10000x64xi32, #tpu.memory_space<hbm>> -> memref<10000x64xi32, #tpu.memory_space<hbm>>
          tpu.enqueue_indirect_dma source(%dma_start3A_432 : memref<10000x64xi32, #tpu.memory_space<hbm>>) target(%dma_start3A_422 : memref<64x64xi32, #tpu.memory_space<vmem>>) offsets(%dma_start3A_425 : memref<64xi32, #tpu.memory_space<vmem>>) semaphore(%arg22 : memref<!tpu.dma_semaphore, #tpu.memory_space<semaphore_mem>>)
        } else {
        }
      } else {
      }
      %eq3A_251 = arith.constant 0 : i32
      %eq3A_252 = arith.cmpi eq, %and3A_238, %eq3A_251 : i32
      %convert_element_type3A_253 = arith.extui %eq3A_252 : i1 to i32
      %cond3A_254 = arith.constant 0 : i32
      %cond3A_255 = arith.cmpi ne, %convert_element_type3A_253, %cond3A_254 : i32
      scf.if %cond3A_255 {
        %dma_wait3A_396 = arith.constant 0 : i32
        %dma_wait3A_397 = arith.constant 0 : i32
        %dma_wait3A_398 = arith.constant 0 : i32
        %dma_wait3A_399 = tpu.memref_slice %arg14[%dma_wait3A_396, %dma_wait3A_397, %dma_wait3A_398] : memref<4x64x64xi32, #tpu.memory_space<vmem>> -> memref<1x64x64xi32, #tpu.memory_space<vmem>>
        %dma_wait3A_400 = tpu.memref_squeeze %dma_wait3A_399 : memref<1x64x64xi32, #tpu.memory_space<vmem>> -> memref<64x64xi32, #tpu.memory_space<vmem>>
        %dma_wait3A_401 = arith.constant 0 : i32
        %dma_wait3A_402 = tpu.memref_slice %arg12[%rem3A_239, %dma_wait3A_401] : memref<32x64xi32, #tpu.memory_space<vmem>> -> memref<1x64xi32, #tpu.memory_space<vmem>>
        %dma_wait3A_403 = tpu.memref_squeeze %dma_wait3A_402 : memref<1x64xi32, #tpu.memory_space<vmem>> -> memref<64xi32, #tpu.memory_space<vmem>>
        %dma_wait3A_404 = arith.constant 0 : i32
        %dma_wait3A_405 = arith.constant 0 : i32
        %dma_wait3A_406 = tpu.memref_slice %arg2[%arg0, %dma_wait3A_404, %dma_wait3A_405] : memref<2x10000x64xi32, #tpu.memory_space<hbm>> -> memref<1x10000x64xi32, #tpu.memory_space<hbm>>
        %dma_wait3A_407 = tpu.memref_squeeze %dma_wait3A_406 : memref<1x10000x64xi32, #tpu.memory_space<hbm>> -> memref<10000x64xi32, #tpu.memory_space<hbm>>
        %dma_wait3A_408 = arith.constant 0 : i32
        %dma_wait3A_409 = arith.constant 0 : i32
        %dma_wait3A_410 = tpu.memref_slice %dma_wait3A_407[%dma_wait3A_408, %dma_wait3A_409] : memref<10000x64xi32, #tpu.memory_space<hbm>> -> memref<10000x64xi32, #tpu.memory_space<hbm>>
        tpu.wait_indirect_dma semaphore(%arg20 : memref<!tpu.dma_semaphore, #tpu.memory_space<semaphore_mem>>) src(%dma_wait3A_410 : memref<10000x64xi32, #tpu.memory_space<hbm>>) dst(%dma_wait3A_400 : memref<64x64xi32, #tpu.memory_space<vmem>>)
      } else {
      }
      %eq3A_256 = arith.constant 1 : i32
      %eq3A_257 = arith.cmpi eq, %and3A_238, %eq3A_256 : i32
      %convert_element_type3A_258 = arith.extui %eq3A_257 : i1 to i32
      %cond3A_259 = arith.constant 0 : i32
      %cond3A_260 = arith.cmpi ne, %convert_element_type3A_258, %cond3A_259 : i32
      scf.if %cond3A_260 {
        %dma_wait3A_396 = arith.constant 1 : i32
        %dma_wait3A_397 = arith.constant 0 : i32
        %dma_wait3A_398 = arith.constant 0 : i32
        %dma_wait3A_399 = tpu.memref_slice %arg14[%dma_wait3A_396, %dma_wait3A_397, %dma_wait3A_398] : memref<4x64x64xi32, #tpu.memory_space<vmem>> -> memref<1x64x64xi32, #tpu.memory_space<vmem>>
        %dma_wait3A_400 = tpu.memref_squeeze %dma_wait3A_399 : memref<1x64x64xi32, #tpu.memory_space<vmem>> -> memref<64x64xi32, #tpu.memory_space<vmem>>
        %dma_wait3A_401 = arith.constant 0 : i32
        %dma_wait3A_402 = tpu.memref_slice %arg12[%rem3A_239, %dma_wait3A_401] : memref<32x64xi32, #tpu.memory_space<vmem>> -> memref<1x64xi32, #tpu.memory_space<vmem>>
        %dma_wait3A_403 = tpu.memref_squeeze %dma_wait3A_402 : memref<1x64xi32, #tpu.memory_space<vmem>> -> memref<64xi32, #tpu.memory_space<vmem>>
        %dma_wait3A_404 = arith.constant 0 : i32
        %dma_wait3A_405 = arith.constant 0 : i32
        %dma_wait3A_406 = tpu.memref_slice %arg2[%arg0, %dma_wait3A_404, %dma_wait3A_405] : memref<2x10000x64xi32, #tpu.memory_space<hbm>> -> memref<1x10000x64xi32, #tpu.memory_space<hbm>>
        %dma_wait3A_407 = tpu.memref_squeeze %dma_wait3A_406 : memref<1x10000x64xi32, #tpu.memory_space<hbm>> -> memref<10000x64xi32, #tpu.memory_space<hbm>>
        %dma_wait3A_408 = arith.constant 0 : i32
        %dma_wait3A_409 = arith.constant 0 : i32
        %dma_wait3A_410 = tpu.memref_slice %dma_wait3A_407[%dma_wait3A_408, %dma_wait3A_409] : memref<10000x64xi32, #tpu.memory_space<hbm>> -> memref<10000x64xi32, #tpu.memory_space<hbm>>
        tpu.wait_indirect_dma semaphore(%arg21 : memref<!tpu.dma_semaphore, #tpu.memory_space<semaphore_mem>>) src(%dma_wait3A_410 : memref<10000x64xi32, #tpu.memory_space<hbm>>) dst(%dma_wait3A_400 : memref<64x64xi32, #tpu.memory_space<vmem>>)
      } else {
      }
      %eq3A_261 = arith.constant 2 : i32
      %eq3A_262 = arith.cmpi eq, %and3A_238, %eq3A_261 : i32
      %convert_element_type3A_263 = arith.extui %eq3A_262 : i1 to i32
      %cond3A_264 = arith.constant 0 : i32
      %cond3A_265 = arith.cmpi ne, %convert_element_type3A_263, %cond3A_264 : i32
      scf.if %cond3A_265 {
        %dma_wait3A_396 = arith.constant 2 : i32
        %dma_wait3A_397 = arith.constant 0 : i32
        %dma_wait3A_398 = arith.constant 0 : i32
        %dma_wait3A_399 = tpu.memref_slice %arg14[%dma_wait3A_396, %dma_wait3A_397, %dma_wait3A_398] : memref<4x64x64xi32, #tpu.memory_space<vmem>> -> memref<1x64x64xi32, #tpu.memory_space<vmem>>
        %dma_wait3A_400 = tpu.memref_squeeze %dma_wait3A_399 : memref<1x64x64xi32, #tpu.memory_space<vmem>> -> memref<64x64xi32, #tpu.memory_space<vmem>>
        %dma_wait3A_401 = arith.constant 0 : i32
        %dma_wait3A_402 = tpu.memref_slice %arg12[%rem3A_239, %dma_wait3A_401] : memref<32x64xi32, #tpu.memory_space<vmem>> -> memref<1x64xi32, #tpu.memory_space<vmem>>
        %dma_wait3A_403 = tpu.memref_squeeze %dma_wait3A_402 : memref<1x64xi32, #tpu.memory_space<vmem>> -> memref<64xi32, #tpu.memory_space<vmem>>
        %dma_wait3A_404 = arith.constant 0 : i32
        %dma_wait3A_405 = arith.constant 0 : i32
        %dma_wait3A_406 = tpu.memref_slice %arg2[%arg0, %dma_wait3A_404, %dma_wait3A_405] : memref<2x10000x64xi32, #tpu.memory_space<hbm>> -> memref<1x10000x64xi32, #tpu.memory_space<hbm>>
        %dma_wait3A_407 = tpu.memref_squeeze %dma_wait3A_406 : memref<1x10000x64xi32, #tpu.memory_space<hbm>> -> memref<10000x64xi32, #tpu.memory_space<hbm>>
        %dma_wait3A_408 = arith.constant 0 : i32
        %dma_wait3A_409 = arith.constant 0 : i32
        %dma_wait3A_410 = tpu.memref_slice %dma_wait3A_407[%dma_wait3A_408, %dma_wait3A_409] : memref<10000x64xi32, #tpu.memory_space<hbm>> -> memref<10000x64xi32, #tpu.memory_space<hbm>>
        tpu.wait_indirect_dma semaphore(%arg22 : memref<!tpu.dma_semaphore, #tpu.memory_space<semaphore_mem>>) src(%dma_wait3A_410 : memref<10000x64xi32, #tpu.memory_space<hbm>>) dst(%dma_wait3A_400 : memref<64x64xi32, #tpu.memory_space<vmem>>)
      } else {
      }
      %eq3A_266 = arith.constant 3 : i32
      %eq3A_267 = arith.cmpi eq, %and3A_238, %eq3A_266 : i32
      %convert_element_type3A_268 = arith.extui %eq3A_267 : i1 to i32
      %cond3A_269 = arith.constant 0 : i32
      %cond3A_270 = arith.cmpi ne, %convert_element_type3A_268, %cond3A_269 : i32
      scf.if %cond3A_270 {
        %dma_wait3A_396 = arith.constant 3 : i32
        %dma_wait3A_397 = arith.constant 0 : i32
        %dma_wait3A_398 = arith.constant 0 : i32
        %dma_wait3A_399 = tpu.memref_slice %arg14[%dma_wait3A_396, %dma_wait3A_397, %dma_wait3A_398] : memref<4x64x64xi32, #tpu.memory_space<vmem>> -> memref<1x64x64xi32, #tpu.memory_space<vmem>>
        %dma_wait3A_400 = tpu.memref_squeeze %dma_wait3A_399 : memref<1x64x64xi32, #tpu.memory_space<vmem>> -> memref<64x64xi32, #tpu.memory_space<vmem>>
        %dma_wait3A_401 = arith.constant 0 : i32
        %dma_wait3A_402 = tpu.memref_slice %arg12[%rem3A_239, %dma_wait3A_401] : memref<32x64xi32, #tpu.memory_space<vmem>> -> memref<1x64xi32, #tpu.memory_space<vmem>>
        %dma_wait3A_403 = tpu.memref_squeeze %dma_wait3A_402 : memref<1x64xi32, #tpu.memory_space<vmem>> -> memref<64xi32, #tpu.memory_space<vmem>>
        %dma_wait3A_404 = arith.constant 0 : i32
        %dma_wait3A_405 = arith.constant 0 : i32
        %dma_wait3A_406 = tpu.memref_slice %arg2[%arg0, %dma_wait3A_404, %dma_wait3A_405] : memref<2x10000x64xi32, #tpu.memory_space<hbm>> -> memref<1x10000x64xi32, #tpu.memory_space<hbm>>
        %dma_wait3A_407 = tpu.memref_squeeze %dma_wait3A_406 : memref<1x10000x64xi32, #tpu.memory_space<hbm>> -> memref<10000x64xi32, #tpu.memory_space<hbm>>
        %dma_wait3A_408 = arith.constant 0 : i32
        %dma_wait3A_409 = arith.constant 0 : i32
        %dma_wait3A_410 = tpu.memref_slice %dma_wait3A_407[%dma_wait3A_408, %dma_wait3A_409] : memref<10000x64xi32, #tpu.memory_space<hbm>> -> memref<10000x64xi32, #tpu.memory_space<hbm>>
        tpu.wait_indirect_dma semaphore(%arg23 : memref<!tpu.dma_semaphore, #tpu.memory_space<semaphore_mem>>) src(%dma_wait3A_410 : memref<10000x64xi32, #tpu.memory_space<hbm>>) dst(%dma_wait3A_400 : memref<64x64xi32, #tpu.memory_space<vmem>>)
      } else {
      }
      %ge3A = arith.constant 2 : i32
      %ge3A_271 = arith.cmpi sge, %rem3A_239, %ge3A : i32
      %convert_element_type3A_272 = arith.extui %ge3A_271 : i1 to i32
      %cond3A_273 = arith.constant 0 : i32
      %cond3A_274 = arith.cmpi ne, %convert_element_type3A_272, %cond3A_273 : i32
      scf.if %cond3A_274 {
        %eq3A_396 = arith.constant 0 : i32
        %eq3A_397 = arith.cmpi eq, %and3A_236, %eq3A_396 : i32
        %convert_element_type3A_398 = arith.extui %eq3A_397 : i1 to i32
        %cond3A_399 = arith.constant 0 : i32
        %cond3A_400 = arith.cmpi ne, %convert_element_type3A_398, %cond3A_399 : i32
        scf.if %cond3A_400 {
          %dma_wait3A_406 = arith.constant 0 : i32
          %dma_wait3A_407 = arith.constant 0 : i32
          %dma_wait3A_408 = arith.constant 0 : i32
          %dma_wait3A_409 = arith.constant 0 : i32
          %dma_wait3A_410 = tpu.memref_slice %arg17[%dma_wait3A_406, %dma_wait3A_408, %dma_wait3A_409] : memref<2x64x128xf32, #tpu.memory_space<vmem>> -> memref<1x64x128xf32, #tpu.memory_space<vmem>>
          %dma_wait3A_411 = tpu.memref_squeeze %dma_wait3A_410 : memref<1x64x128xf32, #tpu.memory_space<vmem>> -> memref<64x128xf32, #tpu.memory_space<vmem>>
          %dma_wait3A_412 = arith.constant 0 : i32
          %dma_wait3A_413 = tpu.memref_slice %arg13[%dma_wait3A_407, %dma_wait3A_412] : memref<32x64xi32, #tpu.memory_space<vmem>> -> memref<1x64xi32, #tpu.memory_space<vmem>>
          %dma_wait3A_414 = tpu.memref_squeeze %dma_wait3A_413 : memref<1x64xi32, #tpu.memory_space<vmem>> -> memref<64xi32, #tpu.memory_space<vmem>>
          %dma_wait3A_415 = arith.constant 0 : i32
          %dma_wait3A_416 = arith.constant 0 : i32
          %dma_wait3A_417 = tpu.memref_slice %arg10[%dma_wait3A_415, %dma_wait3A_416] : memref<10240x128xf32, #tpu.memory_space<vmem_shared>> -> memref<10240x128xf32, #tpu.memory_space<vmem_shared>>
          tpu.wait_indirect_dma semaphore(%arg24 : memref<!tpu.dma_semaphore, #tpu.memory_space<semaphore_mem>>) src(%dma_wait3A_411 : memref<64x128xf32, #tpu.memory_space<vmem>>) dst(%dma_wait3A_417 : memref<10240x128xf32, #tpu.memory_space<vmem_shared>>)
          %dma_wait3A_418 = arith.constant 0 : i32
          %dma_wait3A_419 = arith.constant 0 : i32
          %dma_wait3A_420 = arith.constant 0 : i32
          %dma_wait3A_421 = tpu.memref_slice %arg18[%dma_wait3A_418, %dma_wait3A_420] : memref<2x64xf32, #tpu.memory_space<vmem>> -> memref<1x64xf32, #tpu.memory_space<vmem>>
          %dma_wait3A_422 = tpu.memref_squeeze %dma_wait3A_421 : memref<1x64xf32, #tpu.memory_space<vmem>> -> memref<64xf32, #tpu.memory_space<vmem>>
          %dma_wait3A_423 = arith.constant 0 : i32
          %dma_wait3A_424 = tpu.memref_slice %arg13[%dma_wait3A_419, %dma_wait3A_423] : memref<32x64xi32, #tpu.memory_space<vmem>> -> memref<1x64xi32, #tpu.memory_space<vmem>>
          %dma_wait3A_425 = tpu.memref_squeeze %dma_wait3A_424 : memref<1x64xi32, #tpu.memory_space<vmem>> -> memref<64xi32, #tpu.memory_space<vmem>>
          %dma_wait3A_426 = arith.constant 0 : i32
          %dma_wait3A_427 = tpu.memref_slice %arg11[%dma_wait3A_426] : memref<10240xf32, #tpu.memory_space<vmem_shared>> -> memref<10240xf32, #tpu.memory_space<vmem_shared>>
          tpu.wait_indirect_dma semaphore(%arg24 : memref<!tpu.dma_semaphore, #tpu.memory_space<semaphore_mem>>) src(%dma_wait3A_422 : memref<64xf32, #tpu.memory_space<vmem>>) dst(%dma_wait3A_427 : memref<10240xf32, #tpu.memory_space<vmem_shared>>)
        } else {
        }
        %eq3A_401 = arith.constant 1 : i32
        %eq3A_402 = arith.cmpi eq, %and3A_236, %eq3A_401 : i32
        %convert_element_type3A_403 = arith.extui %eq3A_402 : i1 to i32
        %cond3A_404 = arith.constant 0 : i32
        %cond3A_405 = arith.cmpi ne, %convert_element_type3A_403, %cond3A_404 : i32
        scf.if %cond3A_405 {
          %dma_wait3A_406 = arith.constant 1 : i32
          %dma_wait3A_407 = arith.constant 0 : i32
          %dma_wait3A_408 = arith.constant 0 : i32
          %dma_wait3A_409 = arith.constant 0 : i32
          %dma_wait3A_410 = tpu.memref_slice %arg17[%dma_wait3A_406, %dma_wait3A_408, %dma_wait3A_409] : memref<2x64x128xf32, #tpu.memory_space<vmem>> -> memref<1x64x128xf32, #tpu.memory_space<vmem>>
          %dma_wait3A_411 = tpu.memref_squeeze %dma_wait3A_410 : memref<1x64x128xf32, #tpu.memory_space<vmem>> -> memref<64x128xf32, #tpu.memory_space<vmem>>
          %dma_wait3A_412 = arith.constant 0 : i32
          %dma_wait3A_413 = tpu.memref_slice %arg13[%dma_wait3A_407, %dma_wait3A_412] : memref<32x64xi32, #tpu.memory_space<vmem>> -> memref<1x64xi32, #tpu.memory_space<vmem>>
          %dma_wait3A_414 = tpu.memref_squeeze %dma_wait3A_413 : memref<1x64xi32, #tpu.memory_space<vmem>> -> memref<64xi32, #tpu.memory_space<vmem>>
          %dma_wait3A_415 = arith.constant 0 : i32
          %dma_wait3A_416 = arith.constant 0 : i32
          %dma_wait3A_417 = tpu.memref_slice %arg10[%dma_wait3A_415, %dma_wait3A_416] : memref<10240x128xf32, #tpu.memory_space<vmem_shared>> -> memref<10240x128xf32, #tpu.memory_space<vmem_shared>>
          tpu.wait_indirect_dma semaphore(%arg25 : memref<!tpu.dma_semaphore, #tpu.memory_space<semaphore_mem>>) src(%dma_wait3A_411 : memref<64x128xf32, #tpu.memory_space<vmem>>) dst(%dma_wait3A_417 : memref<10240x128xf32, #tpu.memory_space<vmem_shared>>)
          %dma_wait3A_418 = arith.constant 1 : i32
          %dma_wait3A_419 = arith.constant 0 : i32
          %dma_wait3A_420 = arith.constant 0 : i32
          %dma_wait3A_421 = tpu.memref_slice %arg18[%dma_wait3A_418, %dma_wait3A_420] : memref<2x64xf32, #tpu.memory_space<vmem>> -> memref<1x64xf32, #tpu.memory_space<vmem>>
          %dma_wait3A_422 = tpu.memref_squeeze %dma_wait3A_421 : memref<1x64xf32, #tpu.memory_space<vmem>> -> memref<64xf32, #tpu.memory_space<vmem>>
          %dma_wait3A_423 = arith.constant 0 : i32
          %dma_wait3A_424 = tpu.memref_slice %arg13[%dma_wait3A_419, %dma_wait3A_423] : memref<32x64xi32, #tpu.memory_space<vmem>> -> memref<1x64xi32, #tpu.memory_space<vmem>>
          %dma_wait3A_425 = tpu.memref_squeeze %dma_wait3A_424 : memref<1x64xi32, #tpu.memory_space<vmem>> -> memref<64xi32, #tpu.memory_space<vmem>>
          %dma_wait3A_426 = arith.constant 0 : i32
          %dma_wait3A_427 = tpu.memref_slice %arg11[%dma_wait3A_426] : memref<10240xf32, #tpu.memory_space<vmem_shared>> -> memref<10240xf32, #tpu.memory_space<vmem_shared>>
          tpu.wait_indirect_dma semaphore(%arg25 : memref<!tpu.dma_semaphore, #tpu.memory_space<semaphore_mem>>) src(%dma_wait3A_422 : memref<64xf32, #tpu.memory_space<vmem>>) dst(%dma_wait3A_427 : memref<10240xf32, #tpu.memory_space<vmem_shared>>)
        } else {
        }
      } else {
      }
      %mul3A_275 = arith.constant 20480 : i32
      %mul3A_276 = arith.muli %arg1, %mul3A_275 : i32
      %mul3A_277 = arith.constant 64 : i32
      %mul3A_278 = arith.muli %scan3A_234, %mul3A_277 : i32
      %add3A_279 = arith.addi %mul3A_276, %mul3A_278 : i32
      %get3A_280 = arith.index_cast %and3A_238 : i32 to index
      %get3A_281 = arith.constant 0 : index
      %get3A_282 = tpu.vector_load %arg15[%get3A_280, %get3A_281] {strides = array<i32>} : memref<4x64xf32, #tpu.memory_space<vmem>>, vector<16xf32>,
      %get3A_283 = arith.index_cast %and3A_238 : i32 to index
      %get3A_284 = arith.constant 0 : index
      %get3A_285 = tpu.vector_load %arg16[%get3A_283, %get3A_284] {strides = array<i32>} : memref<4x64xf32, #tpu.memory_space<vmem>>, vector<16xf32>,
      %add3A_286 = arith.addf %get3A_282, %get3A_285 : vector<16xf32>
      %mul3A_287 = arith.constant 2.000000e-01 : f32
      %mul3A_288 = vector.broadcast %mul3A_287 : f32 to vector<16xf32>
      %mul3A_289 = arith.mulf %mul3A_288, %add3A_286 : vector<16xf32>
      %max3A = arith.maximumf %add3A_286, %mul3A_289 : vector<16xf32>
      %sub3A = arith.subf %max3A, %get3A_127 : vector<16xf32>
      %exp3A = math.exp %sub3A : vector<16xf32>
      %add3A_290 = arith.constant 0 : i32
      %add3A_291 = arith.addi %add3A_279, %add3A_290 : i32
      %add3A_292 = vector.broadcast %add3A_291 : i32 to vector<16xi32>
      %add3A_293 = arith.addi %add3A_292, %iota3A : vector<16xi32>
      %lt3A_294 = arith.constant 320000 : i32
      %lt3A_295 = vector.broadcast %lt3A_294 : i32 to vector<16xi32>
      %lt3A_296 = arith.cmpi slt, %add3A_293, %lt3A_295 : vector<16xi32>
      %jit3A = arith.constant 0.000000e+00 : f32
      %broadcast_in_dim3A_297 = vector.broadcast %jit3A : f32 to vector<16xf32>
      %select_n3A = arith.select %lt3A_296, %exp3A, %broadcast_in_dim3A_297 : vector<16xi1>, vector<16xf32>
      %swap3A_298 = arith.index_cast %and3A_236 : i32 to index
      %swap3A_299 = arith.constant 0 : index
      %swap3A_300 = tpu.vector_load %arg18[%swap3A_298, %swap3A_299] {strides = array<i32>} : memref<2x64xf32, #tpu.memory_space<vmem>>, vector<16xf32>,
      tpu.vector_store %arg18[%swap3A_298, %swap3A_299], %select_n3A {strides = array<i32>} : memref<2x64xf32, #tpu.memory_space<vmem>>, vector<16xf32>,
      %get3A_301 = arith.index_cast %and3A_238 : i32 to index
      %get3A_302 = arith.constant 16 : index
      %get3A_303 = tpu.vector_load %arg15[%get3A_301, %get3A_302] {strides = array<i32>} : memref<4x64xf32, #tpu.memory_space<vmem>>, vector<16xf32>,
      %get3A_304 = arith.index_cast %and3A_238 : i32 to index
      %get3A_305 = arith.constant 16 : index
      %get3A_306 = tpu.vector_load %arg16[%get3A_304, %get3A_305] {strides = array<i32>} : memref<4x64xf32, #tpu.memory_space<vmem>>, vector<16xf32>,
      %add3A_307 = arith.addf %get3A_303, %get3A_306 : vector<16xf32>
      %mul3A_308 = arith.constant 2.000000e-01 : f32
      %mul3A_309 = vector.broadcast %mul3A_308 : f32 to vector<16xf32>
      %mul3A_310 = arith.mulf %mul3A_309, %add3A_307 : vector<16xf32>
      %max3A_311 = arith.maximumf %add3A_307, %mul3A_310 : vector<16xf32>
      %sub3A_312 = arith.subf %max3A_311, %get3A_127 : vector<16xf32>
      %exp3A_313 = math.exp %sub3A_312 : vector<16xf32>
      %add3A_314 = arith.constant 16 : i32
      %add3A_315 = arith.addi %add3A_279, %add3A_314 : i32
      %add3A_316 = vector.broadcast %add3A_315 : i32 to vector<16xi32>
      %add3A_317 = arith.addi %add3A_316, %iota3A : vector<16xi32>
      %lt3A_318 = arith.constant 320000 : i32
      %lt3A_319 = vector.broadcast %lt3A_318 : i32 to vector<16xi32>
      %lt3A_320 = arith.cmpi slt, %add3A_317, %lt3A_319 : vector<16xi32>
      %jit3A_321 = arith.constant 0.000000e+00 : f32
      %broadcast_in_dim3A_322 = vector.broadcast %jit3A_321 : f32 to vector<16xf32>
      %select_n3A_323 = arith.select %lt3A_320, %exp3A_313, %broadcast_in_dim3A_322 : vector<16xi1>, vector<16xf32>
      %swap3A_324 = arith.index_cast %and3A_236 : i32 to index
      %swap3A_325 = arith.constant 16 : index
      %swap3A_326 = tpu.vector_load %arg18[%swap3A_324, %swap3A_325] {strides = array<i32>} : memref<2x64xf32, #tpu.memory_space<vmem>>, vector<16xf32>,
      tpu.vector_store %arg18[%swap3A_324, %swap3A_325], %select_n3A_323 {strides = array<i32>} : memref<2x64xf32, #tpu.memory_space<vmem>>, vector<16xf32>,
      %get3A_327 = arith.index_cast %and3A_238 : i32 to index
      %get3A_328 = arith.constant 32 : index
      %get3A_329 = tpu.vector_load %arg15[%get3A_327, %get3A_328] {strides = array<i32>} : memref<4x64xf32, #tpu.memory_space<vmem>>, vector<16xf32>,
      %get3A_330 = arith.index_cast %and3A_238 : i32 to index
      %get3A_331 = arith.constant 32 : index
      %get3A_332 = tpu.vector_load %arg16[%get3A_330, %get3A_331] {strides = array<i32>} : memref<4x64xf32, #tpu.memory_space<vmem>>, vector<16xf32>,
      %add3A_333 = arith.addf %get3A_329, %get3A_332 : vector<16xf32>
      %mul3A_334 = arith.constant 2.000000e-01 : f32
      %mul3A_335 = vector.broadcast %mul3A_334 : f32 to vector<16xf32>
      %mul3A_336 = arith.mulf %mul3A_335, %add3A_333 : vector<16xf32>
      %max3A_337 = arith.maximumf %add3A_333, %mul3A_336 : vector<16xf32>
      %sub3A_338 = arith.subf %max3A_337, %get3A_127 : vector<16xf32>
      %exp3A_339 = math.exp %sub3A_338 : vector<16xf32>
      %add3A_340 = arith.constant 32 : i32
      %add3A_341 = arith.addi %add3A_279, %add3A_340 : i32
      %add3A_342 = vector.broadcast %add3A_341 : i32 to vector<16xi32>
      %add3A_343 = arith.addi %add3A_342, %iota3A : vector<16xi32>
      %lt3A_344 = arith.constant 320000 : i32
      %lt3A_345 = vector.broadcast %lt3A_344 : i32 to vector<16xi32>
      %lt3A_346 = arith.cmpi slt, %add3A_343, %lt3A_345 : vector<16xi32>
      %jit3A_347 = arith.constant 0.000000e+00 : f32
      %broadcast_in_dim3A_348 = vector.broadcast %jit3A_347 : f32 to vector<16xf32>
      %select_n3A_349 = arith.select %lt3A_346, %exp3A_339, %broadcast_in_dim3A_348 : vector<16xi1>, vector<16xf32>
      %swap3A_350 = arith.index_cast %and3A_236 : i32 to index
      %swap3A_351 = arith.constant 32 : index
      %swap3A_352 = tpu.vector_load %arg18[%swap3A_350, %swap3A_351] {strides = array<i32>} : memref<2x64xf32, #tpu.memory_space<vmem>>, vector<16xf32>,
      tpu.vector_store %arg18[%swap3A_350, %swap3A_351], %select_n3A_349 {strides = array<i32>} : memref<2x64xf32, #tpu.memory_space<vmem>>, vector<16xf32>,
      %get3A_353 = arith.index_cast %and3A_238 : i32 to index
      %get3A_354 = arith.constant 48 : index
      %get3A_355 = tpu.vector_load %arg15[%get3A_353, %get3A_354] {strides = array<i32>} : memref<4x64xf32, #tpu.memory_space<vmem>>, vector<16xf32>,
      %get3A_356 = arith.index_cast %and3A_238 : i32 to index
      %get3A_357 = arith.constant 48 : index
      %get3A_358 = tpu.vector_load %arg16[%get3A_356, %get3A_357] {strides = array<i32>} : memref<4x64xf32, #tpu.memory_space<vmem>>, vector<16xf32>,
      %add3A_359 = arith.addf %get3A_355, %get3A_358 : vector<16xf32>
      %mul3A_360 = arith.constant 2.000000e-01 : f32
      %mul3A_361 = vector.broadcast %mul3A_360 : f32 to vector<16xf32>
      %mul3A_362 = arith.mulf %mul3A_361, %add3A_359 : vector<16xf32>
      %max3A_363 = arith.maximumf %add3A_359, %mul3A_362 : vector<16xf32>
      %sub3A_364 = arith.subf %max3A_363, %get3A_127 : vector<16xf32>
      %exp3A_365 = math.exp %sub3A_364 : vector<16xf32>
      %add3A_366 = arith.constant 48 : i32
      %add3A_367 = arith.addi %add3A_279, %add3A_366 : i32
      %add3A_368 = vector.broadcast %add3A_367 : i32 to vector<16xi32>
      %add3A_369 = arith.addi %add3A_368, %iota3A : vector<16xi32>
      %lt3A_370 = arith.constant 320000 : i32
      %lt3A_371 = vector.broadcast %lt3A_370 : i32 to vector<16xi32>
      %lt3A_372 = arith.cmpi slt, %add3A_369, %lt3A_371 : vector<16xi32>
      %jit3A_373 = arith.constant 0.000000e+00 : f32
      %broadcast_in_dim3A_374 = vector.broadcast %jit3A_373 : f32 to vector<16xf32>
      %select_n3A_375 = arith.select %lt3A_372, %exp3A_365, %broadcast_in_dim3A_374 : vector<16xi1>, vector<16xf32>
      %swap3A_376 = arith.index_cast %and3A_236 : i32 to index
      %swap3A_377 = arith.constant 48 : index
      %swap3A_378 = tpu.vector_load %arg18[%swap3A_376, %swap3A_377] {strides = array<i32>} : memref<2x64xf32, #tpu.memory_space<vmem>>, vector<16xf32>,
      tpu.vector_store %arg18[%swap3A_376, %swap3A_377], %select_n3A_375 {strides = array<i32>} : memref<2x64xf32, #tpu.memory_space<vmem>>, vector<16xf32>,
      %parallel_loop3A = arith.constant 0 : i32
      %parallel_loop3A_379 = arith.constant 64 : i32
      %parallel_loop3A_380 = arith.constant 1 : i32
      scf.for %parallel_loop3A_396 = %parallel_loop3A to %parallel_loop3A_379 step %parallel_loop3A_380  : i32 {
        %parallel_loop3A_397 = vector.broadcast %parallel_loop3A_396 : i32 to vector<16xi32>
        %parallel_loop3A_398 = arith.constant 0 : i32
        %parallel_loop3A_399 = tpu.memref_slice %arg18[%and3A_236, %parallel_loop3A_398] : memref<2x64xf32, #tpu.memory_space<vmem>> -> memref<1x64xf32, #tpu.memory_space<vmem>>
        %parallel_loop3A_400 = tpu.memref_squeeze %parallel_loop3A_399 : memref<1x64xf32, #tpu.memory_space<vmem>> -> memref<64xf32, #tpu.memory_space<vmem>>
        %parallel_loop3A_401 = tpu.vector_load_idx %parallel_loop3A_400[%parallel_loop3A_397] : memref<64xf32, #tpu.memory_space<vmem>>[vector<16xi32>], vector<16xf32>,
        %parallel_loop3A_402 = arith.index_cast %and3A_238 : i32 to index
        %parallel_loop3A_403 = arith.index_cast %parallel_loop3A_396 : i32 to index
        %parallel_loop3A_404 = arith.constant 0 : index
        %parallel_loop3A_405 = tpu.vector_load %arg14[%parallel_loop3A_402, %parallel_loop3A_403, %parallel_loop3A_404] {strides = array<i32>} : memref<4x64x64xi32, #tpu.memory_space<vmem>>, vector<16xi32>,
        %parallel_loop3A_406 = vector.bitcast %parallel_loop3A_405 : vector<16xi32> to vector<32xbf16>
        %parallel_loop3A_407 = tpu.unpack_subelements %parallel_loop3A_406, 0 {pack_format = #tpu.pack_format<interleaved>} : vector<32xbf16> -> vector<16xf32>
        %parallel_loop3A_408 = tpu.unpack_subelements %parallel_loop3A_406, 1 {pack_format = #tpu.pack_format<interleaved>} : vector<32xbf16> -> vector<16xf32>
        %parallel_loop3A_409 = arith.mulf %parallel_loop3A_407, %parallel_loop3A_401 : vector<16xf32>
        %parallel_loop3A_410 = arith.index_cast %and3A_236 : i32 to index
        %parallel_loop3A_411 = arith.index_cast %parallel_loop3A_396 : i32 to index
        %parallel_loop3A_412 = arith.constant 0 : index
        %parallel_loop3A_413 = tpu.vector_load %arg17[%parallel_loop3A_410, %parallel_loop3A_411, %parallel_loop3A_412] {strides = array<i32>} : memref<2x64x128xf32, #tpu.memory_space<vmem>>, vector<16xf32>,
        tpu.vector_store %arg17[%parallel_loop3A_410, %parallel_loop3A_411, %parallel_loop3A_412], %parallel_loop3A_409 {strides = array<i32>} : memref<2x64x128xf32, #tpu.memory_space<vmem>>, vector<16xf32>,
        %parallel_loop3A_414 = arith.mulf %parallel_loop3A_408, %parallel_loop3A_401 : vector<16xf32>
        %parallel_loop3A_415 = arith.index_cast %and3A_236 : i32 to index
        %parallel_loop3A_416 = arith.index_cast %parallel_loop3A_396 : i32 to index
        %parallel_loop3A_417 = arith.constant 16 : index
        %parallel_loop3A_418 = tpu.vector_load %arg17[%parallel_loop3A_415, %parallel_loop3A_416, %parallel_loop3A_417] {strides = array<i32>} : memref<2x64x128xf32, #tpu.memory_space<vmem>>, vector<16xf32>,
        tpu.vector_store %arg17[%parallel_loop3A_415, %parallel_loop3A_416, %parallel_loop3A_417], %parallel_loop3A_414 {strides = array<i32>} : memref<2x64x128xf32, #tpu.memory_space<vmem>>, vector<16xf32>,
        %parallel_loop3A_419 = arith.index_cast %and3A_238 : i32 to index
        %parallel_loop3A_420 = arith.index_cast %parallel_loop3A_396 : i32 to index
        %parallel_loop3A_421 = arith.constant 16 : index
        %parallel_loop3A_422 = tpu.vector_load %arg14[%parallel_loop3A_419, %parallel_loop3A_420, %parallel_loop3A_421] {strides = array<i32>} : memref<4x64x64xi32, #tpu.memory_space<vmem>>, vector<16xi32>,
        %parallel_loop3A_423 = vector.bitcast %parallel_loop3A_422 : vector<16xi32> to vector<32xbf16>
        %parallel_loop3A_424 = tpu.unpack_subelements %parallel_loop3A_423, 0 {pack_format = #tpu.pack_format<interleaved>} : vector<32xbf16> -> vector<16xf32>
        %parallel_loop3A_425 = tpu.unpack_subelements %parallel_loop3A_423, 1 {pack_format = #tpu.pack_format<interleaved>} : vector<32xbf16> -> vector<16xf32>
        %parallel_loop3A_426 = arith.mulf %parallel_loop3A_424, %parallel_loop3A_401 : vector<16xf32>
        %parallel_loop3A_427 = arith.index_cast %and3A_236 : i32 to index
        %parallel_loop3A_428 = arith.index_cast %parallel_loop3A_396 : i32 to index
        %parallel_loop3A_429 = arith.constant 32 : index
        %parallel_loop3A_430 = tpu.vector_load %arg17[%parallel_loop3A_427, %parallel_loop3A_428, %parallel_loop3A_429] {strides = array<i32>} : memref<2x64x128xf32, #tpu.memory_space<vmem>>, vector<16xf32>,
        tpu.vector_store %arg17[%parallel_loop3A_427, %parallel_loop3A_428, %parallel_loop3A_429], %parallel_loop3A_426 {strides = array<i32>} : memref<2x64x128xf32, #tpu.memory_space<vmem>>, vector<16xf32>,
        %parallel_loop3A_431 = arith.mulf %parallel_loop3A_425, %parallel_loop3A_401 : vector<16xf32>
        %parallel_loop3A_432 = arith.index_cast %and3A_236 : i32 to index
        %parallel_loop3A_433 = arith.index_cast %parallel_loop3A_396 : i32 to index
        %parallel_loop3A_434 = arith.constant 48 : index
        %parallel_loop3A_435 = tpu.vector_load %arg17[%parallel_loop3A_432, %parallel_loop3A_433, %parallel_loop3A_434] {strides = array<i32>} : memref<2x64x128xf32, #tpu.memory_space<vmem>>, vector<16xf32>,
        tpu.vector_store %arg17[%parallel_loop3A_432, %parallel_loop3A_433, %parallel_loop3A_434], %parallel_loop3A_431 {strides = array<i32>} : memref<2x64x128xf32, #tpu.memory_space<vmem>>, vector<16xf32>,
        %parallel_loop3A_436 = arith.index_cast %and3A_238 : i32 to index
        %parallel_loop3A_437 = arith.index_cast %parallel_loop3A_396 : i32 to index
        %parallel_loop3A_438 = arith.constant 32 : index
        %parallel_loop3A_439 = tpu.vector_load %arg14[%parallel_loop3A_436, %parallel_loop3A_437, %parallel_loop3A_438] {strides = array<i32>} : memref<4x64x64xi32, #tpu.memory_space<vmem>>, vector<16xi32>,
        %parallel_loop3A_440 = vector.bitcast %parallel_loop3A_439 : vector<16xi32> to vector<32xbf16>
        %parallel_loop3A_441 = tpu.unpack_subelements %parallel_loop3A_440, 0 {pack_format = #tpu.pack_format<interleaved>} : vector<32xbf16> -> vector<16xf32>
        %parallel_loop3A_442 = tpu.unpack_subelements %parallel_loop3A_440, 1 {pack_format = #tpu.pack_format<interleaved>} : vector<32xbf16> -> vector<16xf32>
        %parallel_loop3A_443 = arith.mulf %parallel_loop3A_441, %parallel_loop3A_401 : vector<16xf32>
        %parallel_loop3A_444 = arith.index_cast %and3A_236 : i32 to index
        %parallel_loop3A_445 = arith.index_cast %parallel_loop3A_396 : i32 to index
        %parallel_loop3A_446 = arith.constant 64 : index
        %parallel_loop3A_447 = tpu.vector_load %arg17[%parallel_loop3A_444, %parallel_loop3A_445, %parallel_loop3A_446] {strides = array<i32>} : memref<2x64x128xf32, #tpu.memory_space<vmem>>, vector<16xf32>,
        tpu.vector_store %arg17[%parallel_loop3A_444, %parallel_loop3A_445, %parallel_loop3A_446], %parallel_loop3A_443 {strides = array<i32>} : memref<2x64x128xf32, #tpu.memory_space<vmem>>, vector<16xf32>,
        %parallel_loop3A_448 = arith.mulf %parallel_loop3A_442, %parallel_loop3A_401 : vector<16xf32>
        %parallel_loop3A_449 = arith.index_cast %and3A_236 : i32 to index
        %parallel_loop3A_450 = arith.index_cast %parallel_loop3A_396 : i32 to index
        %parallel_loop3A_451 = arith.constant 80 : index
        %parallel_loop3A_452 = tpu.vector_load %arg17[%parallel_loop3A_449, %parallel_loop3A_450, %parallel_loop3A_451] {strides = array<i32>} : memref<2x64x128xf32, #tpu.memory_space<vmem>>, vector<16xf32>,
        tpu.vector_store %arg17[%parallel_loop3A_449, %parallel_loop3A_450, %parallel_loop3A_451], %parallel_loop3A_448 {strides = array<i32>} : memref<2x64x128xf32, #tpu.memory_space<vmem>>, vector<16xf32>,
        %parallel_loop3A_453 = arith.index_cast %and3A_238 : i32 to index
        %parallel_loop3A_454 = arith.index_cast %parallel_loop3A_396 : i32 to index
        %parallel_loop3A_455 = arith.constant 48 : index
        %parallel_loop3A_456 = tpu.vector_load %arg14[%parallel_loop3A_453, %parallel_loop3A_454, %parallel_loop3A_455] {strides = array<i32>} : memref<4x64x64xi32, #tpu.memory_space<vmem>>, vector<16xi32>,
        %parallel_loop3A_457 = vector.bitcast %parallel_loop3A_456 : vector<16xi32> to vector<32xbf16>
        %parallel_loop3A_458 = tpu.unpack_subelements %parallel_loop3A_457, 0 {pack_format = #tpu.pack_format<interleaved>} : vector<32xbf16> -> vector<16xf32>
        %parallel_loop3A_459 = tpu.unpack_subelements %parallel_loop3A_457, 1 {pack_format = #tpu.pack_format<interleaved>} : vector<32xbf16> -> vector<16xf32>
        %parallel_loop3A_460 = arith.mulf %parallel_loop3A_458, %parallel_loop3A_401 : vector<16xf32>
        %parallel_loop3A_461 = arith.index_cast %and3A_236 : i32 to index
        %parallel_loop3A_462 = arith.index_cast %parallel_loop3A_396 : i32 to index
        %parallel_loop3A_463 = arith.constant 96 : index
        %parallel_loop3A_464 = tpu.vector_load %arg17[%parallel_loop3A_461, %parallel_loop3A_462, %parallel_loop3A_463] {strides = array<i32>} : memref<2x64x128xf32, #tpu.memory_space<vmem>>, vector<16xf32>,
        tpu.vector_store %arg17[%parallel_loop3A_461, %parallel_loop3A_462, %parallel_loop3A_463], %parallel_loop3A_460 {strides = array<i32>} : memref<2x64x128xf32, #tpu.memory_space<vmem>>, vector<16xf32>,
        %parallel_loop3A_465 = arith.mulf %parallel_loop3A_459, %parallel_loop3A_401 : vector<16xf32>
        %parallel_loop3A_466 = arith.index_cast %and3A_236 : i32 to index
        %parallel_loop3A_467 = arith.index_cast %parallel_loop3A_396 : i32 to index
        %parallel_loop3A_468 = arith.constant 112 : index
        %parallel_loop3A_469 = tpu.vector_load %arg17[%parallel_loop3A_466, %parallel_loop3A_467, %parallel_loop3A_468] {strides = array<i32>} : memref<2x64x128xf32, #tpu.memory_space<vmem>>, vector<16xf32>,
        tpu.vector_store %arg17[%parallel_loop3A_466, %parallel_loop3A_467, %parallel_loop3A_468], %parallel_loop3A_465 {strides = array<i32>} : memref<2x64x128xf32, #tpu.memory_space<vmem>>, vector<16xf32>,
      } {sc.loop_unroll_factor = 4 : i64, sc.parallel_access}
      %eq3A_381 = arith.constant 0 : i32
      %eq3A_382 = arith.cmpi eq, %and3A_236, %eq3A_381 : i32
      %convert_element_type3A_383 = arith.extui %eq3A_382 : i1 to i32
      %cond3A_384 = arith.constant 0 : i32
      %cond3A_385 = arith.cmpi ne, %convert_element_type3A_383, %cond3A_384 : i32
      scf.if %cond3A_385 {
        %dma_start3A_396 = arith.constant 0 : i32
        %dma_start3A_397 = arith.constant 0 : i32
        %dma_start3A_398 = arith.constant 0 : i32
        %dma_start3A_399 = tpu.memref_slice %arg17[%dma_start3A_396, %dma_start3A_397, %dma_start3A_398] : memref<2x64x128xf32, #tpu.memory_space<vmem>> -> memref<1x64x128xf32, #tpu.memory_space<vmem>>
        %dma_start3A_400 = tpu.memref_squeeze %dma_start3A_399 : memref<1x64x128xf32, #tpu.memory_space<vmem>> -> memref<64x128xf32, #tpu.memory_space<vmem>>
        %dma_start3A_401 = arith.constant 0 : i32
        %dma_start3A_402 = tpu.memref_slice %arg13[%rem3A_239, %dma_start3A_401] : memref<32x64xi32, #tpu.memory_space<vmem>> -> memref<1x64xi32, #tpu.memory_space<vmem>>
        %dma_start3A_403 = tpu.memref_squeeze %dma_start3A_402 : memref<1x64xi32, #tpu.memory_space<vmem>> -> memref<64xi32, #tpu.memory_space<vmem>>
        %dma_start3A_404 = arith.constant 0 : i32
        %dma_start3A_405 = arith.constant 0 : i32
        %dma_start3A_406 = tpu.memref_slice %arg10[%dma_start3A_404, %dma_start3A_405] : memref<10240x128xf32, #tpu.memory_space<vmem_shared>> -> memref<10240x128xf32, #tpu.memory_space<vmem_shared>>
        tpu.enqueue_indirect_dma source(%dma_start3A_400 : memref<64x128xf32, #tpu.memory_space<vmem>>) target(%dma_start3A_406 : memref<10240x128xf32, #tpu.memory_space<vmem_shared>>) offsets(%dma_start3A_403 : memref<64xi32, #tpu.memory_space<vmem>>) semaphore(%arg24 : memref<!tpu.dma_semaphore, #tpu.memory_space<semaphore_mem>>) {add = true}
        %dma_start3A_407 = arith.constant 0 : i32
        %dma_start3A_408 = arith.constant 0 : i32
        %dma_start3A_409 = tpu.memref_slice %arg18[%dma_start3A_407, %dma_start3A_408] : memref<2x64xf32, #tpu.memory_space<vmem>> -> memref<1x64xf32, #tpu.memory_space<vmem>>
        %dma_start3A_410 = tpu.memref_squeeze %dma_start3A_409 : memref<1x64xf32, #tpu.memory_space<vmem>> -> memref<64xf32, #tpu.memory_space<vmem>>
        %dma_start3A_411 = arith.constant 0 : i32
        %dma_start3A_412 = tpu.memref_slice %arg13[%rem3A_239, %dma_start3A_411] : memref<32x64xi32, #tpu.memory_space<vmem>> -> memref<1x64xi32, #tpu.memory_space<vmem>>
        %dma_start3A_413 = tpu.memref_squeeze %dma_start3A_412 : memref<1x64xi32, #tpu.memory_space<vmem>> -> memref<64xi32, #tpu.memory_space<vmem>>
        %dma_start3A_414 = arith.constant 0 : i32
        %dma_start3A_415 = tpu.memref_slice %arg11[%dma_start3A_414] : memref<10240xf32, #tpu.memory_space<vmem_shared>> -> memref<10240xf32, #tpu.memory_space<vmem_shared>>
        tpu.enqueue_indirect_dma source(%dma_start3A_410 : memref<64xf32, #tpu.memory_space<vmem>>) target(%dma_start3A_415 : memref<10240xf32, #tpu.memory_space<vmem_shared>>) offsets(%dma_start3A_413 : memref<64xi32, #tpu.memory_space<vmem>>) semaphore(%arg24 : memref<!tpu.dma_semaphore, #tpu.memory_space<semaphore_mem>>) {add = true}
      } else {
      }
      %eq3A_386 = arith.constant 1 : i32
      %eq3A_387 = arith.cmpi eq, %and3A_236, %eq3A_386 : i32
      %convert_element_type3A_388 = arith.extui %eq3A_387 : i1 to i32
      %cond3A_389 = arith.constant 0 : i32
      %cond3A_390 = arith.cmpi ne, %convert_element_type3A_388, %cond3A_389 : i32
      scf.if %cond3A_390 {
        %dma_start3A_396 = arith.constant 1 : i32
        %dma_start3A_397 = arith.constant 0 : i32
        %dma_start3A_398 = arith.constant 0 : i32
        %dma_start3A_399 = tpu.memref_slice %arg17[%dma_start3A_396, %dma_start3A_397, %dma_start3A_398] : memref<2x64x128xf32, #tpu.memory_space<vmem>> -> memref<1x64x128xf32, #tpu.memory_space<vmem>>
        %dma_start3A_400 = tpu.memref_squeeze %dma_start3A_399 : memref<1x64x128xf32, #tpu.memory_space<vmem>> -> memref<64x128xf32, #tpu.memory_space<vmem>>
        %dma_start3A_401 = arith.constant 0 : i32
        %dma_start3A_402 = tpu.memref_slice %arg13[%rem3A_239, %dma_start3A_401] : memref<32x64xi32, #tpu.memory_space<vmem>> -> memref<1x64xi32, #tpu.memory_space<vmem>>
        %dma_start3A_403 = tpu.memref_squeeze %dma_start3A_402 : memref<1x64xi32, #tpu.memory_space<vmem>> -> memref<64xi32, #tpu.memory_space<vmem>>
        %dma_start3A_404 = arith.constant 0 : i32
        %dma_start3A_405 = arith.constant 0 : i32
        %dma_start3A_406 = tpu.memref_slice %arg10[%dma_start3A_404, %dma_start3A_405] : memref<10240x128xf32, #tpu.memory_space<vmem_shared>> -> memref<10240x128xf32, #tpu.memory_space<vmem_shared>>
        tpu.enqueue_indirect_dma source(%dma_start3A_400 : memref<64x128xf32, #tpu.memory_space<vmem>>) target(%dma_start3A_406 : memref<10240x128xf32, #tpu.memory_space<vmem_shared>>) offsets(%dma_start3A_403 : memref<64xi32, #tpu.memory_space<vmem>>) semaphore(%arg25 : memref<!tpu.dma_semaphore, #tpu.memory_space<semaphore_mem>>) {add = true}
        %dma_start3A_407 = arith.constant 1 : i32
        %dma_start3A_408 = arith.constant 0 : i32
        %dma_start3A_409 = tpu.memref_slice %arg18[%dma_start3A_407, %dma_start3A_408] : memref<2x64xf32, #tpu.memory_space<vmem>> -> memref<1x64xf32, #tpu.memory_space<vmem>>
        %dma_start3A_410 = tpu.memref_squeeze %dma_start3A_409 : memref<1x64xf32, #tpu.memory_space<vmem>> -> memref<64xf32, #tpu.memory_space<vmem>>
        %dma_start3A_411 = arith.constant 0 : i32
        %dma_start3A_412 = tpu.memref_slice %arg13[%rem3A_239, %dma_start3A_411] : memref<32x64xi32, #tpu.memory_space<vmem>> -> memref<1x64xi32, #tpu.memory_space<vmem>>
        %dma_start3A_413 = tpu.memref_squeeze %dma_start3A_412 : memref<1x64xi32, #tpu.memory_space<vmem>> -> memref<64xi32, #tpu.memory_space<vmem>>
        %dma_start3A_414 = arith.constant 0 : i32
        %dma_start3A_415 = tpu.memref_slice %arg11[%dma_start3A_414] : memref<10240xf32, #tpu.memory_space<vmem_shared>> -> memref<10240xf32, #tpu.memory_space<vmem_shared>>
        tpu.enqueue_indirect_dma source(%dma_start3A_410 : memref<64xf32, #tpu.memory_space<vmem>>) target(%dma_start3A_415 : memref<10240xf32, #tpu.memory_space<vmem_shared>>) offsets(%dma_start3A_413 : memref<64xi32, #tpu.memory_space<vmem>>) semaphore(%arg25 : memref<!tpu.dma_semaphore, #tpu.memory_space<semaphore_mem>>) {add = true}
      } else {
      }
      %and3A_391 = arith.andi %eq3A_242, %lt3A_243 : i1
      %convert_element_type3A_392 = arith.extui %and3A_391 : i1 to i32
      %cond3A_393 = arith.constant 0 : i32
      %cond3A_394 = arith.cmpi ne, %convert_element_type3A_392, %cond3A_393 : i32
      scf.if %cond3A_394 {
        %dma_wait3A_396 = arith.constant 0 : i32
        %dma_wait3A_397 = arith.constant 0 : i32
        %dma_wait3A_398 = arith.constant 0 : i32
        %dma_wait3A_399 = arith.constant 0 : i32
        %dma_wait3A_400 = tpu.memref_slice %arg17[%dma_wait3A_396, %dma_wait3A_398, %dma_wait3A_399] : memref<2x64x128xf32, #tpu.memory_space<vmem>> -> memref<1x64x128xf32, #tpu.memory_space<vmem>>
        %dma_wait3A_401 = tpu.memref_squeeze %dma_wait3A_400 : memref<1x64x128xf32, #tpu.memory_space<vmem>> -> memref<64x128xf32, #tpu.memory_space<vmem>>
        %dma_wait3A_402 = arith.constant 0 : i32
        %dma_wait3A_403 = tpu.memref_slice %arg13[%dma_wait3A_397, %dma_wait3A_402] : memref<32x64xi32, #tpu.memory_space<vmem>> -> memref<1x64xi32, #tpu.memory_space<vmem>>
        %dma_wait3A_404 = tpu.memref_squeeze %dma_wait3A_403 : memref<1x64xi32, #tpu.memory_space<vmem>> -> memref<64xi32, #tpu.memory_space<vmem>>
        %dma_wait3A_405 = arith.constant 0 : i32
        %dma_wait3A_406 = arith.constant 0 : i32
        %dma_wait3A_407 = tpu.memref_slice %arg10[%dma_wait3A_405, %dma_wait3A_406] : memref<10240x128xf32, #tpu.memory_space<vmem_shared>> -> memref<10240x128xf32, #tpu.memory_space<vmem_shared>>
        tpu.wait_indirect_dma semaphore(%arg24 : memref<!tpu.dma_semaphore, #tpu.memory_space<semaphore_mem>>) src(%dma_wait3A_401 : memref<64x128xf32, #tpu.memory_space<vmem>>) dst(%dma_wait3A_407 : memref<10240x128xf32, #tpu.memory_space<vmem_shared>>)
        %dma_wait3A_408 = arith.constant 0 : i32
        %dma_wait3A_409 = arith.constant 0 : i32
        %dma_wait3A_410 = arith.constant 0 : i32
        %dma_wait3A_411 = tpu.memref_slice %arg18[%dma_wait3A_408, %dma_wait3A_410] : memref<2x64xf32, #tpu.memory_space<vmem>> -> memref<1x64xf32, #tpu.memory_space<vmem>>
        %dma_wait3A_412 = tpu.memref_squeeze %dma_wait3A_411 : memref<1x64xf32, #tpu.memory_space<vmem>> -> memref<64xf32, #tpu.memory_space<vmem>>
        %dma_wait3A_413 = arith.constant 0 : i32
        %dma_wait3A_414 = tpu.memref_slice %arg13[%dma_wait3A_409, %dma_wait3A_413] : memref<32x64xi32, #tpu.memory_space<vmem>> -> memref<1x64xi32, #tpu.memory_space<vmem>>
        %dma_wait3A_415 = tpu.memref_squeeze %dma_wait3A_414 : memref<1x64xi32, #tpu.memory_space<vmem>> -> memref<64xi32, #tpu.memory_space<vmem>>
        %dma_wait3A_416 = arith.constant 0 : i32
        %dma_wait3A_417 = tpu.memref_slice %arg11[%dma_wait3A_416] : memref<10240xf32, #tpu.memory_space<vmem_shared>> -> memref<10240xf32, #tpu.memory_space<vmem_shared>>
        tpu.wait_indirect_dma semaphore(%arg24 : memref<!tpu.dma_semaphore, #tpu.memory_space<semaphore_mem>>) src(%dma_wait3A_412 : memref<64xf32, #tpu.memory_space<vmem>>) dst(%dma_wait3A_417 : memref<10240xf32, #tpu.memory_space<vmem_shared>>)
        %dma_wait3A_418 = arith.constant 1 : i32
        %dma_wait3A_419 = arith.constant 0 : i32
        %dma_wait3A_420 = arith.constant 0 : i32
        %dma_wait3A_421 = arith.constant 0 : i32
        %dma_wait3A_422 = tpu.memref_slice %arg17[%dma_wait3A_418, %dma_wait3A_420, %dma_wait3A_421] : memref<2x64x128xf32, #tpu.memory_space<vmem>> -> memref<1x64x128xf32, #tpu.memory_space<vmem>>
        %dma_wait3A_423 = tpu.memref_squeeze %dma_wait3A_422 : memref<1x64x128xf32, #tpu.memory_space<vmem>> -> memref<64x128xf32, #tpu.memory_space<vmem>>
        %dma_wait3A_424 = arith.constant 0 : i32
        %dma_wait3A_425 = tpu.memref_slice %arg13[%dma_wait3A_419, %dma_wait3A_424] : memref<32x64xi32, #tpu.memory_space<vmem>> -> memref<1x64xi32, #tpu.memory_space<vmem>>
        %dma_wait3A_426 = tpu.memref_squeeze %dma_wait3A_425 : memref<1x64xi32, #tpu.memory_space<vmem>> -> memref<64xi32, #tpu.memory_space<vmem>>
        %dma_wait3A_427 = arith.constant 0 : i32
        %dma_wait3A_428 = arith.constant 0 : i32
        %dma_wait3A_429 = tpu.memref_slice %arg10[%dma_wait3A_427, %dma_wait3A_428] : memref<10240x128xf32, #tpu.memory_space<vmem_shared>> -> memref<10240x128xf32, #tpu.memory_space<vmem_shared>>
        tpu.wait_indirect_dma semaphore(%arg25 : memref<!tpu.dma_semaphore, #tpu.memory_space<semaphore_mem>>) src(%dma_wait3A_423 : memref<64x128xf32, #tpu.memory_space<vmem>>) dst(%dma_wait3A_429 : memref<10240x128xf32, #tpu.memory_space<vmem_shared>>)
        %dma_wait3A_430 = arith.constant 1 : i32
        %dma_wait3A_431 = arith.constant 0 : i32
        %dma_wait3A_432 = arith.constant 0 : i32
        %dma_wait3A_433 = tpu.memref_slice %arg18[%dma_wait3A_430, %dma_wait3A_432] : memref<2x64xf32, #tpu.memory_space<vmem>> -> memref<1x64xf32, #tpu.memory_space<vmem>>
        %dma_wait3A_434 = tpu.memref_squeeze %dma_wait3A_433 : memref<1x64xf32, #tpu.memory_space<vmem>> -> memref<64xf32, #tpu.memory_space<vmem>>
        %dma_wait3A_435 = arith.constant 0 : i32
        %dma_wait3A_436 = tpu.memref_slice %arg13[%dma_wait3A_431, %dma_wait3A_435] : memref<32x64xi32, #tpu.memory_space<vmem>> -> memref<1x64xi32, #tpu.memory_space<vmem>>
        %dma_wait3A_437 = tpu.memref_squeeze %dma_wait3A_436 : memref<1x64xi32, #tpu.memory_space<vmem>> -> memref<64xi32, #tpu.memory_space<vmem>>
        %dma_wait3A_438 = arith.constant 0 : i32
        %dma_wait3A_439 = tpu.memref_slice %arg11[%dma_wait3A_438] : memref<10240xf32, #tpu.memory_space<vmem_shared>> -> memref<10240xf32, #tpu.memory_space<vmem_shared>>
        tpu.wait_indirect_dma semaphore(%arg25 : memref<!tpu.dma_semaphore, #tpu.memory_space<semaphore_mem>>) src(%dma_wait3A_434 : memref<64xf32, #tpu.memory_space<vmem>>) dst(%dma_wait3A_439 : memref<10240xf32, #tpu.memory_space<vmem_shared>>)
        %jit3A_440 = arith.constant 32 : i32
        %div3A = arith.divsi %add3A_241, %jit3A_440 : i32
        %sign3A = arith.constant 0 : i32
        %sign3A_441 = arith.cmpi sgt, %add3A_241, %sign3A : i32
        %sign3A_442 = arith.extui %sign3A_441 : i1 to i32
        %sign3A_443 = arith.constant 0 : i32
        %sign3A_444 = arith.cmpi slt, %add3A_241, %sign3A_443 : i32
        %sign3A_445 = arith.extui %sign3A_444 : i1 to i32
        %sign3A_446 = arith.subi %sign3A_442, %sign3A_445 : i32
        %sign3A_447 = arith.constant 0 : i32
        %sign3A_448 = arith.cmpi sgt, %jit3A_440, %sign3A_447 : i32
        %sign3A_449 = arith.extui %sign3A_448 : i1 to i32
        %sign3A_450 = arith.constant 0 : i32
        %sign3A_451 = arith.cmpi slt, %jit3A_440, %sign3A_450 : i32
        %sign3A_452 = arith.extui %sign3A_451 : i1 to i32
        %sign3A_453 = arith.subi %sign3A_449, %sign3A_452 : i32
        %ne3A = arith.cmpi ne, %sign3A_446, %sign3A_453 : i32
        %rem3A_454 = arith.remsi %add3A_241, %jit3A_440 : i32
        %ne3A_455 = arith.constant 0 : i32
        %ne3A_456 = arith.cmpi ne, %rem3A_454, %ne3A_455 : i32
        %and3A_457 = arith.andi %ne3A, %ne3A_456 : i1
        %sub3A_458 = arith.constant 1 : i32
        %sub3A_459 = arith.subi %div3A, %sub3A_458 : i32
        %select_n3A_460 = arith.select %and3A_457, %sub3A_459, %div3A : i32
        %mul3A_461 = arith.constant 32 : i32
        %mul3A_462 = arith.muli %select_n3A_460, %mul3A_461 : i32
        "tpu.region"() ({
          %run_scoped3A_513 = tpu.sem_alloc : memref<!tpu.dma_semaphore, #tpu.memory_space<semaphore_mem>>
          %dma_start3A_514 = arith.constant 0 : i32
          %dma_start3A_515 = tpu.memref_slice %arg5[%arg0, %arg1, %mul3A_462, %dma_start3A_514] : memref<2x16x320x64xi32, #tpu.memory_space<hbm>> -> memref<1x1x32x64xi32, #tpu.memory_space<hbm>>
          %dma_start3A_516 = tpu.memref_squeeze %dma_start3A_515 : memref<1x1x32x64xi32, #tpu.memory_space<hbm>> -> memref<32x64xi32, #tpu.memory_space<hbm>>
          %dma_start3A_517 = arith.constant 0 : i32
          %dma_start3A_518 = tpu.memref_slice %arg5[%arg0, %arg1, %mul3A_462, %dma_start3A_517] : memref<2x16x320x64xi32, #tpu.memory_space<hbm>> -> memref<1x1x32x64xi32, #tpu.memory_space<hbm>>
          %dma_start3A_519 = tpu.memref_squeeze %dma_start3A_518 : memref<1x1x32x64xi32, #tpu.memory_space<hbm>> -> memref<32x64xi32, #tpu.memory_space<hbm>>
          tpu.enqueue_dma source(%dma_start3A_519 : memref<32x64xi32, #tpu.memory_space<hbm>>) target(%arg12 : memref<32x64xi32, #tpu.memory_space<vmem>>) target_semaphore(%run_scoped3A_513 : memref<!tpu.dma_semaphore, #tpu.memory_space<semaphore_mem>>)
          %dma_wait3A_520 = arith.constant 0 : i32
          %dma_wait3A_521 = tpu.memref_slice %arg5[%arg0, %arg1, %mul3A_462, %dma_wait3A_520] : memref<2x16x320x64xi32, #tpu.memory_space<hbm>> -> memref<1x1x32x64xi32, #tpu.memory_space<hbm>>
          %dma_wait3A_522 = tpu.memref_squeeze %dma_wait3A_521 : memref<1x1x32x64xi32, #tpu.memory_space<hbm>> -> memref<32x64xi32, #tpu.memory_space<hbm>>
          %dma_wait3A_523 = arith.constant 0 : i32
          %dma_wait3A_524 = tpu.memref_slice %arg5[%arg0, %arg1, %mul3A_462, %dma_wait3A_523] : memref<2x16x320x64xi32, #tpu.memory_space<hbm>> -> memref<1x1x32x64xi32, #tpu.memory_space<hbm>>
          %dma_wait3A_525 = tpu.memref_squeeze %dma_wait3A_524 : memref<1x1x32x64xi32, #tpu.memory_space<hbm>> -> memref<32x64xi32, #tpu.memory_space<hbm>>
          tpu.wait_dma2 semaphore(%run_scoped3A_513 : memref<!tpu.dma_semaphore, #tpu.memory_space<semaphore_mem>>) src(%dma_wait3A_525 : memref<32x64xi32, #tpu.memory_space<hbm>>) dst(%arg12 : memref<32x64xi32, #tpu.memory_space<vmem>>)
          tpu.yield
        }) : () -> ()
        %mul3A_463 = arith.constant 32 : i32
        %mul3A_464 = arith.muli %select_n3A_460, %mul3A_463 : i32
        "tpu.region"() ({
          %run_scoped3A_513 = tpu.sem_alloc : memref<!tpu.dma_semaphore, #tpu.memory_space<semaphore_mem>>
          %dma_start3A_514 = arith.constant 0 : i32
          %dma_start3A_515 = tpu.memref_slice %arg6[%arg0, %arg1, %mul3A_464, %dma_start3A_514] : memref<2x16x320x64xi32, #tpu.memory_space<hbm>> -> memref<1x1x32x64xi32, #tpu.memory_space<hbm>>
          %dma_start3A_516 = tpu.memref_squeeze %dma_start3A_515 : memref<1x1x32x64xi32, #tpu.memory_space<hbm>> -> memref<32x64xi32, #tpu.memory_space<hbm>>
          %dma_start3A_517 = arith.constant 0 : i32
          %dma_start3A_518 = tpu.memref_slice %arg6[%arg0, %arg1, %mul3A_464, %dma_start3A_517] : memref<2x16x320x64xi32, #tpu.memory_space<hbm>> -> memref<1x1x32x64xi32, #tpu.memory_space<hbm>>
          %dma_start3A_519 = tpu.memref_squeeze %dma_start3A_518 : memref<1x1x32x64xi32, #tpu.memory_space<hbm>> -> memref<32x64xi32, #tpu.memory_space<hbm>>
          tpu.enqueue_dma source(%dma_start3A_519 : memref<32x64xi32, #tpu.memory_space<hbm>>) target(%arg13 : memref<32x64xi32, #tpu.memory_space<vmem>>) target_semaphore(%run_scoped3A_513 : memref<!tpu.dma_semaphore, #tpu.memory_space<semaphore_mem>>)
          %dma_wait3A_520 = arith.constant 0 : i32
          %dma_wait3A_521 = tpu.memref_slice %arg6[%arg0, %arg1, %mul3A_464, %dma_wait3A_520] : memref<2x16x320x64xi32, #tpu.memory_space<hbm>> -> memref<1x1x32x64xi32, #tpu.memory_space<hbm>>
          %dma_wait3A_522 = tpu.memref_squeeze %dma_wait3A_521 : memref<1x1x32x64xi32, #tpu.memory_space<hbm>> -> memref<32x64xi32, #tpu.memory_space<hbm>>
          %dma_wait3A_523 = arith.constant 0 : i32
          %dma_wait3A_524 = tpu.memref_slice %arg6[%arg0, %arg1, %mul3A_464, %dma_wait3A_523] : memref<2x16x320x64xi32, #tpu.memory_space<hbm>> -> memref<1x1x32x64xi32, #tpu.memory_space<hbm>>
          %dma_wait3A_525 = tpu.memref_squeeze %dma_wait3A_524 : memref<1x1x32x64xi32, #tpu.memory_space<hbm>> -> memref<32x64xi32, #tpu.memory_space<hbm>>
          tpu.wait_dma2 semaphore(%run_scoped3A_513 : memref<!tpu.dma_semaphore, #tpu.memory_space<semaphore_mem>>) src(%dma_wait3A_525 : memref<32x64xi32, #tpu.memory_space<hbm>>) dst(%arg13 : memref<32x64xi32, #tpu.memory_space<vmem>>)
          tpu.yield
        }) : () -> ()
        %dma_start3A_465 = arith.constant 0 : i32
        %dma_start3A_466 = arith.constant 0 : i32
        %dma_start3A_467 = arith.constant 0 : i32
        %dma_start3A_468 = arith.constant 0 : i32
        %dma_start3A_469 = tpu.memref_slice %arg14[%dma_start3A_466, %dma_start3A_467, %dma_start3A_468] : memref<4x64x64xi32, #tpu.memory_space<vmem>> -> memref<1x64x64xi32, #tpu.memory_space<vmem>>
        %dma_start3A_470 = tpu.memref_squeeze %dma_start3A_469 : memref<1x64x64xi32, #tpu.memory_space<vmem>> -> memref<64x64xi32, #tpu.memory_space<vmem>>
        %dma_start3A_471 = arith.constant 0 : i32
        %dma_start3A_472 = tpu.memref_slice %arg12[%dma_start3A_465, %dma_start3A_471] : memref<32x64xi32, #tpu.memory_space<vmem>> -> memref<1x64xi32, #tpu.memory_space<vmem>>
        %dma_start3A_473 = tpu.memref_squeeze %dma_start3A_472 : memref<1x64xi32, #tpu.memory_space<vmem>> -> memref<64xi32, #tpu.memory_space<vmem>>
        %dma_start3A_474 = arith.constant 0 : i32
        %dma_start3A_475 = arith.constant 0 : i32
        %dma_start3A_476 = tpu.memref_slice %arg2[%arg0, %dma_start3A_474, %dma_start3A_475] : memref<2x10000x64xi32, #tpu.memory_space<hbm>> -> memref<1x10000x64xi32, #tpu.memory_space<hbm>>
        %dma_start3A_477 = tpu.memref_squeeze %dma_start3A_476 : memref<1x10000x64xi32, #tpu.memory_space<hbm>> -> memref<10000x64xi32, #tpu.memory_space<hbm>>
        %dma_start3A_478 = arith.constant 0 : i32
        %dma_start3A_479 = arith.constant 0 : i32
        %dma_start3A_480 = tpu.memref_slice %dma_start3A_477[%dma_start3A_478, %dma_start3A_479] : memref<10000x64xi32, #tpu.memory_space<hbm>> -> memref<10000x64xi32, #tpu.memory_space<hbm>>
        tpu.enqueue_indirect_dma source(%dma_start3A_480 : memref<10000x64xi32, #tpu.memory_space<hbm>>) target(%dma_start3A_470 : memref<64x64xi32, #tpu.memory_space<vmem>>) offsets(%dma_start3A_473 : memref<64xi32, #tpu.memory_space<vmem>>) semaphore(%arg20 : memref<!tpu.dma_semaphore, #tpu.memory_space<semaphore_mem>>)
        %dma_start3A_481 = arith.constant 1 : i32
        %dma_start3A_482 = arith.constant 1 : i32
        %dma_start3A_483 = arith.constant 0 : i32
        %dma_start3A_484 = arith.constant 0 : i32
        %dma_start3A_485 = tpu.memref_slice %arg14[%dma_start3A_482, %dma_start3A_483, %dma_start3A_484] : memref<4x64x64xi32, #tpu.memory_space<vmem>> -> memref<1x64x64xi32, #tpu.memory_space<vmem>>
        %dma_start3A_486 = tpu.memref_squeeze %dma_start3A_485 : memref<1x64x64xi32, #tpu.memory_space<vmem>> -> memref<64x64xi32, #tpu.memory_space<vmem>>
        %dma_start3A_487 = arith.constant 0 : i32
        %dma_start3A_488 = tpu.memref_slice %arg12[%dma_start3A_481, %dma_start3A_487] : memref<32x64xi32, #tpu.memory_space<vmem>> -> memref<1x64xi32, #tpu.memory_space<vmem>>
        %dma_start3A_489 = tpu.memref_squeeze %dma_start3A_488 : memref<1x64xi32, #tpu.memory_space<vmem>> -> memref<64xi32, #tpu.memory_space<vmem>>
        %dma_start3A_490 = arith.constant 0 : i32
        %dma_start3A_491 = arith.constant 0 : i32
        %dma_start3A_492 = tpu.memref_slice %arg2[%arg0, %dma_start3A_490, %dma_start3A_491] : memref<2x10000x64xi32, #tpu.memory_space<hbm>> -> memref<1x10000x64xi32, #tpu.memory_space<hbm>>
        %dma_start3A_493 = tpu.memref_squeeze %dma_start3A_492 : memref<1x10000x64xi32, #tpu.memory_space<hbm>> -> memref<10000x64xi32, #tpu.memory_space<hbm>>
        %dma_start3A_494 = arith.constant 0 : i32
        %dma_start3A_495 = arith.constant 0 : i32
        %dma_start3A_496 = tpu.memref_slice %dma_start3A_493[%dma_start3A_494, %dma_start3A_495] : memref<10000x64xi32, #tpu.memory_space<hbm>> -> memref<10000x64xi32, #tpu.memory_space<hbm>>
        tpu.enqueue_indirect_dma source(%dma_start3A_496 : memref<10000x64xi32, #tpu.memory_space<hbm>>) target(%dma_start3A_486 : memref<64x64xi32, #tpu.memory_space<vmem>>) offsets(%dma_start3A_489 : memref<64xi32, #tpu.memory_space<vmem>>) semaphore(%arg21 : memref<!tpu.dma_semaphore, #tpu.memory_space<semaphore_mem>>)
        %dma_start3A_497 = arith.constant 2 : i32
        %dma_start3A_498 = arith.constant 2 : i32
        %dma_start3A_499 = arith.constant 0 : i32
        %dma_start3A_500 = arith.constant 0 : i32
        %dma_start3A_501 = tpu.memref_slice %arg14[%dma_start3A_498, %dma_start3A_499, %dma_start3A_500] : memref<4x64x64xi32, #tpu.memory_space<vmem>> -> memref<1x64x64xi32, #tpu.memory_space<vmem>>
        %dma_start3A_502 = tpu.memref_squeeze %dma_start3A_501 : memref<1x64x64xi32, #tpu.memory_space<vmem>> -> memref<64x64xi32, #tpu.memory_space<vmem>>
        %dma_start3A_503 = arith.constant 0 : i32
        %dma_start3A_504 = tpu.memref_slice %arg12[%dma_start3A_497, %dma_start3A_503] : memref<32x64xi32, #tpu.memory_space<vmem>> -> memref<1x64xi32, #tpu.memory_space<vmem>>
        %dma_start3A_505 = tpu.memref_squeeze %dma_start3A_504 : memref<1x64xi32, #tpu.memory_space<vmem>> -> memref<64xi32, #tpu.memory_space<vmem>>
        %dma_start3A_506 = arith.constant 0 : i32
        %dma_start3A_507 = arith.constant 0 : i32
        %dma_start3A_508 = tpu.memref_slice %arg2[%arg0, %dma_start3A_506, %dma_start3A_507] : memref<2x10000x64xi32, #tpu.memory_space<hbm>> -> memref<1x10000x64xi32, #tpu.memory_space<hbm>>
        %dma_start3A_509 = tpu.memref_squeeze %dma_start3A_508 : memref<1x10000x64xi32, #tpu.memory_space<hbm>> -> memref<10000x64xi32, #tpu.memory_space<hbm>>
        %dma_start3A_510 = arith.constant 0 : i32
        %dma_start3A_511 = arith.constant 0 : i32
        %dma_start3A_512 = tpu.memref_slice %dma_start3A_509[%dma_start3A_510, %dma_start3A_511] : memref<10000x64xi32, #tpu.memory_space<hbm>> -> memref<10000x64xi32, #tpu.memory_space<hbm>>
        tpu.enqueue_indirect_dma source(%dma_start3A_512 : memref<10000x64xi32, #tpu.memory_space<hbm>>) target(%dma_start3A_502 : memref<64x64xi32, #tpu.memory_space<vmem>>) offsets(%dma_start3A_505 : memref<64xi32, #tpu.memory_space<vmem>>) semaphore(%arg22 : memref<!tpu.dma_semaphore, #tpu.memory_space<semaphore_mem>>)
      } else {
      }
      %scan3A_395 = arith.constant 0 : i32
      scf.yield %scan3A_395 : i32
    }
    %scan3A_181 = arith.constant 320 : i32
    %dma_wait3A = arith.constant 0 : i32
    %dma_wait3A_182 = arith.constant 0 : i32
    %dma_wait3A_183 = arith.constant 0 : i32
    %dma_wait3A_184 = arith.constant 0 : i32
    %dma_wait3A_185 = tpu.memref_slice %arg17[%dma_wait3A, %dma_wait3A_183, %dma_wait3A_184] : memref<2x64x128xf32, #tpu.memory_space<vmem>> -> memref<1x64x128xf32, #tpu.memory_space<vmem>>
    %dma_wait3A_186 = tpu.memref_squeeze %dma_wait3A_185 : memref<1x64x128xf32, #tpu.memory_space<vmem>> -> memref<64x128xf32, #tpu.memory_space<vmem>>
    %dma_wait3A_187 = arith.constant 0 : i32
    %dma_wait3A_188 = tpu.memref_slice %arg13[%dma_wait3A_182, %dma_wait3A_187] : memref<32x64xi32, #tpu.memory_space<vmem>> -> memref<1x64xi32, #tpu.memory_space<vmem>>
    %dma_wait3A_189 = tpu.memref_squeeze %dma_wait3A_188 : memref<1x64xi32, #tpu.memory_space<vmem>> -> memref<64xi32, #tpu.memory_space<vmem>>
    %dma_wait3A_190 = arith.constant 0 : i32
    %dma_wait3A_191 = arith.constant 0 : i32
    %dma_wait3A_192 = tpu.memref_slice %arg10[%dma_wait3A_190, %dma_wait3A_191] : memref<10240x128xf32, #tpu.memory_space<vmem_shared>> -> memref<10240x128xf32, #tpu.memory_space<vmem_shared>>
    tpu.wait_indirect_dma semaphore(%arg24 : memref<!tpu.dma_semaphore, #tpu.memory_space<semaphore_mem>>) src(%dma_wait3A_186 : memref<64x128xf32, #tpu.memory_space<vmem>>) dst(%dma_wait3A_192 : memref<10240x128xf32, #tpu.memory_space<vmem_shared>>)
    %dma_wait3A_193 = arith.constant 0 : i32
    %dma_wait3A_194 = arith.constant 0 : i32
    %dma_wait3A_195 = arith.constant 0 : i32
    %dma_wait3A_196 = tpu.memref_slice %arg18[%dma_wait3A_193, %dma_wait3A_195] : memref<2x64xf32, #tpu.memory_space<vmem>> -> memref<1x64xf32, #tpu.memory_space<vmem>>
    %dma_wait3A_197 = tpu.memref_squeeze %dma_wait3A_196 : memref<1x64xf32, #tpu.memory_space<vmem>> -> memref<64xf32, #tpu.memory_space<vmem>>
    %dma_wait3A_198 = arith.constant 0 : i32
    %dma_wait3A_199 = tpu.memref_slice %arg13[%dma_wait3A_194, %dma_wait3A_198] : memref<32x64xi32, #tpu.memory_space<vmem>> -> memref<1x64xi32, #tpu.memory_space<vmem>>
    %dma_wait3A_200 = tpu.memref_squeeze %dma_wait3A_199 : memref<1x64xi32, #tpu.memory_space<vmem>> -> memref<64xi32, #tpu.memory_space<vmem>>
    %dma_wait3A_201 = arith.constant 0 : i32
    %dma_wait3A_202 = tpu.memref_slice %arg11[%dma_wait3A_201] : memref<10240xf32, #tpu.memory_space<vmem_shared>> -> memref<10240xf32, #tpu.memory_space<vmem_shared>>
    tpu.wait_indirect_dma semaphore(%arg24 : memref<!tpu.dma_semaphore, #tpu.memory_space<semaphore_mem>>) src(%dma_wait3A_197 : memref<64xf32, #tpu.memory_space<vmem>>) dst(%dma_wait3A_202 : memref<10240xf32, #tpu.memory_space<vmem_shared>>)
    %dma_wait3A_203 = arith.constant 1 : i32
    %dma_wait3A_204 = arith.constant 0 : i32
    %dma_wait3A_205 = arith.constant 0 : i32
    %dma_wait3A_206 = arith.constant 0 : i32
    %dma_wait3A_207 = tpu.memref_slice %arg17[%dma_wait3A_203, %dma_wait3A_205, %dma_wait3A_206] : memref<2x64x128xf32, #tpu.memory_space<vmem>> -> memref<1x64x128xf32, #tpu.memory_space<vmem>>
    %dma_wait3A_208 = tpu.memref_squeeze %dma_wait3A_207 : memref<1x64x128xf32, #tpu.memory_space<vmem>> -> memref<64x128xf32, #tpu.memory_space<vmem>>
    %dma_wait3A_209 = arith.constant 0 : i32
    %dma_wait3A_210 = tpu.memref_slice %arg13[%dma_wait3A_204, %dma_wait3A_209] : memref<32x64xi32, #tpu.memory_space<vmem>> -> memref<1x64xi32, #tpu.memory_space<vmem>>
    %dma_wait3A_211 = tpu.memref_squeeze %dma_wait3A_210 : memref<1x64xi32, #tpu.memory_space<vmem>> -> memref<64xi32, #tpu.memory_space<vmem>>
    %dma_wait3A_212 = arith.constant 0 : i32
    %dma_wait3A_213 = arith.constant 0 : i32
    %dma_wait3A_214 = tpu.memref_slice %arg10[%dma_wait3A_212, %dma_wait3A_213] : memref<10240x128xf32, #tpu.memory_space<vmem_shared>> -> memref<10240x128xf32, #tpu.memory_space<vmem_shared>>
    tpu.wait_indirect_dma semaphore(%arg25 : memref<!tpu.dma_semaphore, #tpu.memory_space<semaphore_mem>>) src(%dma_wait3A_208 : memref<64x128xf32, #tpu.memory_space<vmem>>) dst(%dma_wait3A_214 : memref<10240x128xf32, #tpu.memory_space<vmem_shared>>)
    %dma_wait3A_215 = arith.constant 1 : i32
    %dma_wait3A_216 = arith.constant 0 : i32
    %dma_wait3A_217 = arith.constant 0 : i32
    %dma_wait3A_218 = tpu.memref_slice %arg18[%dma_wait3A_215, %dma_wait3A_217] : memref<2x64xf32, #tpu.memory_space<vmem>> -> memref<1x64xf32, #tpu.memory_space<vmem>>
    %dma_wait3A_219 = tpu.memref_squeeze %dma_wait3A_218 : memref<1x64xf32, #tpu.memory_space<vmem>> -> memref<64xf32, #tpu.memory_space<vmem>>
    %dma_wait3A_220 = arith.constant 0 : i32
    %dma_wait3A_221 = tpu.memref_slice %arg13[%dma_wait3A_216, %dma_wait3A_220] : memref<32x64xi32, #tpu.memory_space<vmem>> -> memref<1x64xi32, #tpu.memory_space<vmem>>
    %dma_wait3A_222 = tpu.memref_squeeze %dma_wait3A_221 : memref<1x64xi32, #tpu.memory_space<vmem>> -> memref<64xi32, #tpu.memory_space<vmem>>
    %dma_wait3A_223 = arith.constant 0 : i32
    %dma_wait3A_224 = tpu.memref_slice %arg11[%dma_wait3A_223] : memref<10240xf32, #tpu.memory_space<vmem_shared>> -> memref<10240xf32, #tpu.memory_space<vmem_shared>>
    tpu.wait_indirect_dma semaphore(%arg25 : memref<!tpu.dma_semaphore, #tpu.memory_space<semaphore_mem>>) src(%dma_wait3A_219 : memref<64xf32, #tpu.memory_space<vmem>>) dst(%dma_wait3A_224 : memref<10240xf32, #tpu.memory_space<vmem_shared>>)
    %barrier3A_225 = arith.constant 0 : index
    tpu.barrier barrier_id(%barrier3A_225)
    %mul3A_226 = arith.constant 640 : i32
    %mul3A_227 = arith.muli %arg1, %mul3A_226 : i32
    %mul3A_228 = arith.constant 640 : i32
    %mul3A_229 = arith.muli %arg1, %mul3A_228 : i32
    "tpu.region"() ({
      %run_scoped3A_234 = tpu.sem_alloc : memref<!tpu.dma_semaphore, #tpu.memory_space<semaphore_mem>>
      %dma_start3A_235 = arith.constant 0 : i32
      %dma_start3A_236 = tpu.memref_slice %arg8[%arg0, %mul3A_229, %dma_start3A_235] : memref<2x10240x128xf32, #tpu.memory_space<hbm>> -> memref<1x640x128xf32, #tpu.memory_space<hbm>>
      %dma_start3A_237 = tpu.memref_squeeze %dma_start3A_236 : memref<1x640x128xf32, #tpu.memory_space<hbm>> -> memref<640x128xf32, #tpu.memory_space<hbm>>
      %dma_start3A_238 = arith.constant 0 : i32
      %dma_start3A_239 = tpu.memref_slice %arg10[%mul3A_227, %dma_start3A_238] : memref<10240x128xf32, #tpu.memory_space<vmem_shared>> -> memref<640x128xf32, #tpu.memory_space<vmem_shared>>
      tpu.enqueue_dma source(%dma_start3A_239 : memref<640x128xf32, #tpu.memory_space<vmem_shared>>) target(%dma_start3A_237 : memref<640x128xf32, #tpu.memory_space<hbm>>) target_semaphore(%run_scoped3A_234 : memref<!tpu.dma_semaphore, #tpu.memory_space<semaphore_mem>>)
      %dma_wait3A_240 = arith.constant 0 : i32
      %dma_wait3A_241 = tpu.memref_slice %arg8[%arg0, %mul3A_229, %dma_wait3A_240] : memref<2x10240x128xf32, #tpu.memory_space<hbm>> -> memref<1x640x128xf32, #tpu.memory_space<hbm>>
      %dma_wait3A_242 = tpu.memref_squeeze %dma_wait3A_241 : memref<1x640x128xf32, #tpu.memory_space<hbm>> -> memref<640x128xf32, #tpu.memory_space<hbm>>
      %dma_wait3A_243 = arith.constant 0 : i32
      %dma_wait3A_244 = tpu.memref_slice %arg10[%mul3A_227, %dma_wait3A_243] : memref<10240x128xf32, #tpu.memory_space<vmem_shared>> -> memref<640x128xf32, #tpu.memory_space<vmem_shared>>
      tpu.wait_dma2 semaphore(%run_scoped3A_234 : memref<!tpu.dma_semaphore, #tpu.memory_space<semaphore_mem>>) src(%dma_wait3A_244 : memref<640x128xf32, #tpu.memory_space<vmem_shared>>) dst(%dma_wait3A_242 : memref<640x128xf32, #tpu.memory_space<hbm>>)
      tpu.yield
    }) : () -> ()
    %mul3A_230 = arith.constant 640 : i32
    %mul3A_231 = arith.muli %arg1, %mul3A_230 : i32
    %mul3A_232 = arith.constant 640 : i32
    %mul3A_233 = arith.muli %arg1, %mul3A_232 : i32
    "tpu.region"() ({
      %run_scoped3A_234 = tpu.sem_alloc : memref<!tpu.dma_semaphore, #tpu.memory_space<semaphore_mem>>
      %dma_start3A_235 = tpu.memref_slice %arg9[%arg0, %mul3A_233] : memref<2x10240xf32, #tpu.memory_space<hbm>> -> memref<1x640xf32, #tpu.memory_space<hbm>>
      %dma_start3A_236 = tpu.memref_squeeze %dma_start3A_235 : memref<1x640xf32, #tpu.memory_space<hbm>> -> memref<640xf32, #tpu.memory_space<hbm>>
      %dma_start3A_237 = tpu.memref_slice %arg11[%mul3A_231] : memref<10240xf32, #tpu.memory_space<vmem_shared>> -> memref<640xf32, #tpu.memory_space<vmem_shared>>
      tpu.enqueue_dma source(%dma_start3A_237 : memref<640xf32, #tpu.memory_space<vmem_shared>>) target(%dma_start3A_236 : memref<640xf32, #tpu.memory_space<hbm>>) target_semaphore(%run_scoped3A_234 : memref<!tpu.dma_semaphore, #tpu.memory_space<semaphore_mem>>)
      %dma_wait3A_238 = tpu.memref_slice %arg9[%arg0, %mul3A_233] : memref<2x10240xf32, #tpu.memory_space<hbm>> -> memref<1x640xf32, #tpu.memory_space<hbm>>
      %dma_wait3A_239 = tpu.memref_squeeze %dma_wait3A_238 : memref<1x640xf32, #tpu.memory_space<hbm>> -> memref<640xf32, #tpu.memory_space<hbm>>
      %dma_wait3A_240 = tpu.memref_slice %arg11[%mul3A_231] : memref<10240xf32, #tpu.memory_space<vmem_shared>> -> memref<640xf32, #tpu.memory_space<vmem_shared>>
      tpu.wait_dma2 semaphore(%run_scoped3A_234 : memref<!tpu.dma_semaphore, #tpu.memory_space<semaphore_mem>>) src(%dma_wait3A_240 : memref<640xf32, #tpu.memory_space<vmem_shared>>) dst(%dma_wait3A_239 : memref<640xf32, #tpu.memory_space<hbm>>)
      tpu.yield
    }) : () -> ()
    return
  }
}

module attributes {stable_mosaic.version = 14 : i64} {
  func.func @_prologue_body(%arg0: i32, %arg1: memref<1x10000x128xf32, #tpu.memory_space<vmem>>, %arg2: memref<1x128x128xf32, #tpu.memory_space<vmem>>, %arg3: memref<1x1x128xf32, #tpu.memory_space<vmem>>, %arg4: memref<1x1x128xf32, #tpu.memory_space<vmem>>, %arg5: memref<1x10000x128xf32, #tpu.memory_space<vmem>>, %arg6: memref<1x1x10000xf32, #tpu.memory_space<vmem>>, %arg7: memref<1x1x10000xf32, #tpu.memory_space<vmem>>, %arg8: memref<1x1x16xf32, #tpu.memory_space<vmem>>) attributes {dimension_semantics = [#tpu.dimension_semantics<arbitrary>], iteration_bounds = array<i64: 2>, scalar_prefetch = 0 : i64, scratch_operands = 0 : i64, tpu.core_type = #tpu.core_type<tc>, window_params = [{transform_indices = @transform_0, window_bounds = array<i64: 1, 10000, 128>}, {transform_indices = @transform_1, window_bounds = array<i64: 1, 128, 128>}, {transform_indices = @transform_2, window_bounds = array<i64: 1, 1, 128>}, {transform_indices = @transform_3, window_bounds = array<i64: 1, 1, 128>}, {transform_indices = @transform_4, window_bounds = array<i64: 1, 10000, 128>}, {transform_indices = @transform_5, window_bounds = array<i64: 1, 1, 10000>}, {transform_indices = @transform_6, window_bounds = array<i64: 1, 1, 10000>}, {transform_indices = @transform_7, window_bounds = array<i64: 1, 1, 16>}]} {
    %get3A = arith.constant 0 : index
    %get3A_0 = arith.constant 0 : index
    %get3A_1 = arith.constant 0 : index
    %get3A_2 = vector.load %arg1[%get3A, %get3A_0, %get3A_1] : memref<1x10000x128xf32, #tpu.memory_space<vmem>>, vector<1x10000x128xf32>
    %get3A_3 = vector.shape_cast %get3A_2 : vector<1x10000x128xf32> to vector<10000x128xf32>
    %get3A_4 = arith.constant 0 : index
    %get3A_5 = arith.constant 0 : index
    %get3A_6 = arith.constant 0 : index
    %get3A_7 = vector.load %arg2[%get3A_4, %get3A_5, %get3A_6] : memref<1x128x128xf32, #tpu.memory_space<vmem>>, vector<1x128x128xf32>
    %get3A_8 = vector.shape_cast %get3A_7 : vector<1x128x128xf32> to vector<128x128xf32>
    %dot_general3A = arith.constant dense<0.000000e+00> : vector<10000x128xf32>
    %dot_general3A_9 = tpu.matmul %get3A_3, %get3A_8, %dot_general3A {dimension_numbers = #tpu.dot_dimension_numbers<[1], [0], [0], [1], [0, 0, 1, 1], [], []>, precision = #tpu.contract_precision<fp32>, transpose_lhs_hint = false} : vector<10000x128xf32>, vector<128x128xf32>, vector<10000x128xf32> -> vector<10000x128xf32>
    %swap3A = arith.constant 0 : index
    %swap3A_10 = arith.constant 0 : index
    %swap3A_11 = arith.constant 0 : index
    %swap3A_12 = vector.load %arg5[%swap3A, %swap3A_10, %swap3A_11] : memref<1x10000x128xf32, #tpu.memory_space<vmem>>, vector<1x10000x128xf32>
    %swap3A_13 = vector.shape_cast %swap3A_12 : vector<1x10000x128xf32> to vector<10000x128xf32>
    %swap3A_14 = vector.shape_cast %dot_general3A_9 : vector<10000x128xf32> to vector<1x10000x128xf32>
    tpu.vector_store %arg5[%swap3A, %swap3A_10, %swap3A_11], %swap3A_14 {strides = array<i32>} : memref<1x10000x128xf32, #tpu.memory_space<vmem>>, vector<1x10000x128xf32>,
    %get3A_15 = arith.constant 0 : index
    %get3A_16 = arith.constant 0 : index
    %get3A_17 = arith.constant 0 : index
    %get3A_18 = vector.load %arg3[%get3A_15, %get3A_16, %get3A_17] : memref<1x1x128xf32, #tpu.memory_space<vmem>>, vector<1x1x128xf32>
    %get3A_19 = vector.shape_cast %get3A_18 : vector<1x1x128xf32> to vector<128xf32>
    %broadcast_in_dim3A = vector.shape_cast %get3A_19 : vector<128xf32> to vector<1x128xf32>
    %mul3A = vector.broadcast %broadcast_in_dim3A : vector<1x128xf32> to vector<10000x128xf32>
    %mul3A_20 = arith.mulf %dot_general3A_9, %mul3A : vector<10000x128xf32>
    %reduce_sum3A = arith.constant dense<0.000000e+00> : vector<10000xf32>
    %reduce_sum3A_21 = vector.multi_reduction <add>, %mul3A_20, %reduce_sum3A [1] : vector<10000x128xf32> to vector<10000xf32>
    %get3A_22 = arith.constant 0 : index
    %get3A_23 = arith.constant 0 : index
    %get3A_24 = arith.constant 0 : index
    %get3A_25 = vector.load %arg4[%get3A_22, %get3A_23, %get3A_24] : memref<1x1x128xf32, #tpu.memory_space<vmem>>, vector<1x1x128xf32>
    %get3A_26 = vector.shape_cast %get3A_25 : vector<1x1x128xf32> to vector<128xf32>
    %broadcast_in_dim3A_27 = vector.shape_cast %get3A_26 : vector<128xf32> to vector<1x128xf32>
    %mul3A_28 = vector.broadcast %broadcast_in_dim3A_27 : vector<1x128xf32> to vector<10000x128xf32>
    %mul3A_29 = arith.mulf %dot_general3A_9, %mul3A_28 : vector<10000x128xf32>
    %reduce_sum3A_30 = arith.constant dense<0.000000e+00> : vector<10000xf32>
    %reduce_sum3A_31 = vector.multi_reduction <add>, %mul3A_29, %reduce_sum3A_30 [1] : vector<10000x128xf32> to vector<10000xf32>
    %broadcast_in_dim3A_32 = vector.shape_cast %reduce_sum3A_21 : vector<10000xf32> to vector<1x1x10000xf32>
    %swap3A_33 = arith.constant 0 : index
    %swap3A_34 = arith.constant 0 : index
    %swap3A_35 = arith.constant 0 : index
    %swap3A_36 = vector.load %arg6[%swap3A_33, %swap3A_34, %swap3A_35] : memref<1x1x10000xf32, #tpu.memory_space<vmem>>, vector<1x1x10000xf32>
    tpu.vector_store %arg6[%swap3A_33, %swap3A_34, %swap3A_35], %broadcast_in_dim3A_32 {strides = array<i32>} : memref<1x1x10000xf32, #tpu.memory_space<vmem>>, vector<1x1x10000xf32>,
    %broadcast_in_dim3A_37 = vector.shape_cast %reduce_sum3A_31 : vector<10000xf32> to vector<1x1x10000xf32>
    %swap3A_38 = arith.constant 0 : index
    %swap3A_39 = arith.constant 0 : index
    %swap3A_40 = arith.constant 0 : index
    %swap3A_41 = vector.load %arg7[%swap3A_38, %swap3A_39, %swap3A_40] : memref<1x1x10000xf32, #tpu.memory_space<vmem>>, vector<1x1x10000xf32>
    tpu.vector_store %arg7[%swap3A_38, %swap3A_39, %swap3A_40], %broadcast_in_dim3A_37 {strides = array<i32>} : memref<1x1x10000xf32, #tpu.memory_space<vmem>>, vector<1x1x10000xf32>,
    %reduce_max3A = vector.shape_cast %reduce_sum3A_21 : vector<10000xf32> to vector<1x10000xf32>
    %reduce_max3A_42 = arith.constant dense<0xFF800000> : vector<1xf32>
    %reduce_max3A_43 = vector.multi_reduction <maximumf>, %reduce_max3A, %reduce_max3A_42 [1] : vector<1x10000xf32> to vector<1xf32>
    %reduce_max3A_44 = vector.shape_cast %reduce_max3A_43 : vector<1xf32> to vector<1x1xf32>
    %reduce_max3A_45 = vector.extract %reduce_max3A_44[0, 0] : f32 from vector<1x1xf32>
    %reduce_max3A_46 = vector.shape_cast %reduce_sum3A_31 : vector<10000xf32> to vector<1x10000xf32>
    %reduce_max3A_47 = arith.constant dense<0xFF800000> : vector<1xf32>
    %reduce_max3A_48 = vector.multi_reduction <maximumf>, %reduce_max3A_46, %reduce_max3A_47 [1] : vector<1x10000xf32> to vector<1xf32>
    %reduce_max3A_49 = vector.shape_cast %reduce_max3A_48 : vector<1xf32> to vector<1x1xf32>
    %reduce_max3A_50 = vector.extract %reduce_max3A_49[0, 0] : f32 from vector<1x1xf32>
    %add3A = arith.addf %reduce_max3A_45, %reduce_max3A_50 : f32
    %mul3A_51 = arith.constant 2.000000e-01 : f32
    %mul3A_52 = arith.mulf %mul3A_51, %add3A : f32
    %max3A = arith.maximumf %add3A, %mul3A_52 : f32
    %broadcast_in_dim3A_53 = vector.broadcast %max3A : f32 to vector<1x1x16xf32>
    %swap3A_54 = arith.constant 0 : index
    %swap3A_55 = arith.constant 0 : index
    %swap3A_56 = arith.constant 0 : index
    %swap3A_57 = vector.load %arg8[%swap3A_54, %swap3A_55, %swap3A_56] : memref<1x1x16xf32, #tpu.memory_space<vmem>>, vector<1x1x16xf32>
    tpu.vector_store %arg8[%swap3A_54, %swap3A_55, %swap3A_56], %broadcast_in_dim3A_53 {strides = array<i32>} : memref<1x1x16xf32, #tpu.memory_space<vmem>>, vector<1x1x16xf32>,
    return
  }
  func.func @transform_0(%arg0: i32) -> (i32, i32, i32) {
    %c0_i32 = arith.constant 0 : i32
    %c0_i32_0 = arith.constant 0 : i32
    %c0_i32_1 = arith.constant 0 : i32
    return %arg0, %c0_i32, %c0_i32_0 : i32, i32, i32
  }
  func.func @transform_1(%arg0: i32) -> (i32, i32, i32) {
    %c0_i32 = arith.constant 0 : i32
    %c0_i32_0 = arith.constant 0 : i32
    %c0_i32_1 = arith.constant 0 : i32
    return %arg0, %c0_i32, %c0_i32_0 : i32, i32, i32
  }
  func.func @transform_2(%arg0: i32) -> (i32, i32, i32) {
    %c0_i32 = arith.constant 0 : i32
    %c0_i32_0 = arith.constant 0 : i32
    %c0_i32_1 = arith.constant 0 : i32
    return %arg0, %c0_i32, %c0_i32_0 : i32, i32, i32
  }
  func.func @transform_3(%arg0: i32) -> (i32, i32, i32) {
    %c0_i32 = arith.constant 0 : i32
    %c0_i32_0 = arith.constant 0 : i32
    %c0_i32_1 = arith.constant 0 : i32
    return %arg0, %c0_i32, %c0_i32_0 : i32, i32, i32
  }
  func.func @transform_4(%arg0: i32) -> (i32, i32, i32) {
    %c0_i32 = arith.constant 0 : i32
    %c0_i32_0 = arith.constant 0 : i32
    %c0_i32_1 = arith.constant 0 : i32
    return %arg0, %c0_i32, %c0_i32_0 : i32, i32, i32
  }
  func.func @transform_5(%arg0: i32) -> (i32, i32, i32) {
    %c0_i32 = arith.constant 0 : i32
    %c0_i32_0 = arith.constant 0 : i32
    %c0_i32_1 = arith.constant 0 : i32
    return %arg0, %c0_i32, %c0_i32_0 : i32, i32, i32
  }
  func.func @transform_6(%arg0: i32) -> (i32, i32, i32) {
    %c0_i32 = arith.constant 0 : i32
    %c0_i32_0 = arith.constant 0 : i32
    %c0_i32_1 = arith.constant 0 : i32
    return %arg0, %c0_i32, %c0_i32_0 : i32, i32, i32
  }
  func.func @transform_7(%arg0: i32) -> (i32, i32, i32) {
    %c0_i32 = arith.constant 0 : i32
    %c0_i32_0 = arith.constant 0 : i32
    %c0_i32_1 = arith.constant 0 : i32
    return %arg0, %c0_i32, %c0_i32_0 : i32, i32, i32
  }
}

module attributes {stable_mosaic.version = 14 : i64} {
  func.func @_epilogue_body(%arg0: i32, %arg1: i32, %arg2: memref<1x2048x128xf32, #tpu.memory_space<vmem>>, %arg3: memref<1x1x2048xf32, #tpu.memory_space<vmem>>, %arg4: memref<1x2048x128xf32, #tpu.memory_space<vmem>>, %arg5: memref<1x1x2048xf32, #tpu.memory_space<vmem>>, %arg6: memref<1x1x2048xf32, #tpu.memory_space<vmem>>, %arg7: memref<1x1x16xf32, #tpu.memory_space<vmem>>, %arg8: memref<1x1x128xf32, #tpu.memory_space<vmem>>, %arg9: memref<128x128xf32, #tpu.memory_space<vmem>>, %arg10: memref<1x2048x128xf32, #tpu.memory_space<vmem>>) attributes {dimension_semantics = [#tpu.dimension_semantics<arbitrary>, #tpu.dimension_semantics<arbitrary>], iteration_bounds = array<i64: 2, 5>, scalar_prefetch = 0 : i64, scratch_operands = 0 : i64, tpu.core_type = #tpu.core_type<tc>, window_params = [{transform_indices = @transform_0, window_bounds = array<i64: 1, 2048, 128>}, {transform_indices = @transform_1, window_bounds = array<i64: 1, 1, 2048>}, {transform_indices = @transform_2, window_bounds = array<i64: 1, 2048, 128>}, {transform_indices = @transform_3, window_bounds = array<i64: 1, 1, 2048>}, {transform_indices = @transform_4, window_bounds = array<i64: 1, 1, 2048>}, {transform_indices = @transform_5, window_bounds = array<i64: 1, 1, 16>}, {transform_indices = @transform_6, window_bounds = array<i64: 1, 1, 128>}, {pipeline_mode = #tpu.pipeline_mode<synchronous>, transform_indices = @transform_7, window_bounds = array<i64: 128, 128>}, {transform_indices = @transform_8, window_bounds = array<i64: 1, 2048, 128>}]} {
    %get3A = arith.constant 0 : index
    %get3A_0 = arith.constant 0 : index
    %get3A_1 = arith.constant 0 : index
    %get3A_2 = vector.load %arg5[%get3A, %get3A_0, %get3A_1] : memref<1x1x2048xf32, #tpu.memory_space<vmem>>, vector<1x1x2048xf32>
    %get3A_3 = vector.shape_cast %get3A_2 : vector<1x1x2048xf32> to vector<2048xf32>
    %get3A_4 = arith.constant 0 : index
    %get3A_5 = arith.constant 0 : index
    %get3A_6 = arith.constant 0 : index
    %get3A_7 = vector.load %arg6[%get3A_4, %get3A_5, %get3A_6] : memref<1x1x2048xf32, #tpu.memory_space<vmem>>, vector<1x1x2048xf32>
    %get3A_8 = vector.shape_cast %get3A_7 : vector<1x1x2048xf32> to vector<2048xf32>
    %add3A = arith.addf %get3A_3, %get3A_8 : vector<2048xf32>
    %mul3A = arith.constant 2.000000e-01 : f32
    %mul3A_9 = vector.broadcast %mul3A : f32 to vector<2048xf32>
    %mul3A_10 = arith.mulf %mul3A_9, %add3A : vector<2048xf32>
    %max3A = arith.maximumf %add3A, %mul3A_10 : vector<2048xf32>
    %get3A_11 = arith.constant 0 : index
    %get3A_12 = arith.constant 0 : index
    %get3A_13 = arith.constant 0 : index
    %get3A_14 = vector.load %arg7[%get3A_11, %get3A_12, %get3A_13] : memref<1x1x16xf32, #tpu.memory_space<vmem>>, vector<1x1x1xf32>
    %get3A_15 = vector.extract %get3A_14[0, 0, 0] : f32 from vector<1x1x1xf32>
    %sub3A = vector.broadcast %get3A_15 : f32 to vector<2048xf32>
    %sub3A_16 = arith.subf %max3A, %sub3A : vector<2048xf32>
    %exp3A = math.exp %sub3A_16 : vector<2048xf32>
    %get3A_17 = arith.constant 0 : index
    %get3A_18 = arith.constant 0 : index
    %get3A_19 = arith.constant 0 : index
    %get3A_20 = vector.load %arg3[%get3A_17, %get3A_18, %get3A_19] : memref<1x1x2048xf32, #tpu.memory_space<vmem>>, vector<1x1x2048xf32>
    %get3A_21 = vector.shape_cast %get3A_20 : vector<1x1x2048xf32> to vector<2048xf32>
    %add3A_22 = arith.addf %get3A_21, %exp3A : vector<2048xf32>
    %add3A_23 = arith.constant 1.000000e-16 : f32
    %add3A_24 = vector.broadcast %add3A_23 : f32 to vector<2048xf32>
    %add3A_25 = arith.addf %add3A_22, %add3A_24 : vector<2048xf32>
    %get3A_26 = arith.constant 0 : index
    %get3A_27 = arith.constant 0 : index
    %get3A_28 = arith.constant 0 : index
    %get3A_29 = vector.load %arg2[%get3A_26, %get3A_27, %get3A_28] : memref<1x2048x128xf32, #tpu.memory_space<vmem>>, vector<1x2048x128xf32>
    %get3A_30 = vector.shape_cast %get3A_29 : vector<1x2048x128xf32> to vector<2048x128xf32>
    %get3A_31 = arith.constant 0 : index
    %get3A_32 = arith.constant 0 : index
    %get3A_33 = vector.load %arg9[%get3A_31, %get3A_32] : memref<128x128xf32, #tpu.memory_space<vmem>>, vector<128x128xf32>
    %dot_general3A = arith.constant dense<0.000000e+00> : vector<2048x128xf32>
    %dot_general3A_34 = tpu.matmul %get3A_30, %get3A_33, %dot_general3A {dimension_numbers = #tpu.dot_dimension_numbers<[1], [0], [0], [1], [0, 0, 1, 1], [], []>, precision = #tpu.contract_precision<fp32>, transpose_lhs_hint = false} : vector<2048x128xf32>, vector<128x128xf32>, vector<2048x128xf32> -> vector<2048x128xf32>
    %broadcast_in_dim3A = vector.shape_cast %exp3A : vector<2048xf32> to vector<2048x1xf32>
    %get3A_35 = arith.constant 0 : index
    %get3A_36 = arith.constant 0 : index
    %get3A_37 = arith.constant 0 : index
    %get3A_38 = vector.load %arg4[%get3A_35, %get3A_36, %get3A_37] : memref<1x2048x128xf32, #tpu.memory_space<vmem>>, vector<1x2048x128xf32>
    %get3A_39 = vector.shape_cast %get3A_38 : vector<1x2048x128xf32> to vector<2048x128xf32>
    %mul3A_40 = vector.broadcast %broadcast_in_dim3A : vector<2048x1xf32> to vector<2048x128xf32>
    %mul3A_41 = arith.mulf %mul3A_40, %get3A_39 : vector<2048x128xf32>
    %add3A_42 = arith.addf %dot_general3A_34, %mul3A_41 : vector<2048x128xf32>
    %broadcast_in_dim3A_43 = vector.shape_cast %add3A_25 : vector<2048xf32> to vector<2048x1xf32>
    %div3A = vector.broadcast %broadcast_in_dim3A_43 : vector<2048x1xf32> to vector<2048x128xf32>
    %div3A_44 = arith.divf %add3A_42, %div3A : vector<2048x128xf32>
    %get3A_45 = arith.constant 0 : index
    %get3A_46 = arith.constant 0 : index
    %get3A_47 = arith.constant 0 : index
    %get3A_48 = vector.load %arg8[%get3A_45, %get3A_46, %get3A_47] : memref<1x1x128xf32, #tpu.memory_space<vmem>>, vector<1x1x128xf32>
    %get3A_49 = vector.shape_cast %get3A_48 : vector<1x1x128xf32> to vector<128xf32>
    %broadcast_in_dim3A_50 = vector.shape_cast %get3A_49 : vector<128xf32> to vector<1x128xf32>
    %add3A_51 = vector.broadcast %broadcast_in_dim3A_50 : vector<1x128xf32> to vector<2048x128xf32>
    %add3A_52 = arith.addf %div3A_44, %add3A_51 : vector<2048x128xf32>
    %max3A_53 = arith.constant 0.000000e+00 : f32
    %max3A_54 = vector.broadcast %max3A_53 : f32 to vector<2048x128xf32>
    %max3A_55 = arith.maximumf %add3A_52, %max3A_54 : vector<2048x128xf32>
    %swap3A = arith.constant 0 : index
    %swap3A_56 = arith.constant 0 : index
    %swap3A_57 = arith.constant 0 : index
    %swap3A_58 = vector.load %arg10[%swap3A, %swap3A_56, %swap3A_57] : memref<1x2048x128xf32, #tpu.memory_space<vmem>>, vector<1x2048x128xf32>
    %swap3A_59 = vector.shape_cast %swap3A_58 : vector<1x2048x128xf32> to vector<2048x128xf32>
    %swap3A_60 = vector.shape_cast %max3A_55 : vector<2048x128xf32> to vector<1x2048x128xf32>
    tpu.vector_store %arg10[%swap3A, %swap3A_56, %swap3A_57], %swap3A_60 {strides = array<i32>} : memref<1x2048x128xf32, #tpu.memory_space<vmem>>, vector<1x2048x128xf32>,
    return
  }
  func.func @transform_0(%arg0: i32, %arg1: i32) -> (i32, i32, i32) {
    %c0_i32 = arith.constant 0 : i32
    %c0_i32_0 = arith.constant 0 : i32
    return %arg0, %arg1, %c0_i32 : i32, i32, i32
  }
  func.func @transform_1(%arg0: i32, %arg1: i32) -> (i32, i32, i32) {
    %c0_i32 = arith.constant 0 : i32
    %c0_i32_0 = arith.constant 0 : i32
    return %arg0, %c0_i32, %arg1 : i32, i32, i32
  }
  func.func @transform_2(%arg0: i32, %arg1: i32) -> (i32, i32, i32) {
    %c0_i32 = arith.constant 0 : i32
    %c0_i32_0 = arith.constant 0 : i32
    return %arg0, %arg1, %c0_i32 : i32, i32, i32
  }
  func.func @transform_3(%arg0: i32, %arg1: i32) -> (i32, i32, i32) {
    %c0_i32 = arith.constant 0 : i32
    %c0_i32_0 = arith.constant 0 : i32
    return %arg0, %c0_i32, %arg1 : i32, i32, i32
  }
  func.func @transform_4(%arg0: i32, %arg1: i32) -> (i32, i32, i32) {
    %c0_i32 = arith.constant 0 : i32
    %c0_i32_0 = arith.constant 0 : i32
    return %arg0, %c0_i32, %arg1 : i32, i32, i32
  }
  func.func @transform_5(%arg0: i32, %arg1: i32) -> (i32, i32, i32) {
    %c0_i32 = arith.constant 0 : i32
    %c0_i32_0 = arith.constant 0 : i32
    %c0_i32_1 = arith.constant 0 : i32
    return %arg0, %c0_i32, %c0_i32_0 : i32, i32, i32
  }
  func.func @transform_6(%arg0: i32, %arg1: i32) -> (i32, i32, i32) {
    %c0_i32 = arith.constant 0 : i32
    %c0_i32_0 = arith.constant 0 : i32
    %c0_i32_1 = arith.constant 0 : i32
    return %arg0, %c0_i32, %c0_i32_0 : i32, i32, i32
  }
  func.func @transform_7(%arg0: i32, %arg1: i32) -> (i32, i32) {
    %c0_i32 = arith.constant 0 : i32
    %c0_i32_0 = arith.constant 0 : i32
    %c0_i32_1 = arith.constant 0 : i32
    return %c0_i32, %c0_i32_0 : i32, i32
  }
  func.func @transform_8(%arg0: i32, %arg1: i32) -> (i32, i32, i32) {
    %c0_i32 = arith.constant 0 : i32
    %c0_i32_0 = arith.constant 0 : i32
    return %arg0, %arg1, %c0_i32 : i32, i32, i32
  }
}

</mosaic_0001>

<sc_bundles>
// kernel: kernel.5.cloned.1.call-start
scs
__scs_entry_jumppad:
0x0: {  	(pc) =	sbr.rel $0x88, $3  }
0x1: {  	(tag) =	ssettag $0x0;
	lr =	simm.s32 $0x1  }
0x2: {  	[smem:$0x3F95] =	sst lr;
	_ =	strace $0xD0000000  }
0x3: {  	_ = 	snop  }
0x4: {  	_ = 	snop  }
0x5: {  	_ = 	snop  }
0x6: {  	_ = 	snop  }
0x7: {  	_ = 	snop  }
__scs_overlays_trampoline_lowered:
0x8: {  	[smem:$0x3FA4] =	sst s0  }
0x9: {  	[smem:$0x3FA5] =	sst s1  }
0xa: {  	[smem:$0x3FA6] =	sst s2  }
0xb: {  	[smem:$0x3FA7] =	sst s3  }
0xc: {  	[smem:$0x3FA8] =	sst s4  }
0xd: {  	[smem:$0x3FA9] =	sst s5  }
0xe: {  	[smem:$0x3FAA] =	sst s6  }
0xf: {  	[smem:$0x3FAB] =	sst s7  }
0x10: {  	[smem:$0x3FAC] =	sst s8  }
0x11: {  	[smem:$0x3FAD] =	sst s9;
	s0 =	simm.s32 @!p0 $0x0  }
0x12: {  	s1 =	sld [smem:$0x3F93];
	s0 =	simm.s32 @p0 $0x1  }
0x13: {  	[smem:$0x3FAE] =	sst s0;
	s0 =	simm.s32 @!p1 $0x0  }
0x14: {  	s2 =	sld [smem:$0x3F92];
	s0 =	simm.s32 @p1 $0x1  }
0x15: {  	[smem:$0x3FAF] =	sst s0;
	s0 =	simm.s32 @!p2 $0x0  }
0x16: {  	s3 =	sld [smem:$0x3FDB];
	s0 =	simm.s32 @p2 $0x1  }
0x17: {  	s4 =	simm.s32 $0x1BF5;
	[smem:$0x3FB1] =	sst s0  }
0x18: {  	s0 =	sld [smem:$0x3F94];
	_ =	swait.ge [sflag:s4], $0x0  }
0x19: {  	s7 =	sld [smem:$0x3F95]  }
0x1a: {  	s8 =	sadd.s32 $0xFFFFE003, lr  }
0x1b: {  	s9 =	sadd.s32 $0xFFFFFEF7, lr;
	s5 =	simm.s32 $0xFFFFFFFF;
	p2 =	slt.u32 s8, $0xFFFFF086  }
0x1c: {  	p1 =	slt.u32 s9, $0xF7A;
	s5 =	simm.s32 @!p2 $0x0  }
0x1d: {  	s5 =	simm.s32 @p1 $0x1;
	p0 =	seq.s32 s7, s2  }
0x1e: {  	s7 =	smul.u32 @!p0 $0xF7A, s2;
	p2 =	seq.s32 @!p0 s5, $0x0  }
0x1f: {  	s9 =	smul.u32 $0xF7A, s1;
	s8 =	simm.s32 @!p0 $0x1BF5;
	p2 =	por !p2, p0  }
0x20: {  	[sflag:s8] =	ssyncset.s32 @!p0 $0xFFFFF086;
	s6 =	sadd.s32 @!p0 s3, s7;
	s7 =	simm.s32 @!p0 $0x108  }
0x21: {  	s3 =	sadd.s32 s3, s9;
	s6 =	sadd.s32 @!p0 $0x88, s6;
	s7 =	simm.s32 @p2 $0x1082  }
0x22: {  	[simem:s7], [sflag:s8] =	dma.local @!p0 [hbm:s6], $0xF7A  }
0x23: {  	s9 =	sor.u32 $0xD0000000, s2;
	s6 =	simm.s32 $0x108;
	_ =	swait.ge @!p0 [sflag:s8], $0x0  }
0x24: {  	s3 =	sadd.s32 $0x88, s3;
	s6 =	simm.s32 @!p1 $0x1082;
	[sflag:s4] =	ssyncset.s32 $0xFFFFF086  }
0x25: {  	[simem:s6], [sflag:s4] =	dma.local [hbm:s3], $0xF7A  }
0x26: {  	[smem:$0x3F95] =	sst s1;
	(tag) =	ssettag s2;
	_ =	strace s9  }
0x27: {  	s1 =	sld [smem:$0x3FA5]  }
0x28: {  	s2 =	sld [smem:$0x3FA6]  }
0x29: {  	s4 =	sld [smem:$0x3FA8]  }
0x2a: {  	p0 =	seq.s32 s5, $0x0;
	s5 =	sld [smem:$0x3FA9]  }
0x2b: {  	s6 =	sld [smem:$0x3FAA]  }
0x2c: {  	s7 =	sld [smem:$0x3FAB]  }
0x2d: {  	s3 =	simm.s32 $0x108;
	s8 =	sld [smem:$0x3FAC]  }
0x2e: {  	s3 =	simm.s32 @!p0 $0x1082;
	s9 =	sld [smem:$0x3FAD]  }
0x2f: {  	lr =	sadd.s32 s0, s3;
	s0 =	sld [smem:$0x3FA4]  }
0x30: {  	s3 =	sld [smem:$0x3FA7]  }
0x31: {  	[smem:$0x3FB0] =	sst s10  }
0x32: {  	s10 =	sld [smem:$0x3FAE];
	_ =	sdelay $0x3  }
0x33: {  	p0 =	seq.s32 s10, $0x1;
	s10 =	sld [smem:$0x3FB0];
	_ =	sdelay $0x3  }
0x34: {  	[smem:$0x3FB0] =	sst s10  }
0x35: {  	s10 =	sld [smem:$0x3FAF];
	_ =	sdelay $0x3  }
0x36: {  	p1 =	seq.s32 s10, $0x1;
	s10 =	sld [smem:$0x3FB0];
	_ =	sdelay $0x3  }
0x37: {  	[smem:$0x3FB0] =	sst s10  }
0x38: {  	s10 =	sld [smem:$0x3FB1]  }
0x39: {  	_ = 	snop;
	(pc) =	sbr.ind lr, $3  }
0x3a: {  	_ = 	snop  }
0x3b: {  	_ = 	snop  }
0x3c: {  	p2 =	seq.s32 s10, $0x1;
	s10 =	sld [smem:$0x3FB0]  }
0x3d: {  	_ =	shalt  }
0x3e: {  	_ =	shalt  }
0x3f: {  	_ =	shalt  }
0x40: {  	_ =	shalt  }
0x41: {  	_ =	shalt  }
0x42: {  	_ =	shalt  }
0x43: {  	_ =	shalt  }
0x44: {  	_ =	shalt  }
0x45: {  	_ =	shalt  }
0x46: {  	_ =	shalt  }
0x47: {  	_ =	shalt  }
0x48: {  	_ =	shalt  }
0x49: {  	_ =	shalt  }
0x4a: {  	_ =	shalt  }
0x4b: {  	_ =	shalt  }
0x4c: {  	_ =	shalt  }
0x4d: {  	_ =	shalt  }
0x4e: {  	_ =	shalt  }
0x4f: {  	_ =	shalt  }
0x50: {  	_ =	shalt  }
0x51: {  	_ =	shalt  }
0x52: {  	_ =	shalt  }
0x53: {  	_ =	shalt  }
0x54: {  	_ =	shalt  }
0x55: {  	_ =	shalt  }
0x56: {  	_ =	shalt  }
0x57: {  	_ =	shalt  }
0x58: {  	_ =	shalt  }
0x59: {  	_ =	shalt  }
0x5a: {  	_ =	shalt  }
0x5b: {  	_ =	shalt  }
0x5c: {  	_ =	shalt  }
0x5d: {  	_ =	shalt  }
0x5e: {  	_ =	shalt  }
0x5f: {  	_ =	shalt  }
0x60: {  	_ =	shalt  }
0x61: {  	_ =	shalt  }
0x62: {  	_ =	shalt  }
0x63: {  	_ =	shalt  }
0x64: {  	_ =	shalt  }
0x65: {  	_ =	shalt  }
0x66: {  	_ =	shalt  }
0x67: {  	_ =	shalt  }
0x68: {  	_ =	shalt  }
0x69: {  	_ =	shalt  }
0x6a: {  	_ =	shalt  }
0x6b: {  	_ =	shalt  }
0x6c: {  	_ =	shalt  }
0x6d: {  	_ =	shalt  }
0x6e: {  	_ =	shalt  }
0x6f: {  	_ =	shalt  }
0x70: {  	_ =	shalt  }
0x71: {  	_ =	shalt  }
0x72: {  	_ =	shalt  }
0x73: {  	_ =	shalt  }
0x74: {  	_ =	shalt  }
0x75: {  	_ =	shalt  }
0x76: {  	_ =	shalt  }
0x77: {  	_ =	shalt  }
0x78: {  	_ =	shalt  }
0x79: {  	_ =	shalt  }
0x7a: {  	_ =	shalt  }
0x7b: {  	_ =	shalt  }
0x7c: {  	_ =	shalt  }
0x7d: {  	_ =	shalt  }
0x7e: {  	_ =	shalt  }
0x7f: {  	_ =	shalt  }
0x80: {  	_ =	shalt  }
0x81: {  	_ =	shalt  }
0x82: {  	_ =	shalt  }
0x83: {  	_ =	shalt  }
0x84: {  	_ =	shalt  }
0x85: {  	_ =	shalt  }
0x86: {  	_ =	shalt  }
0x87: {  	_ =	shalt  }
.Lfunc_end0:
.L_simem_size_0:
called_computation_lowered:
.L_overlay_start_0:
0x88: {  	s2 =	sld [smem:$0x3FD9]  }
0x89: {  	s3 =	sld [smem:$0x3FFE];
	_ =	sdelay $0x1  }
0x8a: {  	s1 =	srdreg.scid  }
0x8b: {  	s0 =	sand.u32 $0x1, s1  }
0x8c: {  	s17 =	sshll.u32 s0, $0xA;
	s2 =	sadd.s32 s3, s2  }
0x8d: {  	s2 =	sadd.s32 s2, s17  }
0x8e: {  	[smem:$0x3FBC] =	sst s2  }
0x8f: {  	_ = 	snop  }
0x90: {  	s2 =	sld [smem:$0x3FD0];
	(tm) =	ssettm $0x1  }
0x91: {  	s18 =	sld [smem:$0x3FFB];
	_ =	sdelay $0x3  }
0x92: {  	_ =	strace s18  }
0x93: {  	s3 =	sld [smem:$0x3FFC];
	_ =	sdelay $0x3  }
0x94: {  	_ =	strace s3  }
0x95: {  	s3 =	sld [smem:$0x3FFD];
	_ =	sdelay $0x3  }
0x96: {  	_ =	strace s3  }
0x97: {  	_ =	strace $0x8FFFFFFF  }
0x98: {  	s19 =	sld [smem:$0x3FDB];
	_ =	sdelay $0x1  }
0x99: {  	s4 =	simm.s32 $_scs_section_size  }
0x9a: {  	s5 =	simm.s32 $_size__tile_overlayer_lowered;
	s6 =	simm.s32 $_tile_overlayer_lowered  }
0x9b: {  	s22 =	simm.s32 $0x1BFF;
	s21 =	sshll.u32 s6, $0x1;
	s3 =	sadd.s32 s4, s19  }
0x9c: {  	s7 =	simm.s32 $0x0;
	s20 =	sshll.u32 s5, $0x1;
	s5 =	sadd.s32 s21, s3  }
0x9d: {  	[timem:s7], [sflag:s22] =	dma.local [hbm:s5], s20  }
0x9e: {  	_ =	swait.ge [sflag:s22], s20  }
0x9f: {  	s4 =	ssub.s32 $0x0, s20;
	[sflag:s22] =	ssyncset.done $0x0  }
0xa0: {  	[sflag:s22] =	ssyncadd.s32 s4;
	_ =	sdelay $0x1  }
0xa1: {  	s23 =	simm.s32 $0x1B8B  }
0xa2: {  	_ =	swait.ge [sflag:s23], $0x1  }
0xa3: {  	[sflag:s23] =	ssyncset.done $0x0  }
0xa4: {  	s25 =	simm.s32 $0x1B8E;
	s24 =	sld [smem:$0x3FFE];
	[sflag:s23] =	ssyncadd.s32 $0xFFFFFFFF  }
0xa5: {  	s26 =	simm.s32 $execute0_lowered;
	[smem:$0x3FD2] =	sst s25  }
0xa6: {  	s5 =	sshll.u32 s26, $0x1;
	_ =	strace $0x80000046;
	[dreg:$0x1] =	wrdreg $0xFFFFFFFF  }
0xa7: {  	s28 =	simm.s32 $_size_execute0_lowered;
	s3 =	sadd.s32 s3, s5;
	[dreg:$0x0] =	wrdreg $0x0  }
0xa8: {  	s5 =	sshll.u32 s28, $0x1;
	[dreg:$0x2] =	wrdreg s3  }
0xa9: {  	[dreg:$0x3] =	wrdreg s5  }
0xaa: {  	[dreg:$0x4] =	wrdreg $0xC0  }
0xab: {  	_ =	task [dreg:s7], $0x5FFFF  }
0xac: {  	[dreg:$0x1] =	wrdreg $0xFFFFFFFF  }
0xad: {  	[dreg:$0x0] =	wrdreg $0x60  }
0xae: {  	[dreg:$0x2] =	wrdreg s2  }
0xaf: {  	[dreg:$0x3] =	wrdreg s24  }
0xb0: {  	[dreg:$0x4] =	wrdreg $0x0  }
0xb1: {  	[dreg:$0x5] =	wrdreg $0x140000  }
0xb2: {  	[dreg:$0x6] =	wrdreg $0x9  }
0xb3: {  	_ =	task.clear_ibuf [dreg:s7], $0x7FFFF;
	_ =	strace $0x90000046  }
0xb4: {  	s29 =	simm.s32 $0x9;
	_ =	strace $0x80000048  }
0xb5: {  	_ =	swait.ge [sflag:s29], $0x1  }
0xb6: {  	[sflag:s29] =	ssyncadd.s32 $0xFFFFFFFF  }
0xb7: {  	_ =	strace $0x90000048  }
0xb8: {  	_ =	sfence  }
0xb9: {  	s30 =	sld [smem:$0x0];
	_ =	sdelay $0x2  }
0xba: {  	s31 =	sshll.u32 s1, $0xD;
	s1 =	sshrl.u32 s1, $0x2  }
0xbb: {  	s3 =	sand.u32 $0x4000, s31;
	s1 =	sadd.s32 s1, s30  }
0xbc: {  	s0 =	sor.u32 s3, s0;
	s1 =	sshll.u32 s1, $0x11  }
0xbd: {  	s0 =	sor.u32 s1, s0  }
0xbe: {  	s0 =	sadd.s32 $0x8F2B, s0  }
0xbf: {  	[sflag:s0] =	ssyncadd.remote.s32 $0x1  }
0xc0: {  	_ =	sfence.sel $0xFFFF  }
0xc1: {  	[dreg:$0x0] =	wrdreg $0xFFFFFFFF;
	(pc) =	sbr.abs _section_cstart, $3  }
0xc2: {  	[dreg:$0x1] =	wrdreg $0xFFFFFFFF  }
0xc3: {  	_ =	task.clear_ibuf [dreg:s7], $0x2FFFF;
	_ =	strace $0x9FFFFFFF  }
0xc4: {  	(tm) =	ssettm $0x7FFFFFFF  }
0xc5: {  	_ =	shalt  }
tec
execute0_lowered:
.L_overlay_start_1:
0x0: {  	(tag) =	ssettag $0x1  }
0x1: {  	s0 =	rddreg [dreg:$0x0]  }
0x2: {  	s1 =	rddreg [dreg:$0x1]  }
0x3: {  	s2 =	rddreg [dreg:$0x2]  }
0x4: {  	s3 =	rddreg [dreg:$0x3];
	s16 =	stileid.u32  }
0x5: {  	s5 =	srdreg.scid;
	s8 =	smul.u32 $0x14000, s16  }
0x6: {  	s4 =	simm.s32 $0x0;
	s7 =	sand.u32 $0x1, s5;
	s9 =	smul.u32 $0x280, s16  }
0x7: {  	[smem:$0x7FF] =	sst s4;
	s5 =	sadd.s32 $0x15600, s1;
	s6 =	smul.u32 $0x140000, s7  }
0x8: {  	_ =	strace $0x80000047;
	s10 =	sshll.u32 s7, $0x1;
	s12 =	smul.u32 $0x2800, s7  }
0x9: {  	s13 =	ssub.s32 $0x2, s7;
	s21 =	smul.u32 $0x13880, s7;
	s10 =	sadd.s32 s10, s1  }
0xa: {  	s14 =	sshrl.u32 s13, $0x1;
	s15 =	sor.u32 $0x40, s9;
	s20 =	sadd.s32 s8, s2  }
0xb: {  	s26 =	sadd.s32 $0x80, s9;
	s31 =	sadd.s32 $0xC0, s9;
	s17 =	sadd.s32 $0x100, s9  }
0xc: {  	s19 =	sadd.s32 $0x140, s9;
	s23 =	sadd.s32 $0x180, s9;
	s11 =	sadd.s32 s8, s6  }
0xd: {  	s6 =	sadd.s32 $0x1600, s1;
	s12 =	sadd.s32 s9, s12;
	s24 =	sshll.u32 s15, $0x7  }
0xe: {  	s29 =	sadd.s32 s15, s3;
	s30 =	sshll.u32 s26, $0x7;
	s8 =	sadd.s32 s26, s3  }
0xf: {  	s15 =	sadd.s32 s31, s3;
	s18 =	sshll.u32 s17, $0x7;
	[dreg:$0x5] =	wrdreg s20  }
0x10: {  	s22 =	sshll.u32 s19, $0x7;
	s26 =	sadd.s32 $0x1C0, s9;
	[dreg:$0x7] =	wrdreg s29  }
0x11: {  	s11 =	sshrl.u32 s11, $0x3;
	s12 =	sshrl.u32 s12, $0x3;
	[dreg:$0x9] =	wrdreg s8  }
0x12: {  	s25 =	sadd.s32 s24, s2;
	[dreg:$0xb] =	wrdreg s15;
	s24 =	sadd.s32 s19, s3  }
0x13: {  	s29 =	sshll.u32 s26, $0x7;
	s15 =	sadd.s32 s26, s3;
	[dreg:$0x6] =	wrdreg s25  }
0x14: {  	s11 =	sadd.s32 s11, s1;
	s1 =	sadd.s32 s12, s1;
	[dreg:$0xf] =	wrdreg s24  }
0x15: {  	s12 =	ssub.s32 s13, s14;
	s13 =	sadd.s32 s30, s2;
	[dreg:$0x13] =	wrdreg s15  }
0x16: {  	s14 =	sadd.s32 s9, s3;
	[dreg:$0x8] =	wrdreg s13;
	s13 =	sshll.u32 s31, $0x7  }
0x17: {  	s19 =	sadd.s32 $0x240, s9;
	[dreg:$0x15] =	wrdreg s14;
	s8 =	sadd.s32 s13, s2  }
0x18: {  	s31 =	sadd.s32 $0x200, s9;
	s13 =	sadd.s32 s18, s2;
	[dreg:$0xa] =	wrdreg s8  }
0x19: {  	s30 =	smul.u32 $0x50000, s7;
	s7 =	sadd.s32 s31, s3;
	[dreg:$0xc] =	wrdreg s13  }
0x1a: {  	s18 =	sshll.u32 s31, $0x7;
	s31 =	smax.u32 s12, $0x1;
	[dreg:$0x16] =	wrdreg s7  }
0x1b: {  	s25 =	sshll.u32 s23, $0x7;
	s8 =	sadd.s32 s17, s3;
	[dreg:$0x1e] =	wrdreg s31  }
0x1c: {  	s17 =	sadd.s32 s0, s21;
	s0 =	sadd.s32 s23, s3;
	[dreg:$0xd] =	wrdreg s8  }
0x1d: {  	s15 =	simm.s32 $0x40;
	s8 =	sadd.s32 s22, s2;
	[dreg:$0x11] =	wrdreg s0  }
0x1e: {  	s12 =	simm.s32 $0x7;
	s0 =	sadd.s32 s29, s2;
	[dreg:$0xe] =	wrdreg s8  }
0x1f: {  	s23 =	smul.u32 $0x5000, s16;
	s22 =	sadd.s32 s19, s3;
	[dreg:$0x12] =	wrdreg s0  }
0x20: {  	s21 =	sshll.u32 s19, $0x7;
	s29 =	sadd.s32 $0x29600, s11;
	[dreg:$0x18] =	wrdreg s22  }
0x21: {  	s13 =	simm.s32 $0x1D480;
	s8 =	sadd.s32 s25, s2;
	[dreg:$0x1c] =	wrdreg s29  }
0x22: {  	s16 =	simm.s32 $0x15280;
	s0 =	sadd.s32 s21, s2;
	[dreg:$0x10] =	wrdreg s8  }
0x23: {  	s11 =	simm.s32 $0x19480;
	s25 =	sadd.s32 $0x1400, s10;
	[dreg:$0x17] =	wrdreg s0  }
0x24: {  	s28 =	sadd.s32 s23, s30;
	s30 =	sadd.s32 $0x79600, s1;
	[dreg:$0x19] =	wrdreg s25  }
0x25: {  	s8 =	sadd.s32 s18, s2;
	s24 =	sshrl.u32 s28, $0x3;
	[dreg:$0x1d] =	wrdreg s30  }
0x26: {  	s19 =	simm.s32 $0x17280;
	[dreg:$0x14] =	wrdreg s8;
	s26 =	sadd.s32 s5, s24  }
0x27: {  	s21 =	simm.s32 $0x5;
	s0 =	sadd.s32 s6, s24;
	[dreg:$0x1a] =	wrdreg s26  }
0x28: {  	v0 =	vimm.f32 $0.0e+00;
	s22 =	simm.s32 $0x6;
	s18 =	simm.s32 $0x16280;
	[dreg:$0x1b] =	wrdreg s0  }
.LBB2_1:
0x29: {  	s0 =	simm.s32 $0x0;
	s1 =	simm.s32 $0x200  }
.LBB2_2:
0x2a: {  	p0 =	sne.s32 s1, $0x7E00;
	[tilespmem:s0+$0x194F0] =	vst v0  }
0x2b: {  	[tilespmem:s0+$0x19480] =	vst v0  }
0x2c: {  	[tilespmem:s0+$0x19490] =	vst v0  }
.Ltmp0:
0x2d: {  	[tilespmem:s0+$0x194A0] =	vst v0;
	(pc) =	sbr.rel @p0 .LBB2_2-.Ltmp0, $4  }
0x2e: {  	[tilespmem:s0+$0x194B0] =	vst v0  }
0x2f: {  	[tilespmem:s0+$0x194C0] =	vst v0  }
0x30: {  	[tilespmem:s0+$0x194D0] =	vst v0  }
0x31: {  	[tilespmem:s0+$0x194E0] =	vst v0;
	s0 =	sshra.s32 s1, $0x2;
	s1 =	sadd.s32 $0x200, s1  }
0x32: {  	[tilespmem:s0+$0x194F0] =	vst v0  }
0x33: {  	[tilespmem:s0+$0x19480] =	vst v0  }
0x34: {  	[tilespmem:s0+$0x19490] =	vst v0  }
0x35: {  	[tilespmem:s0+$0x194A0] =	vst v0  }
0x36: {  	[tilespmem:s0+$0x194B0] =	vst v0  }
0x37: {  	[tilespmem:s0+$0x194C0] =	vst v0  }
0x38: {  	[tilespmem:s0+$0x194D0] =	vst v0  }
0x39: {  	[tilespmem:s0+$0x194E0] =	vst v0  }
0x3a: {  	[tilespmem:$0x1D480] =	vst v0  }
0x3b: {  	[tilespmem:$0x1D490] =	vst v0  }
0x3c: {  	[tilespmem:$0x1D4A0] =	vst v0  }
0x3d: {  	[tilespmem:$0x1D4B0] =	vst v0  }
0x3e: {  	[spmem:s20] =	stream.linear.scatter [tilespmem:s11], [sflag:$0x7], $0x2000, $0x38;
	[tilespmem:$0x1D510] =	vst v63  }
0x3f: {  	_ =	swait.ge [sflag:s12], $0x2000  }
0x40: {  	[sflag:s12] =	ssyncset.done $0x0  }
0x41: {  	[sflag:s12] =	ssyncadd.s32 $0xFFFFE000  }
0x42: {  	[spmem:s14] =	stream.linear.scatter [tilespmem:s13], [sflag:$0x7], $0x40, $0x38;
	[tilespmem:$0x1D510] =	vst v63  }
0x43: {  	_ =	swait.ge [sflag:s12], $0x40  }
0x44: {  	[sflag:s12] =	ssyncset.done $0x0  }
0x45: {  	s7 =	rddreg [dreg:$0x6];
	[sflag:s12] =	ssyncadd.s32 $0xFFFFFFC0  }
0x46: {  	[spmem:s7] =	stream.linear.scatter [tilespmem:s11], [sflag:$0x7], $0x2000, $0x38;
	[tilespmem:$0x1D510] =	vst v63  }
0x47: {  	_ =	swait.ge [sflag:s12], $0x2000  }
0x48: {  	[sflag:s12] =	ssyncset.done $0x0  }
0x49: {  	s8 =	rddreg [dreg:$0x7];
	[sflag:s12] =	ssyncadd.s32 $0xFFFFE000  }
0x4a: {  	[spmem:s8] =	stream.linear.scatter [tilespmem:s13], [sflag:$0x7], $0x40, $0x38;
	[tilespmem:$0x1D510] =	vst v63  }
0x4b: {  	_ =	swait.ge [sflag:s12], $0x40  }
0x4c: {  	[sflag:s12] =	ssyncset.done $0x0  }
0x4d: {  	s9 =	rddreg [dreg:$0x8];
	[sflag:s12] =	ssyncadd.s32 $0xFFFFFFC0  }
0x4e: {  	[spmem:s9] =	stream.linear.scatter [tilespmem:s11], [sflag:$0x7], $0x2000, $0x38;
	[tilespmem:$0x1D510] =	vst v63  }
0x4f: {  	_ =	swait.ge [sflag:s12], $0x2000  }
0x50: {  	[sflag:s12] =	ssyncset.done $0x0  }
0x51: {  	s10 =	rddreg [dreg:$0x9];
	[sflag:s12] =	ssyncadd.s32 $0xFFFFE000  }
0x52: {  	[spmem:s10] =	stream.linear.scatter [tilespmem:s13], [sflag:$0x7], $0x40, $0x38;
	[tilespmem:$0x1D510] =	vst v63  }
0x53: {  	_ =	swait.ge [sflag:s12], $0x40  }
0x54: {  	[sflag:s12] =	ssyncset.done $0x0  }
0x55: {  	s14 =	rddreg [dreg:$0xa];
	[sflag:s12] =	ssyncadd.s32 $0xFFFFFFC0  }
0x56: {  	[spmem:s14] =	stream.linear.scatter [tilespmem:s11], [sflag:$0x7], $0x2000, $0x38;
	[tilespmem:$0x1D510] =	vst v63  }
0x57: {  	_ =	swait.ge [sflag:s12], $0x2000  }
0x58: {  	[sflag:s12] =	ssyncset.done $0x0  }
0x59: {  	s20 =	rddreg [dreg:$0xb];
	[sflag:s12] =	ssyncadd.s32 $0xFFFFE000  }
0x5a: {  	[spmem:s20] =	stream.linear.scatter [tilespmem:s13], [sflag:$0x7], $0x40, $0x38;
	[tilespmem:$0x1D510] =	vst v63  }
0x5b: {  	_ =	swait.ge [sflag:s12], $0x40  }
0x5c: {  	[sflag:s12] =	ssyncset.done $0x0  }
0x5d: {  	s24 =	rddreg [dreg:$0xc];
	[sflag:s12] =	ssyncadd.s32 $0xFFFFFFC0  }
0x5e: {  	[spmem:s24] =	stream.linear.scatter [tilespmem:s11], [sflag:$0x7], $0x2000, $0x38;
	[tilespmem:$0x1D510] =	vst v63  }
0x5f: {  	_ =	swait.ge [sflag:s12], $0x2000  }
0x60: {  	[sflag:s12] =	ssyncset.done $0x0  }
0x61: {  	s25 =	rddreg [dreg:$0xd];
	[sflag:s12] =	ssyncadd.s32 $0xFFFFE000  }
0x62: {  	[spmem:s25] =	stream.linear.scatter [tilespmem:s13], [sflag:$0x7], $0x40, $0x38;
	[tilespmem:$0x1D510] =	vst v63  }
0x63: {  	_ =	swait.ge [sflag:s12], $0x40  }
0x64: {  	[sflag:s12] =	ssyncset.done $0x0  }
0x65: {  	s26 =	rddreg [dreg:$0xe];
	[sflag:s12] =	ssyncadd.s32 $0xFFFFFFC0  }
0x66: {  	[spmem:s26] =	stream.linear.scatter [tilespmem:s11], [sflag:$0x7], $0x2000, $0x38;
	[tilespmem:$0x1D510] =	vst v63  }
0x67: {  	_ =	swait.ge [sflag:s12], $0x2000  }
0x68: {  	[sflag:s12] =	ssyncset.done $0x0  }
0x69: {  	s29 =	rddreg [dreg:$0xf];
	[sflag:s12] =	ssyncadd.s32 $0xFFFFE000  }
0x6a: {  	[spmem:s29] =	stream.linear.scatter [tilespmem:s13], [sflag:$0x7], $0x40, $0x38;
	[tilespmem:$0x1D510] =	vst v63  }
0x6b: {  	_ =	swait.ge [sflag:s12], $0x40  }
0x6c: {  	[sflag:s12] =	ssyncset.done $0x0  }
0x6d: {  	s30 =	rddreg [dreg:$0x10];
	[sflag:s12] =	ssyncadd.s32 $0xFFFFFFC0  }
0x6e: {  	[spmem:s30] =	stream.linear.scatter [tilespmem:s11], [sflag:$0x7], $0x2000, $0x38;
	[tilespmem:$0x1D510] =	vst v63  }
0x6f: {  	_ =	swait.ge [sflag:s12], $0x2000  }
0x70: {  	[sflag:s12] =	ssyncset.done $0x0  }
0x71: {  	s31 =	rddreg [dreg:$0x11];
	[sflag:s12] =	ssyncadd.s32 $0xFFFFE000  }
0x72: {  	[spmem:s31] =	stream.linear.scatter [tilespmem:s13], [sflag:$0x7], $0x40, $0x38;
	[tilespmem:$0x1D510] =	vst v63  }
0x73: {  	_ =	swait.ge [sflag:s12], $0x40  }
0x74: {  	[sflag:s12] =	ssyncset.done $0x0  }
0x75: {  	s1 =	rddreg [dreg:$0x12];
	[sflag:s12] =	ssyncadd.s32 $0xFFFFFFC0  }
0x76: {  	[spmem:s1] =	stream.linear.scatter [tilespmem:s11], [sflag:$0x7], $0x2000, $0x38;
	[tilespmem:$0x1D510] =	vst v63  }
0x77: {  	_ =	swait.ge [sflag:s12], $0x2000  }
0x78: {  	[sflag:s12] =	ssyncset.done $0x0  }
0x79: {  	s7 =	rddreg [dreg:$0x13];
	[sflag:s12] =	ssyncadd.s32 $0xFFFFE000  }
0x7a: {  	[spmem:s7] =	stream.linear.scatter [tilespmem:s13], [sflag:$0x7], $0x40, $0x38;
	[tilespmem:$0x1D510] =	vst v63  }
0x7b: {  	_ =	swait.ge [sflag:s12], $0x40  }
0x7c: {  	[sflag:s12] =	ssyncset.done $0x0  }
0x7d: {  	s8 =	rddreg [dreg:$0x14];
	[sflag:s12] =	ssyncadd.s32 $0xFFFFFFC0  }
0x7e: {  	[spmem:s8] =	stream.linear.scatter [tilespmem:s11], [sflag:$0x7], $0x2000, $0x38;
	[tilespmem:$0x1D510] =	vst v63  }
0x7f: {  	_ =	swait.ge [sflag:s12], $0x2000  }
0x80: {  	[sflag:s12] =	ssyncset.done $0x0  }
0x81: {  	s9 =	rddreg [dreg:$0x16];
	[sflag:s12] =	ssyncadd.s32 $0xFFFFE000  }
0x82: {  	[spmem:s9] =	stream.linear.scatter [tilespmem:s13], [sflag:$0x7], $0x40, $0x38;
	[tilespmem:$0x1D510] =	vst v63  }
0x83: {  	_ =	swait.ge [sflag:s12], $0x40  }
0x84: {  	[sflag:s12] =	ssyncset.done $0x0  }
0x85: {  	s10 =	rddreg [dreg:$0x17];
	[sflag:s12] =	ssyncadd.s32 $0xFFFFFFC0  }
0x86: {  	[spmem:s10] =	stream.linear.scatter [tilespmem:s11], [sflag:$0x7], $0x2000, $0x38;
	[tilespmem:$0x1D510] =	vst v63  }
0x87: {  	_ =	swait.ge [sflag:s12], $0x2000  }
0x88: {  	[sflag:s12] =	ssyncset.done $0x0  }
0x89: {  	s14 =	rddreg [dreg:$0x18];
	[sflag:s12] =	ssyncadd.s32 $0xFFFFE000  }
0x8a: {  	[spmem:s14] =	stream.linear.scatter [tilespmem:s13], [sflag:$0x7], $0x40, $0x38;
	[tilespmem:$0x1D510] =	vst v63  }
0x8b: {  	_ =	swait.ge [sflag:s12], $0x40  }
0x8c: {  	s26 =	simm.s32 $0x0;
	[sflag:s12] =	ssyncset.done $0x0  }
0x8d: {  	s1 =	simm.s32 $0x1D500;
	s20 =	rddreg [dreg:$0x19];
	[sflag:s12] =	ssyncadd.s32 $0xFFFFFFC0  }
0x8e: {  	[tilespmem:s1], [sflag:$0x7] =	stream.linear.gather [hbm4b:s20+s26], $0x10, $0x38;
	[tilespmem:$0x1D510] =	vst v63  }
0x8f: {  	_ =	swait.ge [sflag:s12], $0x10  }
0x90: {  	[sflag:s12] =	ssyncset.done $0x0  }
0x91: {  	[sflag:s12] =	ssyncadd.s32 $0xFFFFFFF0  }
0x92: {  	v1 =	vld [tilespmem:$0x1D500];
	[bflag:$0x0] =	sbarrier.arrive $0xFFFF  }
0x93: {  	s25 =	simm.s32 $0x14280;
	s24 =	rddreg [dreg:$0x1a]  }
0x94: {  	[tilespmem:s25], [sflag:$0x7] =	stream.linear.gather [hbm4b:s24+s26], $0x800, $0x38;
	[tilespmem:$0x1D510] =	vst v63  }
0x95: {  	_ =	swait.ge [sflag:s12], $0x800  }
0x96: {  	[sflag:s12] =	ssyncset.done $0x0  }
0x97: {  	s7 =	simm.s32 $0x14A80;
	s29 =	rddreg [dreg:$0x1b];
	[sflag:s12] =	ssyncadd.s32 $0xFFFFF800  }
0x98: {  	[tilespmem:s7], [sflag:$0x7] =	stream.linear.gather [hbm4b:s29+s26], $0x800, $0x38;
	[tilespmem:$0x1D510] =	vst v63  }
0x99: {  	_ =	swait.ge [sflag:s12], $0x800  }
0x9a: {  	[sflag:s12] =	ssyncset.done $0x0  }
0x9b: {  	[sflag:s12] =	ssyncadd.s32 $0xFFFFF800  }
0x9c: {  	[tilespmem:s16], [sflag:$0x1] =	stream.indirect.gather [hbm4b:s17+s15], $0x40, s25, s15, $0xb8;
	[tilespmem:$0x1D510] =	vst v63  }
0x9d: {  	s30 =	simm.s32 $0x142C0  }
0x9e: {  	[tilespmem:s18], [sflag:$0x2] =	stream.indirect.gather [hbm4b:s17+s15], $0x40, s30, s15, $0xb8;
	[tilespmem:$0x1D510] =	vst v63  }
0x9f: {  	p0 =	por $0x0, $0x0;
	s31 =	simm.s32 $0x14300;
	s24 =	simm.s32 $0x0  }
0xa0: {  	[tilespmem:s19], [sflag:$0x3] =	stream.indirect.gather [hbm4b:s17+s15], $0x40, s31, s15, $0xb8;
	[tilespmem:$0x1D510] =	vst v63  }
.LBB2_4:
0xa1: {  	s14 =	sand.u32 $0x1F, s26;
	p1 =	sgt.u32 s26, $0x13C  }
0xa2: {  	p2 =	sgt.u32 @!p1 s14, $0x1C  }
0xa3: {  	p2 =	por p1, p2  }
.Ltmp1:
0xa4: {  	_ = 	snop;
	(pc) =	sbr.rel @p2 .LBB2_10-.Ltmp1, $3  }
0xa5: {  	_ =	sdelay $0x1  }
0xa6: {  	s0 =	sand.u32 $0x3, s26  }
0xa7: {  	s29 =	sshll.u32 s14, $0x6;
	p1 =	sgt.s32 s0, $0x1  }
.Ltmp2:
0xa8: {  	(pc) =	sbr.rel @p1 .LBB2_8-.Ltmp2, $2  }
0xa9: {  	_ =	sdelay $0x2  }
0xaa: {  	s1 =	sadd.s32 $0x14340, s29  }
0xab: {  	p1 =	seq.s32 s0, $0x0  }
.Ltmp3:
0xac: {  	_ = 	snop;
	(pc) =	sbr.rel @!p1 .LBB2_12-.Ltmp3, $1  }
0xad: {  	_ =	sdelay $0x3  }
.Ltmp4:
0xae: {  	(pc) =	sbr.rel .LBB2_18-.Ltmp4, $4  }
0xaf: {  	_ = 	snop  }
0xb0: {  	s7 =	simm.s32 $0x18280  }
0xb1: {  	[tilespmem:s7], [sflag:$0x4] =	stream.indirect.gather [hbm4b:s17+s15], $0x40, s1, s15, $0xb8;
	[tilespmem:$0x1D510] =	vst v63  }
0xb2: {  	s1 =	simm.s32 $0x1  }
.LBB2_10:
.Ltmp5:
0xb3: {  	(pc) =	sbr.rel @p1 .LBB2_16-.Ltmp5, $1  }
0xb4: {  	_ =	sdelay $0x3  }
0xb5: {  	p1 =	seq.s32 s0, $0x0  }
.Ltmp6:
0xb6: {  	_ = 	snop;
	(pc) =	sbr.rel @p1 .LBB2_18-.Ltmp6, $4  }
.Ltmp7:
0xb7: {  	_ = 	snop;
	(pc) =	sbr.rel @!p1 .LBB2_13-.Ltmp7, $4  }
0xb8: {  	_ = 	snop  }
0xb9: {  	_ = 	snop  }
0xba: {  	s1 =	simm.s32 $0x1  }
0xbb: {  	_ = 	snop  }
.LBB2_8:
0xbc: {  	p1 =	seq.s32 s0, $0x2  }
.Ltmp8:
0xbd: {  	_ = 	snop;
	(pc) =	sbr.rel @!p1 .LBB2_9-.Ltmp8, $1  }
0xbe: {  	_ =	sdelay $0x3  }
.Ltmp9:
0xbf: {  	(pc) =	sbr.rel .LBB2_15-.Ltmp9, $2  }
0xc0: {  	_ =	sdelay $0x2  }
0xc1: {  	[tilespmem:s18], [sflag:$0x2] =	stream.indirect.gather [hbm4b:s17+s15], $0x40, s1, s15, $0xb8;
	[tilespmem:$0x1D510] =	vst v63  }
.LBB2_16:
0xc2: {  	p1 =	seq.s32 s0, $0x2  }
.Ltmp10:
0xc3: {  	_ = 	snop;
	(pc) =	sbr.rel @!p1 .LBB2_17-.Ltmp10, $1  }
0xc4: {  	_ =	sdelay $0x3  }
.LBB2_15:
.Ltmp11:
0xc5: {  	(pc) =	sbr.rel .LBB2_18-.Ltmp11, $2  }
0xc6: {  	_ =	sdelay $0x2  }
0xc7: {  	s1 =	simm.s32 $0x3  }
.LBB2_12:
0xc8: {  	[tilespmem:s16], [sflag:$0x1] =	stream.indirect.gather [hbm4b:s17+s15], $0x40, s1, s15, $0xb8;
	[tilespmem:$0x1D510] =	vst v63  }
.LBB2_13:
.Ltmp12:
0xc9: {  	(pc) =	sbr.rel .LBB2_18-.Ltmp12, $2  }
0xca: {  	_ =	sdelay $0x2  }
0xcb: {  	s1 =	simm.s32 $0x2  }
.LBB2_9:
0xcc: {  	[tilespmem:s19], [sflag:$0x3] =	stream.indirect.gather [hbm4b:s17+s15], $0x40, s1, s15, $0xb8;
	[tilespmem:$0x1D510] =	vst v63  }
.LBB2_17:
0xcd: {  	s1 =	simm.s32 $0x4  }
.LBB2_18:
0xce: {  	p1 =	slt.u32 s14, $0x2  }
0xcf: {  	s7 =	sand.u32 @!p1 $0x1, s26  }
0xd0: {  	_ =	swait.ge [sflag:s1], $0x1000;
	p2 =	seq.s32 @!p1 s7, $0x1  }
0xd1: {  	[sflag:s1] =	ssyncset.done $0x0;
	s7 =	simm.s32 @!p1 $0x6;
	p2 =	por !p2, p1  }
0xd2: {  	[sflag:s1] =	ssyncadd.s32 $0xFFFFF000;
	s7 =	simm.s32 @p2 $0x5  }
0xd3: {  	_ =	swait.ge @!p1 [sflag:s7], $0x2000  }
0xd4: {  	[sflag:s7] =	ssyncset.done @!p1 $0x0  }
0xd5: {  	[sflag:s7] =	ssyncadd.s32 @!p1 $0xFFFFE000  }
0xd6: {  	_ =	swait.ge @!p1 [sflag:s7], $0x40  }
0xd7: {  	[sflag:s7] =	ssyncset.done @!p1 $0x0  }
0xd8: {  	s0 =	sshll.u32 s0, $0x6;
	[sflag:s7] =	ssyncadd.s32 @!p1 $0xFFFFFFC0  }
0xd9: {  	v2 =	vld [tilespmem:s0+$0x19280]  }
0xda: {  	v3 =	vld [tilespmem:s0+$0x19380];
	_ =	sdelay $0x4  }
0xdb: {  	v2 =	vadd.f32 v3, v2;
	_ =	sdelay $0x1  }
0xdc: {  	v3 =	vmul.f32 $2.000000030e-01, v2;
	_ =	sdelay $0x1  }
0xdd: {  	v2 =	vmax.f32 v2, v3  }
0xde: {  	v2 =	vsub.f32 v2, v1;
	_ =	sdelay $0x1  }
0xdf: {  	v2 =	vmul.f32 $1.442695020e+00, v2;
	_ =	sdelay $0x1  }
0xe0: {  	(erf) = vpow2.f32 v2;
	_ =	sdelay $0x6  }
0xe1: {  	s10 =	sshll.u32 s26, $0x6  }
0xe2: {  	s1 =	sadd.s32 s23, s10  }
0xe3: {  	s30 =	sand.u32 $0x1, s26;
	p3 =	slt.u32 s1, $0x4E200;
	v2 =	vpop (erf)  }
0xe4: {  	s7 =	sshll.u32 s30, $0x6;
	v2 =	vpsel !p3, $0x0, v2  }
0xe5: {  	[tilespmem:s7+$0x1D480] =	vst v2  }
0xe6: {  	v2 =	vld [tilespmem:s0+$0x19290]  }
0xe7: {  	v3 =	vld [tilespmem:s0+$0x19390];
	_ =	sdelay $0x4  }
0xe8: {  	v2 =	vadd.f32 v3, v2;
	_ =	sdelay $0x1  }
0xe9: {  	v3 =	vmul.f32 $2.000000030e-01, v2;
	_ =	sdelay $0x1  }
0xea: {  	v2 =	vmax.f32 v2, v3  }
0xeb: {  	v2 =	vsub.f32 v2, v1;
	_ =	sdelay $0x1  }
0xec: {  	v2 =	vmul.f32 $1.442695020e+00, v2;
	_ =	sdelay $0x1  }
0xed: {  	(erf) = vpow2.f32 v2;
	_ =	sdelay $0x7  }
0xee: {  	s8 =	sor.u32 $0x10, s1  }
0xef: {  	p4 =	slt.u32 s8, $0x4E200;
	v2 =	vpop (erf)  }
0xf0: {  	v2 =	vpsel !p4, $0x0, v2  }
0xf1: {  	[tilespmem:s7+$0x1D490] =	vst v2  }
0xf2: {  	v2 =	vld [tilespmem:s0+$0x192A0]  }
0xf3: {  	v3 =	vld [tilespmem:s0+$0x193A0];
	_ =	sdelay $0x4  }
0xf4: {  	v2 =	vadd.f32 v3, v2;
	_ =	sdelay $0x1  }
0xf5: {  	v3 =	vmul.f32 $2.000000030e-01, v2;
	_ =	sdelay $0x1  }
0xf6: {  	v2 =	vmax.f32 v2, v3  }
0xf7: {  	v2 =	vsub.f32 v2, v1;
	_ =	sdelay $0x1  }
0xf8: {  	v2 =	vmul.f32 $1.442695020e+00, v2;
	_ =	sdelay $0x1  }
0xf9: {  	(erf) = vpow2.f32 v2;
	_ =	sdelay $0x7  }
0xfa: {  	s20 =	sor.u32 $0x20, s1  }
0xfb: {  	p5 =	slt.u32 s20, $0x4E200;
	v2 =	vpop (erf)  }
0xfc: {  	v2 =	vpsel !p5, $0x0, v2  }
0xfd: {  	[tilespmem:s7+$0x1D4A0] =	vst v2  }
0xfe: {  	v2 =	vld [tilespmem:s0+$0x192B0]  }
0xff: {  	v3 =	vld [tilespmem:s0+$0x193B0];
	_ =	sdelay $0x4  }
0x100: {  	v2 =	vadd.f32 v3, v2;
	_ =	sdelay $0x1  }
0x101: {  	v3 =	vmul.f32 $2.000000030e-01, v2;
	_ =	sdelay $0x1  }
0x102: {  	v2 =	vmax.f32 v2, v3  }
0x103: {  	v2 =	vsub.f32 v2, v1;
	_ =	sdelay $0x1  }
0x104: {  	v2 =	vmul.f32 $1.442695020e+00, v2;
	_ =	sdelay $0x1  }
0x105: {  	(erf) = vpow2.f32 v2;
	_ =	sdelay $0x4  }
0x106: {  	s25 =	simm.s32 $0x2  }
0x107: {  	v2 =	vmov s25  }
0x108: {  	v2 =	vand.u32 $0xFFFFFFFE, v2  }
0x109: {  	s1 =	sor.u32 $0x30, s1;
	s8 =	simm.s32 $0x1;
	v2 =	vbroadcast v2, $0x0  }
0x10a: {  	p6 =	slt.u32 s1, $0x4E200;
	v4 =	vmov s8;
	v3 =	vpop (erf)  }
0x10b: {  	s9 =	sand.u32 $0x3, s24;
	s20 =	simm.s32 $0x0;
	v4 =	vand.u32 $0xFFFFFFFD, v4;
	v3 =	vpsel !p6, $0x0, v3  }
0x10c: {  	s10 =	sshll.u32 s9, $0xC;
	v4 =	vbroadcast v4, $0x0;
	[tilespmem:s7+$0x1D4B0] =	vst v3;
	v3 =	vmov s20  }
0x10d: {  	s1 =	sadd.s32 $0x15300, s10;
	v3 =	vand.u32 $0xFFFFFFFC, v3  }
0x10e: {  	s0 =	sor.u32 $0x1D480, s7;
	v5 =	vld [tilespmem:s1+$0x0];
	v3 =	vbroadcast v3, $0x0  }
0x10f: {  	s25 =	simm.s32 $0x3;
	v9 =	vld.idx.msk [tilespmem:v2+s0+$0x0], $0xffff  }
0x110: {  	v2 =	vmov s25  }
0x111: {  	v10 =	vld [tilespmem:s1+$0xFFFFFFC0]  }
0x112: {  	s8 =	simm.s32 $0x1;
	v8 =	vld.idx.msk [tilespmem:v4+s0+$0x0], $0xffff  }
0x113: {  	s8 =	simm.s32 @!p0 $0x0;
	v11 =	vld [tilespmem:s1+$0xFFFFFF80];
	v4 =	vunpack.i.l.bf16.f32 v5  }
0x114: {  	s8 =	sshll.u32 s8, $0xD;
	v5 =	vunpack.i.u.bf16.f32 v5;
	v4 =	vmul.f32 v4, v9;
	v7 =	vld.idx.msk [tilespmem:v3+s0+$0x0], $0xffff  }
0x115: {  	s31 =	sor.u32 $0x19580, s8;
	v6 =	vld.idx.msk [tilespmem:v2+s0+$0x0], $0xffff;
	v3 =	vmul.f32 v5, v9  }
0x116: {  	v2 =	vunpack.i.l.bf16.f32 v10;
	v5 =	vld [tilespmem:s1+$0x40];
	[tilespmem:s31+$0x0] =	vst v4  }
0x117: {  	v2 =	vmul.f32 v2, v8;
	[tilespmem:s31+$0x10] =	vst v3;
	v3 =	vunpack.i.u.bf16.f32 v10  }
0x118: {  	v10 =	vunpack.i.l.bf16.f32 v11;
	v4 =	vld [tilespmem:s1+$0x10];
	v3 =	vmul.f32 v3, v8  }
0x119: {  	[tilespmem:s31+$0xFFFFFF80] =	vst v2;
	v11 =	vunpack.i.u.bf16.f32 v11;
	v10 =	vmul.f32 v10, v7  }
0x11a: {  	v11 =	vmul.f32 v11, v7;
	[tilespmem:s31+$0xFFFFFF90] =	vst v3  }
0x11b: {  	v2 =	vunpack.i.l.bf16.f32 v5;
	v3 =	vunpack.i.u.bf16.f32 v5;
	v5 =	vld [tilespmem:s1+$0xFFFFFFD0];
	[tilespmem:s31+$0xFFFFFF00] =	vst v10  }
0x11c: {  	v2 =	vmul.f32 v2, v6;
	[tilespmem:s31+$0xFFFFFF10] =	vst v11  }
0x11d: {  	v3 =	vmul.f32 v3, v6;
	v10 =	vunpack.i.l.bf16.f32 v4;
	v11 =	vld [tilespmem:s1+$0xFFFFFF90]  }
0x11e: {  	[tilespmem:s31+$0x80] =	vst v2;
	v2 =	vunpack.i.u.bf16.f32 v4;
	v4 =	vmul.f32 v10, v9  }
0x11f: {  	[tilespmem:s31+$0x90] =	vst v3;
	v2 =	vmul.f32 v2, v9  }
0x120: {  	v3 =	vld [tilespmem:s1+$0x50];
	[tilespmem:s31+$0x20] =	vst v4;
	v4 =	vunpack.i.l.bf16.f32 v5  }
0x121: {  	[tilespmem:s31+$0x30] =	vst v2;
	v2 =	vunpack.i.u.bf16.f32 v5;
	v4 =	vmul.f32 v4, v8  }
0x122: {  	s9 =	simm.s32 $0x4;
	v5 =	vld [tilespmem:s1+$0x20];
	v2 =	vmul.f32 v2, v8;
	v12 =	vunpack.i.l.bf16.f32 v11  }
0x123: {  	v10 =	vmov s9;
	v11 =	vunpack.i.u.bf16.f32 v11;
	v12 =	vmul.f32 v12, v7;
	[tilespmem:s31+$0xFFFFFFA0] =	vst v4  }
0x124: {  	s10 =	simm.s32 $0x7;
	v4 =	vand.u32 $0xFFFFFFFC, v10;
	v10 =	vmul.f32 v11, v7;
	[tilespmem:s31+$0xFFFFFFB0] =	vst v2  }
0x125: {  	v13 =	vmov s10;
	s20 =	simm.s32 $0x6;
	v2 =	vunpack.i.l.bf16.f32 v3;
	v3 =	vunpack.i.u.bf16.f32 v3;
	[tilespmem:s31+$0xFFFFFF20] =	vst v12  }
0x126: {  	v11 =	vld [tilespmem:s1+$0xFFFFFFE0];
	v2 =	vmul.f32 v2, v6;
	v3 =	vmul.f32 v3, v6;
	v12 =	vmov s20;
	[tilespmem:s31+$0xFFFFFF30] =	vst v10  }
0x127: {  	v4 =	vbroadcast v4, $0x0;
	v10 =	vand.u32 $0xFFFFFFFE, v12;
	v12 =	vunpack.i.l.bf16.f32 v5;
	v14 =	vld [tilespmem:s1+$0xFFFFFFA0]  }
0x128: {  	s25 =	simm.s32 $0x5;
	s9 =	sadd.s32 $0x100, s1;
	[tilespmem:s31+$0xA0] =	vst v2;
	v2 =	vunpack.i.u.bf16.f32 v5;
	v10 =	vbroadcast v10, $0x0;
	v5 =	vmul.f32 v12, v9  }
0x129: {  	v16 =	vld [tilespmem:s9+$0x0];
	[tilespmem:s31+$0xB0] =	vst v3;
	v12 =	vmov s25;
	v3 =	vmul.f32 v2, v9  }
0x12a: {  	v2 =	vand.u32 $0xFFFFFFFD, v12;
	v12 =	vld [tilespmem:s1+$0x60];
	[tilespmem:s31+$0x40] =	vst v5  }
0x12b: {  	v15 =	vbroadcast v2, $0x0;
	v2 =	vld.idx.msk [tilespmem:v13+s0+$0x0], $0xffff;
	v5 =	vunpack.i.l.bf16.f32 v11;
	[tilespmem:s31+$0x50] =	vst v3;
	v3 =	vunpack.i.u.bf16.f32 v11  }
0x12c: {  	v5 =	vmul.f32 v5, v8;
	v11 =	vld [tilespmem:s1+$0x30];
	v13 =	vmul.f32 v3, v8;
	v3 =	vunpack.i.l.bf16.f32 v14  }
0x12d: {  	v17 =	vmul.f32 v3, v7;
	v3 =	vld.idx.msk [tilespmem:v4+s0+$0x0], $0xffff  }
0x12e: {  	v14 =	vunpack.i.u.bf16.f32 v14;
	[tilespmem:s31+$0xFFFFFFC0] =	vst v5;
	v5 =	vld.idx.msk [tilespmem:v10+s0+$0x0], $0xffff  }
0x12f: {  	[tilespmem:s31+$0xFFFFFFD0] =	vst v13;
	v10 =	vmul.f32 v14, v7;
	v4 =	vunpack.i.l.bf16.f32 v12;
	v14 =	vld [tilespmem:s9+$0xFFFFFFC0]  }
0x130: {  	v12 =	vunpack.i.u.bf16.f32 v12;
	[tilespmem:s31+$0xFFFFFF40] =	vst v17;
	v13 =	vmul.f32 v4, v6;
	v17 =	vld [tilespmem:s9+$0x40]  }
0x131: {  	v12 =	vmul.f32 v12, v6;
	v4 =	vld.idx.msk [tilespmem:v15+s0+$0x0], $0xffff;
	[tilespmem:s31+$0xFFFFFF50] =	vst v10;
	v10 =	vunpack.i.u.bf16.f32 v11  }
0x132: {  	v15 =	vld [tilespmem:s9+$0xFFFFFF80];
	[tilespmem:s31+$0xC0] =	vst v13;
	v10 =	vmul.f32 v10, v9;
	v13 =	vunpack.i.l.bf16.f32 v16  }
0x133: {  	[tilespmem:s31+$0xD0] =	vst v12;
	v12 =	vunpack.i.u.bf16.f32 v16;
	v13 =	vmul.f32 v13, v5  }
0x134: {  	s8 =	sadd.s32 $0x200, s31;
	v11 =	vunpack.i.l.bf16.f32 v11;
	v16 =	vld [tilespmem:s1+$0xFFFFFFF0];
	[tilespmem:s31+$0x70] =	vst v10;
	v10 =	vmul.f32 v12, v5  }
0x135: {  	v9 =	vmul.f32 v11, v9;
	v11 =	vld [tilespmem:s1+$0xFFFFFFB0];
	v12 =	vunpack.i.l.bf16.f32 v14;
	[tilespmem:s8+$0x0] =	vst v13  }
0x136: {  	v14 =	vunpack.i.u.bf16.f32 v14;
	v18 =	vunpack.i.u.bf16.f32 v17;
	v12 =	vmul.f32 v12, v4;
	[tilespmem:s8+$0x10] =	vst v10  }
0x137: {  	[tilespmem:s31+$0x60] =	vst v9;
	v10 =	vunpack.i.l.bf16.f32 v15;
	v9 =	vmul.f32 v14, v4;
	v15 =	vunpack.i.u.bf16.f32 v15;
	v14 =	vld [tilespmem:s9+$0x10]  }
0x138: {  	v13 =	vld [tilespmem:s1+$0x70];
	v10 =	vmul.f32 v10, v3;
	v15 =	vmul.f32 v15, v3;
	[tilespmem:s8+$0xFFFFFF80] =	vst v12;
	v12 =	vunpack.i.l.bf16.f32 v17  }
0x139: {  	v17 =	vunpack.i.u.bf16.f32 v16;
	[tilespmem:s8+$0xFFFFFF90] =	vst v9;
	v9 =	vunpack.i.l.bf16.f32 v16;
	v16 =	vmul.f32 v18, v2  }
0x13a: {  	v19 =	vunpack.i.u.bf16.f32 v11;
	v12 =	vmul.f32 v12, v2;
	v18 =	vld [tilespmem:s9+$0xFFFFFFD0];
	[tilespmem:s8+$0xFFFFFF10] =	vst v15;
	v15 =	vmul.f32 v9, v8  }
0x13b: {  	s10 =	simm.s32 $0xB;
	[tilespmem:s8+$0xFFFFFF00] =	vst v10;
	v10 =	vunpack.i.l.bf16.f32 v11;
	v17 =	vmul.f32 v17, v8;
	v9 =	vmul.f32 v19, v7  }
0x13c: {  	v20 =	vld [tilespmem:s9+$0xFFFFFF90];
	v10 =	vmul.f32 v10, v7;
	[tilespmem:s8+$0x90] =	vst v16;
	v16 =	vmov s10;
	v8 =	vunpack.i.l.bf16.f32 v14  }
0x13d: {  	v11 =	vunpack.i.u.bf16.f32 v13;
	[tilespmem:s8+$0x80] =	vst v12;
	v12 =	vunpack.i.u.bf16.f32 v14;
	v14 =	vmul.f32 v8, v5  }
0x13e: {  	s7 =	simm.s32 $0x8;
	[tilespmem:s31+$0xFFFFFFE0] =	vst v15;
	v7 =	vmul.f32 v11, v6;
	v8 =	vunpack.i.l.bf16.f32 v13;
	v12 =	vmul.f32 v12, v5;
	v13 =	vld [tilespmem:s9+$0x50]  }
0x13f: {  	v11 =	vmov s7;
	v8 =	vmul.f32 v8, v6;
	v6 =	vunpack.i.l.bf16.f32 v18;
	[tilespmem:s8+$0x20] =	vst v14  }
0x140: {  	v11 =	vand.u32 $0xFFFFFFFC, v11;
	v14 =	vunpack.i.u.bf16.f32 v18;
	v6 =	vmul.f32 v6, v4;
	[tilespmem:s8+$0x30] =	vst v12  }
0x141: {  	s20 =	simm.s32 $0x9;
	[tilespmem:s31+$0xFFFFFFF0] =	vst v17;
	v11 =	vbroadcast v11, $0x0;
	v15 =	vunpack.i.u.bf16.f32 v20;
	v12 =	vmul.f32 v14, v4;
	v18 =	vld [tilespmem:s9+$0x20]  }
0x142: {  	v14 =	vunpack.i.l.bf16.f32 v20;
	v17 =	vmul.f32 v15, v3;
	[tilespmem:s8+$0xFFFFFFA0] =	vst v6;
	v6 =	vmov s20  }
0x143: {  	v14 =	vmul.f32 v14, v3;
	[tilespmem:s8+$0xFFFFFFB0] =	vst v12;
	v12 =	vunpack.i.l.bf16.f32 v13;
	v6 =	vand.u32 $0xFFFFFFFD, v6  }
0x144: {  	s25 =	simm.s32 $0xA;
	v13 =	vunpack.i.u.bf16.f32 v13;
	[tilespmem:s8+$0xFFFFFF30] =	vst v17;
	v19 =	vmul.f32 v12, v2;
	v15 =	vld [tilespmem:s9+$0xFFFFFFE0];
	v12 =	vbroadcast v6, $0x0  }
0x145: {  	[tilespmem:s8+$0xFFFFFF20] =	vst v14;
	v63 =	vmul.f32 v13, v2;
	v13 =	vmov s25  }
0x146: {  	s1 =	sadd.s32 $0x1, s26;
	v6 =	vand.u32 $0xFFFFFFFE, v13;
	v14 =	vld [tilespmem:s9+$0xFFFFFFA0];
	v21 =	vunpack.i.l.bf16.f32 v18;
	[tilespmem:s8+$0xA0] =	vst v19  }
0x147: {  	s10 =	smov.u32 s8;
	s7 =	smov.u32 s9;
	s25 =	simm.s32 $0xC;
	v13 =	vbroadcast v6, $0x0;
	v6 =	vld.idx.msk [tilespmem:v16+s0+$0x0], $0xffff;
	v17 =	vunpack.i.u.bf16.f32 v18;
	[tilespmem:s8+$0xB0] =	vst v63;
	v16 =	vmul.f32 v21, v5  }
.LBB2_19:
0x148: {  	p1 =	slt.u32 s25, $0x3C;
	v17 =	vmul.f32 v17, v5;
	v18 =	vld [tilespmem:s9+$0x60];
	[tilespmem:s31+$0xFFFFFF60] =	vst v10  }
0x149: {  	v11 =	vld.idx.msk [tilespmem:v11+s0+$0x0], $0xffff;
	v10 =	vunpack.i.u.bf16.f32 v15;
	v15 =	vunpack.i.l.bf16.f32 v15;
	[tilespmem:s8+$0x40] =	vst v16  }
0x14a: {  	v12 =	vld.idx.msk [tilespmem:v12+s0+$0x0], $0xffff;
	v15 =	vmul.f32 v15, v4;
	v10 =	vmul.f32 v10, v4;
	[tilespmem:s8+$0x50] =	vst v17  }
0x14b: {  	s9 =	sadd.s32 $0x100, s9;
	v16 =	vunpack.i.u.bf16.f32 v14;
	v14 =	vunpack.i.l.bf16.f32 v14;
	v17 =	vld [tilespmem:s7+$0x30];
	[tilespmem:s31+$0xFFFFFF70] =	vst v9  }
0x14c: {  	v9 =	vld [tilespmem:s9+$0x0];
	v14 =	vmul.f32 v14, v3;
	v16 =	vmul.f32 v16, v3;
	[tilespmem:s8+$0xFFFFFFC0] =	vst v15  }
0x14d: {  	v13 =	vld.idx.msk [tilespmem:v13+s0+$0x0], $0xffff;
	[tilespmem:s8+$0xFFFFFFD0] =	vst v10;
	v10 =	vunpack.i.u.bf16.f32 v18;
	v15 =	vunpack.i.l.bf16.f32 v18  }
0x14e: {  	v18 =	vld [tilespmem:s9+$0xFFFFFF80];
	[tilespmem:s8+$0xFFFFFF40] =	vst v14;
	v14 =	vmul.f32 v15, v2;
	v10 =	vmul.f32 v10, v2  }
0x14f: {  	v15 =	vld [tilespmem:s9+$0xFFFFFFC0];
	[tilespmem:s8+$0xFFFFFF50] =	vst v16  }
0x150: {  	v16 =	vld [tilespmem:s9+$0x40];
	v19 =	vunpack.i.u.bf16.f32 v17;
	v17 =	vunpack.i.l.bf16.f32 v17;
	[tilespmem:s8+$0xC0] =	vst v14  }
0x151: {  	v14 =	vld [tilespmem:s7+$0xFFFFFFF0];
	v17 =	vmul.f32 v17, v5;
	v21 =	vmul.f32 v19, v5;
	[tilespmem:s8+$0xD0] =	vst v10  }
0x152: {  	v10 =	vunpack.i.l.bf16.f32 v9;
	v19 =	vld [tilespmem:s7+$0xFFFFFFB0];
	[tilespmem:s31+$0xE0] =	vst v8  }
0x153: {  	v9 =	vunpack.i.u.bf16.f32 v9;
	v10 =	vmul.f32 v10, v13;
	v5 =	vmovc v13;
	v8 =	vunpack.i.u.bf16.f32 v18;
	[tilespmem:s8+$0x70] =	vst v21;
	v20 =	vld [tilespmem:s7+$0x70];
	s7 =	smov.u32 s9  }
0x154: {  	v13 =	vunpack.i.l.bf16.f32 v18;
	v9 =	vmul.f32 v9, v5;
	s8 =	sadd.s32 $0x200, s8;
	v18 =	vunpack.i.u.bf16.f32 v15;
	[tilespmem:s10+$0x60] =	vst v17  }
0x155: {  	v15 =	vunpack.i.l.bf16.f32 v15;
	[tilespmem:s8+$0x0] =	vst v10;
	v10 =	vunpack.i.u.bf16.f32 v16;
	v16 =	vunpack.i.l.bf16.f32 v16  }
0x156: {  	v15 =	vmul.f32 v15, v12;
	v17 =	vmul.f32 v18, v12;
	[tilespmem:s8+$0x10] =	vst v9;
	v9 =	vunpack.i.u.bf16.f32 v14  }
0x157: {  	v13 =	vmul.f32 v13, v11;
	v8 =	vmul.f32 v8, v11;
	v14 =	vunpack.i.l.bf16.f32 v14;
	v18 =	vld [tilespmem:s9+$0x10];
	[tilespmem:s31+$0xF0] =	vst v7;
	s31 =	smov.u32 s10;
	s10 =	smov.u32 s8  }
0x158: {  	v7 =	vmul.f32 v16, v6;
	v16 =	vunpack.i.u.bf16.f32 v19;
	[tilespmem:s8+$0xFFFFFF80] =	vst v15;
	v15 =	vmul.f32 v10, v6  }
0x159: {  	v10 =	vunpack.i.l.bf16.f32 v19;
	v19 =	vunpack.i.l.bf16.f32 v20;
	[tilespmem:s8+$0xFFFFFF90] =	vst v17;
	v17 =	vunpack.i.u.bf16.f32 v20  }
0x15a: {  	v14 =	vmul.f32 v14, v4;
	v20 =	vmul.f32 v9, v4;
	v4 =	vmov v12;
	[tilespmem:s8+$0xFFFFFF00] =	vst v13;
	v13 =	vld [tilespmem:s9+$0xFFFFFFD0]  }
0x15b: {  	v10 =	vmul.f32 v10, v3;
	v9 =	vmul.f32 v16, v3;
	v3 =	vmov v11;
	[tilespmem:s8+$0xFFFFFF10] =	vst v8  }
0x15c: {  	v8 =	vmul.f32 v19, v2;
	v12 =	vld [tilespmem:s9+$0xFFFFFF90];
	v11 =	vunpack.i.l.bf16.f32 v18;
	[tilespmem:s8+$0x80] =	vst v7;
	v7 =	vmul.f32 v17, v2;
	v2 =	vmovc v6  }
0x15d: {  	s20 =	sadd.s32 $0x3, s25;
	v6 =	vunpack.i.u.bf16.f32 v18;
	v11 =	vmul.f32 v11, v5;
	[tilespmem:s8+$0x90] =	vst v15  }
0x15e: {  	v16 =	vmov s20;
	v15 =	vmov s25;
	v6 =	vmul.f32 v6, v5;
	v17 =	vld [tilespmem:s9+$0x50];
	[tilespmem:s31+$0xFFFFFFE0] =	vst v14  }
0x15f: {  	s20 =	sadd.s32 $0x1, s25;
	v14 =	vand.u32 $0xFFFFFFFC, v15;
	v15 =	vunpack.i.u.bf16.f32 v13;
	v13 =	vunpack.i.l.bf16.f32 v13;
	[tilespmem:s8+$0x20] =	vst v11  }
0x160: {  	v18 =	vmov s20;
	v13 =	vmul.f32 v13, v4;
	v15 =	vmul.f32 v15, v4;
	[tilespmem:s8+$0x30] =	vst v6  }
0x161: {  	v11 =	vbroadcast v14, $0x0;
	v6 =	vunpack.i.u.bf16.f32 v12;
	v12 =	vunpack.i.l.bf16.f32 v12;
	v19 =	vld [tilespmem:s9+$0x20];
	[tilespmem:s31+$0xFFFFFFF0] =	vst v20  }
0x162: {  	v14 =	vand.u32 $0xFFFFFFFD, v18;
	v18 =	vmul.f32 v12, v3;
	v6 =	vmul.f32 v6, v3;
	[tilespmem:s8+$0xFFFFFFA0] =	vst v13  }
.Ltmp13:
0x163: {  	v12 =	vbroadcast v14, $0x0;
	[tilespmem:s8+$0xFFFFFFB0] =	vst v15;
	v13 =	vunpack.i.u.bf16.f32 v17;
	v14 =	vunpack.i.l.bf16.f32 v17;
	(pc) =	sbr.rel @p1 .LBB2_19-.Ltmp13, $4  }
0x164: {  	s20 =	sadd.s32 $0x2, s25;
	[tilespmem:s8+$0xFFFFFF20] =	vst v18;
	v15 =	vld [tilespmem:s9+$0xFFFFFFE0];
	v17 =	vmul.f32 v14, v2;
	v18 =	vmul.f32 v13, v2  }
0x165: {  	v13 =	vmov s20;
	[tilespmem:s8+$0xFFFFFF30] =	vst v6  }
0x166: {  	v6 =	vand.u32 $0xFFFFFFFE, v13;
	v14 =	vld [tilespmem:s9+$0xFFFFFFA0];
	v20 =	vunpack.i.l.bf16.f32 v19;
	[tilespmem:s8+$0xA0] =	vst v17  }
0x167: {  	s25 =	sadd.s32 $0x4, s25;
	v13 =	vbroadcast v6, $0x0;
	v17 =	vunpack.i.u.bf16.f32 v19;
	v6 =	vld.idx.msk [tilespmem:v16+s0+$0x0], $0xffff;
	v16 =	vmul.f32 v20, v5;
	[tilespmem:s8+$0xB0] =	vst v18  }
0x168: {  	_ =	sdelay $0x1  }
0x169: {  	[tilespmem:s31+$0xFFFFFF60] =	vst v10  }
0x16a: {  	v18 =	vld [tilespmem:s9+$0x60];
	[tilespmem:s31+$0xFFFFFF70] =	vst v9  }
0x16b: {  	v12 =	vld.idx.msk [tilespmem:v12+s0+$0x0], $0xffff;
	[tilespmem:s31+$0xE0] =	vst v8  }
0x16c: {  	v17 =	vmul.f32 v17, v5;
	s20 =	sadd.s32 $0x100, s9;
	v8 =	vld.idx.msk [tilespmem:v11+s0+$0x0], $0xffff;
	[tilespmem:s31+$0xF0] =	vst v7;
	v43 =	vunpack.i.l.bf16.f32 v15  }
0x16d: {  	[tilespmem:s8+$0x40] =	vst v16;
	v44 =	vunpack.i.u.bf16.f32 v15;
	v48 =	vld [tilespmem:s20+$0x0];
	v10 =	vmul.f32 v43, v4  }
0x16e: {  	v13 =	vld.idx.msk [tilespmem:v13+s0+$0x0], $0xffff;
	[tilespmem:s8+$0x50] =	vst v17;
	v15 =	vmul.f32 v44, v4;
	v45 =	vunpack.i.l.bf16.f32 v14  }
0x16f: {  	v53 =	vld [tilespmem:s20+$0xFFFFFFC0];
	v46 =	vunpack.i.u.bf16.f32 v14;
	v47 =	vmul.f32 v45, v3;
	[tilespmem:s8+$0xFFFFFFC0] =	vst v10  }
0x170: {  	v56 =	vld [tilespmem:s20+$0xFFFFFF80];
	v9 =	vmul.f32 v46, v3;
	[tilespmem:s8+$0xFFFFFFD0] =	vst v15;
	v49 =	vunpack.i.l.bf16.f32 v18  }
0x171: {  	v17 =	vld [tilespmem:s7+$0x30];
	v50 =	vunpack.i.u.bf16.f32 v18;
	[tilespmem:s8+$0xFFFFFF40] =	vst v47;
	v51 =	vmul.f32 v49, v2  }
0x172: {  	v52 =	vmul.f32 v50, v2;
	[tilespmem:s8+$0xFFFFFF50] =	vst v9;
	v58 =	vunpack.i.l.bf16.f32 v48  }
0x173: {  	v10 =	vunpack.i.u.bf16.f32 v48;
	v59 =	vmul.f32 v58, v13;
	[tilespmem:s8+$0xC0] =	vst v51  }
0x174: {  	s25 =	sadd.s32 $0x200, s8;
	v60 =	vld [tilespmem:s20+$0x40];
	v9 =	vunpack.i.u.bf16.f32 v53;
	v10 =	vmul.f32 v10, v13;
	[tilespmem:s8+$0xD0] =	vst v52  }
0x175: {  	v21 =	vunpack.i.u.bf16.f32 v56;
	v9 =	vmul.f32 v9, v12;
	[tilespmem:s25+$0x0] =	vst v59  }
0x176: {  	v7 =	vmul.f32 v21, v8;
	v54 =	vunpack.i.u.bf16.f32 v17;
	[tilespmem:s25+$0x10] =	vst v10  }
0x177: {  	v62 =	vld [tilespmem:s7+$0xFFFFFFF0];
	v61 =	vunpack.i.l.bf16.f32 v53;
	v55 =	vunpack.i.l.bf16.f32 v17;
	v16 =	vmul.f32 v54, v5;
	[tilespmem:s25+$0xFFFFFF90] =	vst v9  }
0x178: {  	v63 =	vunpack.i.l.bf16.f32 v56;
	v57 =	vmul.f32 v55, v5;
	v5 =	vmul.f32 v61, v12;
	[tilespmem:s25+$0xFFFFFF10] =	vst v7  }
0x179: {  	v23 =	vunpack.i.u.bf16.f32 v60;
	v10 =	vmul.f32 v63, v8;
	v20 =	vld [tilespmem:s20+$0x10];
	[tilespmem:s8+$0x70] =	vst v16  }
0x17a: {  	v9 =	vmul.f32 v23, v6;
	[tilespmem:s25+$0xFFFFFF80] =	vst v5  }
0x17b: {  	v22 =	vunpack.i.l.bf16.f32 v60;
	[tilespmem:s25+$0xFFFFFF00] =	vst v10;
	v24 =	vld [tilespmem:s20+$0xFFFFFFD0]  }
0x17c: {  	v25 =	vunpack.i.l.bf16.f32 v62;
	v5 =	vmul.f32 v22, v6;
	[tilespmem:s25+$0x90] =	vst v9  }
0x17d: {  	v30 =	vunpack.i.u.bf16.f32 v62;
	v26 =	vmul.f32 v25, v4;
	[tilespmem:s10+$0x60] =	vst v57;
	v27 =	vld [tilespmem:s20+$0xFFFFFF90]  }
0x17e: {  	v32 =	vmul.f32 v30, v4;
	[tilespmem:s25+$0x80] =	vst v5;
	v28 =	vunpack.i.l.bf16.f32 v20  }
0x17f: {  	[tilespmem:s10+$0xFFFFFFE0] =	vst v26;
	v31 =	vld [tilespmem:s20+$0x50];
	v29 =	vunpack.i.u.bf16.f32 v20;
	v15 =	vmul.f32 v28, v13  }
0x180: {  	[tilespmem:s10+$0xFFFFFFF0] =	vst v32;
	v5 =	vmul.f32 v29, v13;
	v33 =	vunpack.i.l.bf16.f32 v24  }
0x181: {  	v34 =	vld [tilespmem:s7+$0xFFFFFFB0];
	v10 =	vunpack.i.u.bf16.f32 v24;
	[tilespmem:s25+$0x20] =	vst v15;
	v7 =	vmul.f32 v33, v12  }
0x182: {  	v36 =	vunpack.i.l.bf16.f32 v27;
	[tilespmem:s25+$0x30] =	vst v5;
	v35 =	vmul.f32 v10, v12  }
0x183: {  	v37 =	vunpack.i.u.bf16.f32 v27;
	v10 =	vmul.f32 v36, v8;
	v15 =	vld [tilespmem:s20+$0x20];
	[tilespmem:s25+$0xFFFFFFA0] =	vst v7  }
0x184: {  	v4 =	vmul.f32 v37, v8;
	v38 =	vunpack.i.l.bf16.f32 v31;
	[tilespmem:s25+$0xFFFFFFB0] =	vst v35  }
0x185: {  	v39 =	vunpack.i.u.bf16.f32 v31;
	[tilespmem:s25+$0xFFFFFF20] =	vst v10;
	v5 =	vmul.f32 v38, v6;
	v40 =	vld [tilespmem:s20+$0xFFFFFFE0]  }
0x186: {  	v41 =	vunpack.i.l.bf16.f32 v34;
	v7 =	vmul.f32 v39, v6;
	[tilespmem:s25+$0xFFFFFF30] =	vst v4  }
0x187: {  	v46 =	vunpack.i.u.bf16.f32 v34;
	v42 =	vmul.f32 v41, v3;
	v43 =	vld [tilespmem:s20+$0xFFFFFFA0];
	[tilespmem:s25+$0xA0] =	vst v5  }
0x188: {  	v3 =	vmul.f32 v46, v3;
	[tilespmem:s25+$0xB0] =	vst v7;
	v44 =	vunpack.i.l.bf16.f32 v15  }
0x189: {  	[tilespmem:s10+$0xFFFFFF60] =	vst v42;
	v47 =	vld [tilespmem:s20+$0x60];
	v45 =	vunpack.i.u.bf16.f32 v15;
	v14 =	vmul.f32 v44, v13  }
0x18a: {  	[tilespmem:s10+$0xFFFFFF70] =	vst v3;
	v5 =	vmul.f32 v45, v13;
	v48 =	vunpack.i.l.bf16.f32 v40  }
0x18b: {  	v49 =	vld [tilespmem:s7+$0x70];
	v10 =	vunpack.i.u.bf16.f32 v40;
	[tilespmem:s25+$0x40] =	vst v14;
	v4 =	vmul.f32 v48, v12  }
0x18c: {  	v51 =	vunpack.i.l.bf16.f32 v43;
	[tilespmem:s25+$0x50] =	vst v5;
	v50 =	vmul.f32 v10, v12  }
0x18d: {  	v3 =	vunpack.i.u.bf16.f32 v43;
	v10 =	vmul.f32 v51, v8;
	v14 =	vld [tilespmem:s20+$0x30];
	[tilespmem:s25+$0xFFFFFFC0] =	vst v4  }
0x18e: {  	v3 =	vmul.f32 v3, v8;
	v52 =	vunpack.i.l.bf16.f32 v47;
	[tilespmem:s25+$0xFFFFFFD0] =	vst v50  }
0x18f: {  	v53 =	vunpack.i.u.bf16.f32 v47;
	[tilespmem:s25+$0xFFFFFF40] =	vst v10;
	v4 =	vmul.f32 v52, v6;
	v54 =	vld [tilespmem:s20+$0xFFFFFFF0]  }
0x190: {  	v55 =	vunpack.i.l.bf16.f32 v49;
	v5 =	vmul.f32 v53, v6;
	[tilespmem:s25+$0xFFFFFF50] =	vst v3  }
0x191: {  	v59 =	vunpack.i.u.bf16.f32 v49;
	v3 =	vmul.f32 v55, v2;
	v57 =	vld [tilespmem:s20+$0xFFFFFFB0];
	[tilespmem:s25+$0xC0] =	vst v4  }
0x192: {  	v2 =	vmul.f32 v59, v2;
	[tilespmem:s25+$0xD0] =	vst v5;
	v56 =	vunpack.i.u.bf16.f32 v14  }
0x193: {  	[tilespmem:s10+$0xE0] =	vst v3;
	v3 =	vld [tilespmem:s20+$0x70];
	v58 =	vunpack.i.l.bf16.f32 v14;
	v10 =	vmul.f32 v56, v13  }
0x194: {  	[tilespmem:s10+$0xF0] =	vst v2;
	v60 =	vmul.f32 v58, v13;
	v61 =	vunpack.i.l.bf16.f32 v54  }
0x195: {  	v62 =	vunpack.i.u.bf16.f32 v54;
	[tilespmem:s25+$0x70] =	vst v10;
	v5 =	vmul.f32 v61, v12  }
0x196: {  	v2 =	vunpack.i.l.bf16.f32 v57;
	[tilespmem:s25+$0x60] =	vst v60;
	v7 =	vmul.f32 v62, v12  }
0x197: {  	v4 =	vunpack.i.u.bf16.f32 v57;
	v2 =	vmul.f32 v2, v8;
	[tilespmem:s25+$0xFFFFFFE0] =	vst v5  }
0x198: {  	v4 =	vmul.f32 v4, v8;
	v63 =	vunpack.i.l.bf16.f32 v3;
	[tilespmem:s25+$0xFFFFFFF0] =	vst v7  }
0x199: {  	v3 =	vunpack.i.u.bf16.f32 v3;
	v5 =	vmul.f32 v63, v6;
	[tilespmem:s25+$0xFFFFFF60] =	vst v2  }
0x19a: {  	v2 =	vmul.f32 v3, v6;
	[tilespmem:s25+$0xFFFFFF70] =	vst v4  }
0x19b: {  	p1 =	seq.s32 s30, $0x1;
	[tilespmem:s25+$0xE0] =	vst v5  }
0x19c: {  	s0 =	sadd.s32 $0x14A80, s29;
	s7 =	simm.s32 @p1 $0x40;
	s8 =	simm.s32 @p1 $0x1B480;
	[tilespmem:s25+$0xF0] =	vst v2  }
0x19d: {  	[spmem:s2] =	stream.indirect.scatter.add.f32 @p1 [tilespmem:s8], [sflag:$0x6], $0x80, s0, s7, $0xb8;
	[tilespmem:$0x1D510] =	vst v63  }
0x19e: {  	s8 =	simm.s32 @p1 $0x1D4C0  }
0x19f: {  	[spmem:s3] =	stream.indirect.scatter.add.f32 @p1 [tilespmem:s8], [sflag:$0x6], $0x1, s0, s7, $0xb8;
	[tilespmem:$0x1D510] =	vst v63  }
0x1a0: {  	s7 =	simm.s32 @!p1 $0x40;
	s8 =	simm.s32 @!p1 $0x19480  }
0x1a1: {  	[spmem:s2] =	stream.indirect.scatter.add.f32 @!p1 [tilespmem:s8], [sflag:$0x5], $0x80, s0, s7, $0xb8;
	[tilespmem:$0x1D510] =	vst v63  }
0x1a2: {  	s8 =	simm.s32 @!p1 $0x1D480  }
0x1a3: {  	[spmem:s3] =	stream.indirect.scatter.add.f32 @!p1 [tilespmem:s8], [sflag:$0x5], $0x1, s0, s7, $0xb8;
	[tilespmem:$0x1D510] =	vst v63  }
0x1a4: {  	p1 =	seq.s32 s26, $0x13F  }
0x1a5: {  	p2 =	sne.s32 @!p1 s14, $0x1F  }
0x1a6: {  	p1 =	por p2, p1  }
0x1a7: {  	s0 =	simm.s32 @!p1 $0x5  }
0x1a8: {  	_ =	swait.ge @!p1 [sflag:s0], $0x2000  }
0x1a9: {  	[sflag:s0] =	ssyncset.done @!p1 $0x0  }
0x1aa: {  	[sflag:s0] =	ssyncadd.s32 @!p1 $0xFFFFE000  }
0x1ab: {  	_ =	swait.ge @!p1 [sflag:s0], $0x40  }
0x1ac: {  	[sflag:s0] =	ssyncset.done @!p1 $0x0  }
0x1ad: {  	[sflag:s0] =	ssyncadd.s32 @!p1 $0xFFFFFFC0;
	s0 =	simm.s32 @!p1 $0x6  }
0x1ae: {  	_ =	swait.ge @!p1 [sflag:s0], $0x2000  }
0x1af: {  	[sflag:s0] =	ssyncset.done @!p1 $0x0  }
0x1b0: {  	[sflag:s0] =	ssyncadd.s32 @!p1 $0xFFFFE000  }
0x1b1: {  	s7 =	sshll.u32 @!p1 s1, $0x6;
	_ =	swait.ge @!p1 [sflag:s0], $0x40  }
0x1b2: {  	s7 =	sadd.s32 @!p1 s28, s7;
	[sflag:s0] =	ssyncset.done @!p1 $0x0  }
0x1b3: {  	[sflag:s0] =	ssyncadd.s32 @!p1 $0xFFFFFFC0;
	s0 =	sshrl.u32 @!p1 s7, $0x3  }
0x1b4: {  	s8 =	simm.s32 @!p1 $0x0;
	s9 =	simm.s32 @!p1 $0x14280;
	s7 =	sadd.s32 @!p1 s5, s0  }
0x1b5: {  	[tilespmem:s9], [sflag:$0x7] =	stream.linear.gather @!p1 [hbm4b:s7+s8], $0x800, $0x38;
	[tilespmem:$0x1D510] =	vst v63  }
0x1b6: {  	s7 =	simm.s32 @!p1 $0x7  }
0x1b7: {  	_ =	swait.ge @!p1 [sflag:s7], $0x800  }
0x1b8: {  	[sflag:s7] =	ssyncset.done @!p1 $0x0  }
0x1b9: {  	s10 =	simm.s32 @!p1 $0x14A80;
	s0 =	sadd.s32 @!p1 s6, s0;
	[sflag:s7] =	ssyncadd.s32 @!p1 $0xFFFFF800  }
0x1ba: {  	[tilespmem:s10], [sflag:$0x7] =	stream.linear.gather @!p1 [hbm4b:s0+s8], $0x800, $0x38;
	[tilespmem:$0x1D510] =	vst v63  }
0x1bb: {  	_ =	swait.ge @!p1 [sflag:s7], $0x800  }
0x1bc: {  	[sflag:s7] =	ssyncset.done @!p1 $0x0  }
0x1bd: {  	s0 =	simm.s32 @!p1 $0x40;
	[sflag:s7] =	ssyncadd.s32 @!p1 $0xFFFFF800;
	s7 =	simm.s32 @!p1 $0x15280  }
0x1be: {  	[tilespmem:s7], [sflag:$0x1] =	stream.indirect.gather @!p1 [hbm4b:s17+s0], $0x40, s9, s0, $0xb8;
	[tilespmem:$0x1D510] =	vst v63  }
0x1bf: {  	s8 =	simm.s32 @!p1 $0x16280;
	s7 =	simm.s32 @!p1 $0x142C0  }
0x1c0: {  	[tilespmem:s8], [sflag:$0x2] =	stream.indirect.gather @!p1 [hbm4b:s17+s0], $0x40, s7, s0, $0xb8;
	[tilespmem:$0x1D510] =	vst v63  }
0x1c1: {  	s7 =	simm.s32 @!p1 $0x14300;
	s8 =	simm.s32 @!p1 $0x17280  }
0x1c2: {  	[tilespmem:s8], [sflag:$0x3] =	stream.indirect.gather @!p1 [hbm4b:s17+s0], $0x40, s7, s0, $0xb8;
	[tilespmem:$0x1D510] =	vst v63  }
0x1c3: {  	p1 =	sne.s32 s1, $0x140  }
.Ltmp14:
0x1c4: {  	_ = 	snop;
	(pc) =	sbr.rel @p1 .LBB2_4-.Ltmp14, $2  }
0x1c5: {  	_ =	sdelay $0x2  }
0x1c6: {  	p0 =	por !p0, !p0;
	s24 =	sadd.s32 $0x1, s24;
	s26 =	smov.u32 s1  }
0x1c7: {  	_ =	swait.ge [sflag:s21], $0x2000  }
0x1c8: {  	[sflag:s21] =	ssyncset.done $0x0  }
0x1c9: {  	[sflag:s21] =	ssyncadd.s32 $0xFFFFE000  }
0x1ca: {  	_ =	swait.ge [sflag:s21], $0x40  }
0x1cb: {  	[sflag:s21] =	ssyncset.done $0x0  }
0x1cc: {  	[sflag:s21] =	ssyncadd.s32 $0xFFFFFFC0  }
0x1cd: {  	_ =	swait.ge [sflag:s22], $0x2000  }
0x1ce: {  	[sflag:s22] =	ssyncset.done $0x0  }
0x1cf: {  	[sflag:s22] =	ssyncadd.s32 $0xFFFFE000  }
0x1d0: {  	_ =	swait.ge [sflag:s22], $0x40  }
0x1d1: {  	[sflag:s22] =	ssyncset.done $0x0  }
0x1d2: {  	[sflag:s22] =	ssyncadd.s32 $0xFFFFFFC0  }
0x1d3: {  	s0 =	stileid.u32;
	[bflag:$0x0] =	sbarrier.arrive $0xFFFF  }
0x1d4: {  	s0 =	sshll.u32 s0, $0x6;
	s20 =	rddreg [dreg:$0x5]  }
0x1d5: {  	s0 =	sor.u32 $0x1C07, s0;
	s7 =	rddreg [dreg:$0x1c];
	s1 =	sshrl.u32 s20, $0x3  }
0x1d6: {  	[hbm:s7], [sflag:s0] =	dma.local [spmem:s1], $0x2800  }
0x1d7: {  	_ =	swait.ge [sflag:s12], $0x2800  }
0x1d8: {  	[sflag:s12] =	ssyncset.done $0x0;
	s14 =	rddreg [dreg:$0x15]  }
0x1d9: {  	s30 =	rddreg [dreg:$0x1d];
	[sflag:s12] =	ssyncadd.s32 $0xFFFFD800;
	s29 =	sshrl.u32 s14, $0x3  }
0x1da: {  	[hbm:s30], [sflag:s0] =	dma.local [spmem:s29], $0x50  }
0x1db: {  	_ =	swait.ge [sflag:s12], $0x50  }
0x1dc: {  	s4 =	sadd.s32 $0x1, s4;
	s31 =	rddreg [dreg:$0x1e]  }
0x1dd: {  	p0 =	sne.s32 s4, s31  }
.Ltmp15:
0x1de: {  	_ = 	snop;
	(pc) =	sbr.rel @p0 .LBB2_1-.Ltmp15, $3  }
0x1df: {  	_ =	sdelay $0x1  }
0x1e0: {  	[sflag:s12] =	ssyncset.done $0x0  }
0x1e1: {  	[sflag:s12] =	ssyncadd.s32 $0xFFFFFFB0  }
0x1e2: {  	_ =	sfence.sel $0x180000  }
0x1e3: {  	[bflag:$0x0] =	sbarrier.arrive $0xFFFF  }
0x1e4: {  	_ =	strace $0x90000047  }
0x1e5: {  	s0 =	stileid.u32;
	[bflag:$0x2] =	sbarrier.arrive $0xFFFF  }
0x1e6: {  	p0 =	sne.s32 s0, $0x0;
	s0 =	rddreg [dreg:$0x4]  }
0x1e7: {  	s0 =	sadd.s32 @!p0 $0x100000, s0  }
0x1e8: {  	[sflag:s0] =	ssyncadd.tile.s32 @!p0 $0x1;
	_ =	shalt  }
.Lfunc_end2:
_tile_overlayer_lowered:
.L_overlay_start_2:
0x1e9: {  	(tag) =	ssettag $0x2  }
0x1ea: {  	s0 =	rddreg [dreg:$0x0];
	s2 =	stileid.u32  }
0x1eb: {  	s1 =	rddreg [dreg:$0x1];
	p0 =	sne.s32 s2, $0x0  }
0x1ec: {  	s3 =	rddreg [dreg:$0x2];
	[bflag:$0x3] =	sbarrier.arrive $0xFFFF;
	s2 =	simm.s32 @!p0 $0x1C07  }
0x1ed: {  	[timem:s3], [sflag:s2] =	dma.local @!p0 [hbm:s0], s1  }
0x1ee: {  	s0 =	simm.s32 @!p0 $0x7  }
0x1ef: {  	_ =	swait.ge @!p0 [sflag:s0], s1  }
0x1f0: {  	s1 =	ssub.s32 @!p0 $0x0, s1;
	[sflag:s0] =	ssyncset.done @!p0 $0x0  }
0x1f1: {  	[sflag:s0] =	ssyncadd.s32 @!p0 s1  }
0x1f2: {  	[bflag:$0x3] =	sbarrier.arrive $0xFFFF  }
0x1f3: {  	_ =	shalt  }

</sc_bundles>
